<compile_context>
chip_gen: v7x
topology: tpu7x:2x2x1
jax: 0.10.2.dev20260603
libtpu: 0.0.44.dev20260713+nightly
codegen_flags: <defaults>
</compile_context>

<pallas_src>
import functools

import jax
import jax.numpy as jnp
from jax import lax
from jax.experimental import pallas as pl
from jax.experimental.pallas import tpu as pltpu
from jax.experimental.pallas import tpu_sc as plsc

N_NODES = 10000
N_PAD = 10240
D = 128
DH = D // 2
NC = 2
NS = 16
CH = 128
ROWS_PER_TILE = N_PAD // NS
WB = 128
DEG_W = 16


def _sc_agg_body(args, *, n_chunks, compute_deg):
    if compute_deg:
        (xlo_hbm, xhi_hbm, src3_hbm, dst3_hbm,
         agglo_hbm, agghi_hbm, deg0_hbm, deg1_hbm,
         src3_v, dst3_v, rows0, rows1, ones_v, wb_v, zd_v, dumi_v,
         agg_sh, deg_sh, sem_g0, sem_g1, sem_s0, sem_s1, sem_d) = args
    else:
        (xlo_hbm, xhi_hbm, src3_hbm, dst3_hbm,
         agglo_hbm, agghi_hbm,
         src3_v, dst3_v, rows0, rows1, wb_v,
         agg_sh, sem_g0, sem_g1, sem_s0, sem_s1) = args

    c = lax.axis_index("c")
    s = lax.axis_index("s")
    r0 = s * ROWS_PER_TILE

    zeros16 = jnp.zeros((16,), jnp.float32)
    ones16 = jnp.ones((16,), jnp.float32)

    def _fill_wb(i, carry):
        for j in range(DH // 16):
            wb_v[i, pl.ds(j * 16, 16)] = zeros16
        return carry
    lax.fori_loop(0, WB, _fill_wb, 0)

    if compute_deg:
        def _fill_zd(i, carry):
            zd_v[i, pl.ds(0, 16)] = zeros16
            return carry
        lax.fori_loop(0, ROWS_PER_TILE, _fill_zd, 0)

        def _fill_ones(i, carry):
            ones_v[i, pl.ds(0, 16)] = ones16
            return carry
        lax.fori_loop(0, CH, _fill_ones, 0)

        pad16 = jnp.full((16,), N_NODES, jnp.int32)

        def _fill_dumi(i, carry):
            dumi_v[pl.ds(i * 16, 16)] = pad16
            return carry
        lax.fori_loop(0, CH // 16, _fill_dumi, 0)

    for k in range(ROWS_PER_TILE // WB):
        pltpu.sync_copy(wb_v, agg_sh.at[pl.ds(r0 + k * WB, WB)])
    if compute_deg:
        pltpu.sync_copy(zd_v, deg_sh.at[pl.ds(r0, ROWS_PER_TILE)])

    pltpu.sync_copy(src3_hbm.at[s], src3_v)
    pltpu.sync_copy(dst3_hbm.at[s], dst3_v)
    plsc.subcore_barrier()

    def _pipeline(x_ref, deg_on_even):
        def _gather(t, rows, sem):
            pltpu.async_copy(x_ref.at[src3_v.at[t]], rows, sem)

        def _gather_wait(t, rows, sem):
            pltpu.make_async_copy(
                x_ref.at[src3_v.at[t]], rows, sem).wait()

        def _scatter(t, rows, sem):
            pltpu.async_copy(rows, agg_sh.at[dst3_v.at[t]], sem, add=True)

        def _scatter_wait(t, rows, sem):
            pltpu.make_async_copy(
                rows, agg_sh.at[dst3_v.at[t]], sem).wait()

        def _deg(t):
            pltpu.make_async_copy(
                ones_v, deg_sh.at[dst3_v.at[0]], sem_d).wait()
            pltpu.async_copy(ones_v, deg_sh.at[dst3_v.at[t]], sem_d,
                             add=True)

        if compute_deg:
            pltpu.async_copy(ones_v, deg_sh.at[dumi_v], sem_d, add=True)
        _gather(0, rows0, sem_g0)
        _gather(1, rows1, sem_g1)

        def _pair(p, carry):
            t0 = 2 * p
            t1 = t0 + 1
            _gather_wait(t0, rows0, sem_g0)
            _scatter(t0, rows0, sem_s0)
            if compute_deg and deg_on_even:
                _deg(t0)
            _gather_wait(t1, rows1, sem_g1)
            _scatter(t1, rows1, sem_s1)
            if compute_deg and not deg_on_even:
                _deg(t1)
            _scatter_wait(t0, rows0, sem_s0)
            _gather(t0 + 2, rows0, sem_g0)
            _scatter_wait(t1, rows1, sem_s1)
            _gather(t1 + 2, rows1, sem_g1)
            return carry
        lax.fori_loop(0, n_chunks // 2 - 1, _pair, 0)

        t0 = n_chunks - 2
        t1 = n_chunks - 1
        _gather_wait(t0, rows0, sem_g0)
        _scatter(t0, rows0, sem_s0)
        if compute_deg and deg_on_even:
            _deg(t0)
        _gather_wait(t1, rows1, sem_g1)
        _scatter(t1, rows1, sem_s1)
        if compute_deg and not deg_on_even:
            _deg(t1)
        _scatter_wait(t0, rows0, sem_s0)
        _scatter_wait(t1, rows1, sem_s1)
        if compute_deg:
            pltpu.make_async_copy(
                ones_v, deg_sh.at[dst3_v.at[0]], sem_d).wait()

    @pl.when(c == 0)
    def _():
        _pipeline(xlo_hbm, True)

    @pl.when(c == 1)
    def _():
        _pipeline(xhi_hbm, False)

    plsc.subcore_barrier()

    def _writeback(agg_out, deg_out):
        for k in range(ROWS_PER_TILE // WB):
            pltpu.sync_copy(agg_sh.at[pl.ds(r0 + k * WB, WB)], wb_v)
            pltpu.sync_copy(wb_v, agg_out.at[pl.ds(r0 + k * WB, WB)])
        if compute_deg:
            pltpu.sync_copy(deg_sh.at[pl.ds(r0, ROWS_PER_TILE)], zd_v)
            pltpu.sync_copy(zd_v, deg_out.at[pl.ds(r0, ROWS_PER_TILE)])

    @pl.when(c == 0)
    def _():
        _writeback(agglo_hbm, deg0_hbm if compute_deg else None)

    @pl.when(c == 1)
    def _():
        _writeback(agghi_hbm, deg1_hbm if compute_deg else None)


@functools.lru_cache(maxsize=None)
def _make_sc_agg(n_chunks, compute_deg):
    mesh = plsc.VectorSubcoreMesh(core_axis_name="c", subcore_axis_name="s")

    def body(*args):
        _sc_agg_body(args, n_chunks=n_chunks, compute_deg=compute_deg)

    out_type = [
        jax.ShapeDtypeStruct((N_PAD, DH), jnp.float32),
        jax.ShapeDtypeStruct((N_PAD, DH), jnp.float32),
    ]
    scratch = [
        pltpu.VMEM((n_chunks, CH), jnp.int32),
        pltpu.VMEM((n_chunks, CH), jnp.int32),
        pltpu.VMEM((CH, DH), jnp.float32),
        pltpu.VMEM((CH, DH), jnp.float32),
    ]
    if compute_deg:
        out_type += [
            jax.ShapeDtypeStruct((N_PAD, DEG_W), jnp.float32),
            jax.ShapeDtypeStruct((N_PAD, DEG_W), jnp.float32),
        ]
        scratch.append(pltpu.VMEM((CH, DEG_W), jnp.float32))
    scratch.append(pltpu.VMEM((WB, DH), jnp.float32))
    if compute_deg:
        scratch.append(pltpu.VMEM((ROWS_PER_TILE, DEG_W), jnp.float32))
        scratch.append(pltpu.VMEM((CH,), jnp.int32))
    scratch.append(pltpu.VMEM_SHARED((N_PAD, DH), jnp.float32))
    if compute_deg:
        scratch.append(pltpu.VMEM_SHARED((N_PAD, DEG_W), jnp.float32))
    scratch += [pltpu.SemaphoreType.DMA] * (5 if compute_deg else 4)

    return pl.kernel(
        body,
        out_type=tuple(out_type),
        mesh=mesh,
        scratch_types=scratch,
        compiler_params=pltpu.CompilerParams(use_tc_tiling_on_sc=False),
    )


def _combine_body(agglo, agghi, deg0, deg1, x, wl, b, wr, o):
    a = jnp.concatenate([agglo[...], agghi[...]], axis=1)
    deg = deg0[:, 0] + deg1[:, 0]
    inv = 1.0 / jnp.clip(deg, 1.0, None)
    a = a * inv[:, None]
    y = lax.dot_general(a, wl[...], (((1,), (1,)), ((), ())),
                        preferred_element_type=jnp.float32)
    y = y + lax.dot_general(x[...], wr[...], (((1,), (1,)), ((), ())),
                            preferred_element_type=jnp.float32)
    o[...] = jnp.maximum(y + b[...], 0.0)


def _combine(agglo, agghi, deg0, deg1, x, W_l, b_l, W_r):
    n = x.shape[0]
    r = 1000
    grid = (n // r,)
    return pl.pallas_call(
        _combine_body,
        grid=grid,
        in_specs=[
            pl.BlockSpec((r, DH), lambda i: (i, 0)),
            pl.BlockSpec((r, DH), lambda i: (i, 0)),
            pl.BlockSpec((r, DEG_W), lambda i: (i, 0)),
            pl.BlockSpec((r, DEG_W), lambda i: (i, 0)),
            pl.BlockSpec((r, D), lambda i: (i, 0)),
            pl.BlockSpec((D, D), lambda i: (0, 0)),
            pl.BlockSpec((1, D), lambda i: (0, 0)),
            pl.BlockSpec((D, D), lambda i: (0, 0)),
        ],
        out_specs=pl.BlockSpec((r, D), lambda i: (i, 0)),
        out_shape=jax.ShapeDtypeStruct((n, D), jnp.float32),
    )(agglo, agghi, deg0, deg1, x, W_l, b_l, W_r)


def kernel(x, edge_index, W_l0, b_l0, W_r0, W_l1, b_l1, W_r1):
    src = edge_index[0].astype(jnp.int32)
    dst = edge_index[1].astype(jnp.int32)
    n_edges = src.shape[0]

    n_chunks = -(-n_edges // (NS * CH))
    if n_chunks % 2:
        n_chunks += 1
    e_pad = NS * n_chunks * CH - n_edges
    src3 = jnp.concatenate(
        [src, jnp.zeros((e_pad,), jnp.int32)]).reshape(NS, n_chunks, CH)
    dst3 = jnp.concatenate(
        [dst, jnp.full((e_pad,), N_NODES, jnp.int32)]).reshape(NS, n_chunks, CH)

    sc0 = _make_sc_agg(n_chunks, True)
    sc1 = _make_sc_agg(n_chunks, False)

    agglo, agghi, deg0, deg1 = sc0(x[:, :DH], x[:, DH:], src3, dst3)
    h = _combine(agglo, agghi, deg0, deg1, x, W_l0, b_l0.reshape(1, D), W_r0)
    agglo, agghi = sc1(h[:, :DH], h[:, DH:], src3, dst3)
    return _combine(agglo, agghi, deg0, deg1, h, W_l1, b_l1.reshape(1, D), W_r1)

# --- scband reference (transcript-rebuilt; emitter-appended) ---
"""Pipeline reference for scband-homogeneous-graph-sage-convs-50070728737142 (READ-ONLY COPY).

The authoritative reference and input builder live on the scoring server;
editing this copy changes nothing except your own understanding.
"""

import jax, jax.numpy as jnp
import numpy as np

N_NODES = 10000
N_EDGES = 320000
D_IN = 128
D_H = 128


def setup_inputs(seed: int = 0) -> dict:
    key = jax.random.key(seed)
    k_x, k_e, k0, k1, k2, k3, k4, k5 = jax.random.split(key, 8)
    x = jax.random.normal(k_x, (N_NODES, D_IN), dtype=jnp.float32)
    edge_index = jax.random.randint(k_e, (2, N_EDGES), 0, N_NODES, dtype=jnp.int64)
    s0 = 1.0 / np.sqrt(D_IN)
    s1 = 1.0 / np.sqrt(D_H)
    # Layer 0: SAGEConv(D_IN -> D_H); lin_l (on aggregated neighbors, with bias), lin_r (on self, no bias)
    W_l0 = jax.random.uniform(k0, (D_H, D_IN), dtype=jnp.float32, minval=-s0, maxval=s0)
    b_l0 = jax.random.uniform(k1, (D_H,), dtype=jnp.float32, minval=-s0, maxval=s0)
    W_r0 = jax.random.uniform(k2, (D_H, D_IN), dtype=jnp.float32, minval=-s0, maxval=s0)
    # Layer 1: SAGEConv(D_H -> D_H)
    W_l1 = jax.random.uniform(k3, (D_H, D_H), dtype=jnp.float32, minval=-s1, maxval=s1)
    b_l1 = jax.random.uniform(k4, (D_H,), dtype=jnp.float32, minval=-s1, maxval=s1)
    W_r1 = jax.random.uniform(k5, (D_H, D_H), dtype=jnp.float32, minval=-s1, maxval=s1)
    return {"x": x, "edge_index": edge_index, "W_l0": W_l0, "b_l0": b_l0, "W_r0": W_r0,
            "W_l1": W_l1, "b_l1": b_l1, "W_r1": W_r1}


def _sage_conv(x, src, dst, W_l, b_l, W_r, n_nodes):
    # PyG SAGEConv with mean aggregation:
    # out = lin_l(mean_{j in N(i)} x_j) + lin_r(x_i)
    msg = jnp.take(x, src, axis=0)                                  # gather source features
    agg = jax.ops.segment_sum(msg, dst, num_segments=n_nodes)        # scatter-add by dst
    deg = jax.ops.segment_sum(jnp.ones((src.shape[0],), x.dtype), dst, num_segments=n_nodes)
    agg = agg / jnp.clip(deg, 1.0, None)[:, None]                   # mean (isolated nodes -> 0)
    return agg @ W_l.T + b_l + x @ W_r.T


def reference(x, edge_index, W_l0, b_l0, W_r0, W_l1, b_l1, W_r1):
    src = edge_index[0]
    dst = edge_index[1]
    n = x.shape[0]
    h = _sage_conv(x, src, dst, W_l0, b_l0, W_r0, n)
    h = jax.nn.relu(h)
    h = _sage_conv(h, src, dst, W_l1, b_l1, W_r1, n)
    h = jax.nn.relu(h)
    return h

if __name__ == "__main__":
    import jax
    _d = setup_inputs()
    print(jax.jit(kernel)(*tuple(_d.values())))

</pallas_src>

<mosaic_0001>
#map = affine_map<(d0, d1) -> (0, 0)>
#map1 = affine_map<(d0, d1) -> (0, 0, 0)>
module attributes {stable_mosaic.version = 14 : i64} {
  func.func @body(%arg0: i32, %arg1: i32, %arg2: memref<10000x64xf32, #tpu.memory_space<hbm>>, %arg3: memref<10000x64xf32, #tpu.memory_space<hbm>>, %arg4: memref<16x158x128xi32, #tpu.memory_space<hbm>>, %arg5: memref<16x158x128xi32, #tpu.memory_space<hbm>>, %arg6: memref<10240x64xf32, #tpu.memory_space<hbm>>, %arg7: memref<10240x64xf32, #tpu.memory_space<hbm>>, %arg8: memref<158x128xi32, #tpu.memory_space<vmem>>, %arg9: memref<158x128xi32, #tpu.memory_space<vmem>>, %arg10: memref<128x64xf32, #tpu.memory_space<vmem>>, %arg11: memref<128x64xf32, #tpu.memory_space<vmem>>, %arg12: memref<128x64xf32, #tpu.memory_space<vmem>>, %arg13: memref<10240x64xf32, #tpu.memory_space<vmem_shared>>, %arg14: memref<!tpu.dma_semaphore, #tpu.memory_space<semaphore_mem>>, %arg15: memref<!tpu.dma_semaphore, #tpu.memory_space<semaphore_mem>>, %arg16: memref<!tpu.dma_semaphore, #tpu.memory_space<semaphore_mem>>, %arg17: memref<!tpu.dma_semaphore, #tpu.memory_space<semaphore_mem>>) attributes {dimension_semantics = [#tpu.dimension_semantics<core_parallel>, #tpu.dimension_semantics<subcore_parallel>], iteration_bounds = array<i64: 2, 16>, scalar_prefetch = 0 : i64, scratch_operands = 10 : i64, tpu.core_type = #tpu.core_type<sc_vector_subcore>, window_params = [{transform_indices = #map}, {transform_indices = #map}, {transform_indices = #map1}, {transform_indices = #map1}, {transform_indices = #map}, {transform_indices = #map}]} {
    %mul3A = arith.constant 640 : i32
    %mul3A_0 = arith.muli %arg1, %mul3A : i32
    %broadcast_in_dim3A = arith.constant 0.000000e+00 : f32
    %broadcast_in_dim3A_1 = vector.broadcast %broadcast_in_dim3A : f32 to vector<16xf32>
    %broadcast_in_dim3A_2 = arith.constant 1.000000e+00 : f32
    %broadcast_in_dim3A_3 = vector.broadcast %broadcast_in_dim3A_2 : f32 to vector<16xf32>
    %scan3A = arith.constant 0 : i32
    %scan3A_4 = arith.constant 0 : i32
    %scan3A_5 = arith.constant 128 : i32
    %scan3A_6 = arith.addi %scan3A_4, %scan3A_5 : i32
    %scan3A_7 = arith.constant 1 : i32
    scf.for %scan3A_36 = %scan3A_4 to %scan3A_6 step %scan3A_7  : i32 {
      %swap3A = arith.index_cast %scan3A_36 : i32 to index
      %swap3A_37 = arith.constant 0 : index
      %swap3A_38 = tpu.vector_load %arg12[%swap3A, %swap3A_37] {strides = array<i32>} : memref<128x64xf32, #tpu.memory_space<vmem>>, vector<1x16xf32>,
      %swap3A_39 = vector.shape_cast %swap3A_38 : vector<1x16xf32> to vector<16xf32>
      %swap3A_40 = vector.shape_cast %broadcast_in_dim3A_1 : vector<16xf32> to vector<1x16xf32>
      tpu.vector_store %arg12[%swap3A, %swap3A_37], %swap3A_40 {strides = array<i32>} : memref<128x64xf32, #tpu.memory_space<vmem>>, vector<1x16xf32>,
      %swap3A_41 = arith.index_cast %scan3A_36 : i32 to index
      %swap3A_42 = arith.constant 16 : index
      %swap3A_43 = tpu.vector_load %arg12[%swap3A_41, %swap3A_42] {strides = array<i32>} : memref<128x64xf32, #tpu.memory_space<vmem>>, vector<1x16xf32>,
      %swap3A_44 = vector.shape_cast %swap3A_43 : vector<1x16xf32> to vector<16xf32>
      %swap3A_45 = vector.shape_cast %broadcast_in_dim3A_1 : vector<16xf32> to vector<1x16xf32>
      tpu.vector_store %arg12[%swap3A_41, %swap3A_42], %swap3A_45 {strides = array<i32>} : memref<128x64xf32, #tpu.memory_space<vmem>>, vector<1x16xf32>,
      %swap3A_46 = arith.index_cast %scan3A_36 : i32 to index
      %swap3A_47 = arith.constant 32 : index
      %swap3A_48 = tpu.vector_load %arg12[%swap3A_46, %swap3A_47] {strides = array<i32>} : memref<128x64xf32, #tpu.memory_space<vmem>>, vector<1x16xf32>,
      %swap3A_49 = vector.shape_cast %swap3A_48 : vector<1x16xf32> to vector<16xf32>
      %swap3A_50 = vector.shape_cast %broadcast_in_dim3A_1 : vector<16xf32> to vector<1x16xf32>
      tpu.vector_store %arg12[%swap3A_46, %swap3A_47], %swap3A_50 {strides = array<i32>} : memref<128x64xf32, #tpu.memory_space<vmem>>, vector<1x16xf32>,
      %swap3A_51 = arith.index_cast %scan3A_36 : i32 to index
      %swap3A_52 = arith.constant 48 : index
      %swap3A_53 = tpu.vector_load %arg12[%swap3A_51, %swap3A_52] {strides = array<i32>} : memref<128x64xf32, #tpu.memory_space<vmem>>, vector<1x16xf32>,
      %swap3A_54 = vector.shape_cast %swap3A_53 : vector<1x16xf32> to vector<16xf32>
      %swap3A_55 = vector.shape_cast %broadcast_in_dim3A_1 : vector<16xf32> to vector<1x16xf32>
      tpu.vector_store %arg12[%swap3A_51, %swap3A_52], %swap3A_55 {strides = array<i32>} : memref<128x64xf32, #tpu.memory_space<vmem>>, vector<1x16xf32>,
    }
    %scan3A_8 = arith.constant 128 : i32
    %add3A = arith.constant 0 : i32
    %add3A_9 = arith.addi %mul3A_0, %add3A : i32
    "tpu.region"() ({
      %run_scoped3A = tpu.sem_alloc : memref<!tpu.dma_semaphore, #tpu.memory_space<semaphore_mem>>
      %dma_start3A = arith.constant 0 : i32
      %dma_start3A_36 = tpu.memref_slice %arg13[%add3A_9, %dma_start3A] : memref<10240x64xf32, #tpu.memory_space<vmem_shared>> -> memref<128x64xf32, #tpu.memory_space<vmem_shared>>
      %dma_start3A_37 = arith.constant 0 : i32
      %dma_start3A_38 = tpu.memref_slice %arg13[%add3A_9, %dma_start3A_37] : memref<10240x64xf32, #tpu.memory_space<vmem_shared>> -> memref<128x64xf32, #tpu.memory_space<vmem_shared>>
      tpu.enqueue_dma source(%arg12 : memref<128x64xf32, #tpu.memory_space<vmem>>) target(%dma_start3A_38 : memref<128x64xf32, #tpu.memory_space<vmem_shared>>) target_semaphore(%run_scoped3A : memref<!tpu.dma_semaphore, #tpu.memory_space<semaphore_mem>>)
      %dma_wait3A = arith.constant 0 : i32
      %dma_wait3A_39 = tpu.memref_slice %arg13[%add3A_9, %dma_wait3A] : memref<10240x64xf32, #tpu.memory_space<vmem_shared>> -> memref<128x64xf32, #tpu.memory_space<vmem_shared>>
      %dma_wait3A_40 = arith.constant 0 : i32
      %dma_wait3A_41 = tpu.memref_slice %arg13[%add3A_9, %dma_wait3A_40] : memref<10240x64xf32, #tpu.memory_space<vmem_shared>> -> memref<128x64xf32, #tpu.memory_space<vmem_shared>>
      tpu.wait_dma2 semaphore(%run_scoped3A : memref<!tpu.dma_semaphore, #tpu.memory_space<semaphore_mem>>) src(%arg12 : memref<128x64xf32, #tpu.memory_space<vmem>>) dst(%dma_wait3A_41 : memref<128x64xf32, #tpu.memory_space<vmem_shared>>)
      tpu.yield
    }) : () -> ()
    %add3A_10 = arith.constant 128 : i32
    %add3A_11 = arith.addi %mul3A_0, %add3A_10 : i32
    "tpu.region"() ({
      %run_scoped3A = tpu.sem_alloc : memref<!tpu.dma_semaphore, #tpu.memory_space<semaphore_mem>>
      %dma_start3A = arith.constant 0 : i32
      %dma_start3A_36 = tpu.memref_slice %arg13[%add3A_11, %dma_start3A] : memref<10240x64xf32, #tpu.memory_space<vmem_shared>> -> memref<128x64xf32, #tpu.memory_space<vmem_shared>>
      %dma_start3A_37 = arith.constant 0 : i32
      %dma_start3A_38 = tpu.memref_slice %arg13[%add3A_11, %dma_start3A_37] : memref<10240x64xf32, #tpu.memory_space<vmem_shared>> -> memref<128x64xf32, #tpu.memory_space<vmem_shared>>
      tpu.enqueue_dma source(%arg12 : memref<128x64xf32, #tpu.memory_space<vmem>>) target(%dma_start3A_38 : memref<128x64xf32, #tpu.memory_space<vmem_shared>>) target_semaphore(%run_scoped3A : memref<!tpu.dma_semaphore, #tpu.memory_space<semaphore_mem>>)
      %dma_wait3A = arith.constant 0 : i32
      %dma_wait3A_39 = tpu.memref_slice %arg13[%add3A_11, %dma_wait3A] : memref<10240x64xf32, #tpu.memory_space<vmem_shared>> -> memref<128x64xf32, #tpu.memory_space<vmem_shared>>
      %dma_wait3A_40 = arith.constant 0 : i32
      %dma_wait3A_41 = tpu.memref_slice %arg13[%add3A_11, %dma_wait3A_40] : memref<10240x64xf32, #tpu.memory_space<vmem_shared>> -> memref<128x64xf32, #tpu.memory_space<vmem_shared>>
      tpu.wait_dma2 semaphore(%run_scoped3A : memref<!tpu.dma_semaphore, #tpu.memory_space<semaphore_mem>>) src(%arg12 : memref<128x64xf32, #tpu.memory_space<vmem>>) dst(%dma_wait3A_41 : memref<128x64xf32, #tpu.memory_space<vmem_shared>>)
      tpu.yield
    }) : () -> ()
    %add3A_12 = arith.constant 256 : i32
    %add3A_13 = arith.addi %mul3A_0, %add3A_12 : i32
    "tpu.region"() ({
      %run_scoped3A = tpu.sem_alloc : memref<!tpu.dma_semaphore, #tpu.memory_space<semaphore_mem>>
      %dma_start3A = arith.constant 0 : i32
      %dma_start3A_36 = tpu.memref_slice %arg13[%add3A_13, %dma_start3A] : memref<10240x64xf32, #tpu.memory_space<vmem_shared>> -> memref<128x64xf32, #tpu.memory_space<vmem_shared>>
      %dma_start3A_37 = arith.constant 0 : i32
      %dma_start3A_38 = tpu.memref_slice %arg13[%add3A_13, %dma_start3A_37] : memref<10240x64xf32, #tpu.memory_space<vmem_shared>> -> memref<128x64xf32, #tpu.memory_space<vmem_shared>>
      tpu.enqueue_dma source(%arg12 : memref<128x64xf32, #tpu.memory_space<vmem>>) target(%dma_start3A_38 : memref<128x64xf32, #tpu.memory_space<vmem_shared>>) target_semaphore(%run_scoped3A : memref<!tpu.dma_semaphore, #tpu.memory_space<semaphore_mem>>)
      %dma_wait3A = arith.constant 0 : i32
      %dma_wait3A_39 = tpu.memref_slice %arg13[%add3A_13, %dma_wait3A] : memref<10240x64xf32, #tpu.memory_space<vmem_shared>> -> memref<128x64xf32, #tpu.memory_space<vmem_shared>>
      %dma_wait3A_40 = arith.constant 0 : i32
      %dma_wait3A_41 = tpu.memref_slice %arg13[%add3A_13, %dma_wait3A_40] : memref<10240x64xf32, #tpu.memory_space<vmem_shared>> -> memref<128x64xf32, #tpu.memory_space<vmem_shared>>
      tpu.wait_dma2 semaphore(%run_scoped3A : memref<!tpu.dma_semaphore, #tpu.memory_space<semaphore_mem>>) src(%arg12 : memref<128x64xf32, #tpu.memory_space<vmem>>) dst(%dma_wait3A_41 : memref<128x64xf32, #tpu.memory_space<vmem_shared>>)
      tpu.yield
    }) : () -> ()
    %add3A_14 = arith.constant 384 : i32
    %add3A_15 = arith.addi %mul3A_0, %add3A_14 : i32
    "tpu.region"() ({
      %run_scoped3A = tpu.sem_alloc : memref<!tpu.dma_semaphore, #tpu.memory_space<semaphore_mem>>
      %dma_start3A = arith.constant 0 : i32
      %dma_start3A_36 = tpu.memref_slice %arg13[%add3A_15, %dma_start3A] : memref<10240x64xf32, #tpu.memory_space<vmem_shared>> -> memref<128x64xf32, #tpu.memory_space<vmem_shared>>
      %dma_start3A_37 = arith.constant 0 : i32
      %dma_start3A_38 = tpu.memref_slice %arg13[%add3A_15, %dma_start3A_37] : memref<10240x64xf32, #tpu.memory_space<vmem_shared>> -> memref<128x64xf32, #tpu.memory_space<vmem_shared>>
      tpu.enqueue_dma source(%arg12 : memref<128x64xf32, #tpu.memory_space<vmem>>) target(%dma_start3A_38 : memref<128x64xf32, #tpu.memory_space<vmem_shared>>) target_semaphore(%run_scoped3A : memref<!tpu.dma_semaphore, #tpu.memory_space<semaphore_mem>>)
      %dma_wait3A = arith.constant 0 : i32
      %dma_wait3A_39 = tpu.memref_slice %arg13[%add3A_15, %dma_wait3A] : memref<10240x64xf32, #tpu.memory_space<vmem_shared>> -> memref<128x64xf32, #tpu.memory_space<vmem_shared>>
      %dma_wait3A_40 = arith.constant 0 : i32
      %dma_wait3A_41 = tpu.memref_slice %arg13[%add3A_15, %dma_wait3A_40] : memref<10240x64xf32, #tpu.memory_space<vmem_shared>> -> memref<128x64xf32, #tpu.memory_space<vmem_shared>>
      tpu.wait_dma2 semaphore(%run_scoped3A : memref<!tpu.dma_semaphore, #tpu.memory_space<semaphore_mem>>) src(%arg12 : memref<128x64xf32, #tpu.memory_space<vmem>>) dst(%dma_wait3A_41 : memref<128x64xf32, #tpu.memory_space<vmem_shared>>)
      tpu.yield
    }) : () -> ()
    %add3A_16 = arith.constant 512 : i32
    %add3A_17 = arith.addi %mul3A_0, %add3A_16 : i32
    "tpu.region"() ({
      %run_scoped3A = tpu.sem_alloc : memref<!tpu.dma_semaphore, #tpu.memory_space<semaphore_mem>>
      %dma_start3A = arith.constant 0 : i32
      %dma_start3A_36 = tpu.memref_slice %arg13[%add3A_17, %dma_start3A] : memref<10240x64xf32, #tpu.memory_space<vmem_shared>> -> memref<128x64xf32, #tpu.memory_space<vmem_shared>>
      %dma_start3A_37 = arith.constant 0 : i32
      %dma_start3A_38 = tpu.memref_slice %arg13[%add3A_17, %dma_start3A_37] : memref<10240x64xf32, #tpu.memory_space<vmem_shared>> -> memref<128x64xf32, #tpu.memory_space<vmem_shared>>
      tpu.enqueue_dma source(%arg12 : memref<128x64xf32, #tpu.memory_space<vmem>>) target(%dma_start3A_38 : memref<128x64xf32, #tpu.memory_space<vmem_shared>>) target_semaphore(%run_scoped3A : memref<!tpu.dma_semaphore, #tpu.memory_space<semaphore_mem>>)
      %dma_wait3A = arith.constant 0 : i32
      %dma_wait3A_39 = tpu.memref_slice %arg13[%add3A_17, %dma_wait3A] : memref<10240x64xf32, #tpu.memory_space<vmem_shared>> -> memref<128x64xf32, #tpu.memory_space<vmem_shared>>
      %dma_wait3A_40 = arith.constant 0 : i32
      %dma_wait3A_41 = tpu.memref_slice %arg13[%add3A_17, %dma_wait3A_40] : memref<10240x64xf32, #tpu.memory_space<vmem_shared>> -> memref<128x64xf32, #tpu.memory_space<vmem_shared>>
      tpu.wait_dma2 semaphore(%run_scoped3A : memref<!tpu.dma_semaphore, #tpu.memory_space<semaphore_mem>>) src(%arg12 : memref<128x64xf32, #tpu.memory_space<vmem>>) dst(%dma_wait3A_41 : memref<128x64xf32, #tpu.memory_space<vmem_shared>>)
      tpu.yield
    }) : () -> ()
    "tpu.region"() ({
      %run_scoped3A = tpu.sem_alloc : memref<!tpu.dma_semaphore, #tpu.memory_space<semaphore_mem>>
      %dma_start3A = arith.constant 0 : i32
      %dma_start3A_36 = arith.constant 0 : i32
      %dma_start3A_37 = tpu.memref_slice %arg4[%arg1, %dma_start3A, %dma_start3A_36] : memref<16x158x128xi32, #tpu.memory_space<hbm>> -> memref<1x158x128xi32, #tpu.memory_space<hbm>>
      %dma_start3A_38 = tpu.memref_squeeze %dma_start3A_37 : memref<1x158x128xi32, #tpu.memory_space<hbm>> -> memref<158x128xi32, #tpu.memory_space<hbm>>
      %dma_start3A_39 = arith.constant 0 : i32
      %dma_start3A_40 = arith.constant 0 : i32
      %dma_start3A_41 = tpu.memref_slice %arg4[%arg1, %dma_start3A_39, %dma_start3A_40] : memref<16x158x128xi32, #tpu.memory_space<hbm>> -> memref<1x158x128xi32, #tpu.memory_space<hbm>>
      %dma_start3A_42 = tpu.memref_squeeze %dma_start3A_41 : memref<1x158x128xi32, #tpu.memory_space<hbm>> -> memref<158x128xi32, #tpu.memory_space<hbm>>
      tpu.enqueue_dma source(%dma_start3A_42 : memref<158x128xi32, #tpu.memory_space<hbm>>) target(%arg8 : memref<158x128xi32, #tpu.memory_space<vmem>>) target_semaphore(%run_scoped3A : memref<!tpu.dma_semaphore, #tpu.memory_space<semaphore_mem>>)
      %dma_wait3A = arith.constant 0 : i32
      %dma_wait3A_43 = arith.constant 0 : i32
      %dma_wait3A_44 = tpu.memref_slice %arg4[%arg1, %dma_wait3A, %dma_wait3A_43] : memref<16x158x128xi32, #tpu.memory_space<hbm>> -> memref<1x158x128xi32, #tpu.memory_space<hbm>>
      %dma_wait3A_45 = tpu.memref_squeeze %dma_wait3A_44 : memref<1x158x128xi32, #tpu.memory_space<hbm>> -> memref<158x128xi32, #tpu.memory_space<hbm>>
      %dma_wait3A_46 = arith.constant 0 : i32
      %dma_wait3A_47 = arith.constant 0 : i32
      %dma_wait3A_48 = tpu.memref_slice %arg4[%arg1, %dma_wait3A_46, %dma_wait3A_47] : memref<16x158x128xi32, #tpu.memory_space<hbm>> -> memref<1x158x128xi32, #tpu.memory_space<hbm>>
      %dma_wait3A_49 = tpu.memref_squeeze %dma_wait3A_48 : memref<1x158x128xi32, #tpu.memory_space<hbm>> -> memref<158x128xi32, #tpu.memory_space<hbm>>
      tpu.wait_dma2 semaphore(%run_scoped3A : memref<!tpu.dma_semaphore, #tpu.memory_space<semaphore_mem>>) src(%dma_wait3A_49 : memref<158x128xi32, #tpu.memory_space<hbm>>) dst(%arg8 : memref<158x128xi32, #tpu.memory_space<vmem>>)
      tpu.yield
    }) : () -> ()
    "tpu.region"() ({
      %run_scoped3A = tpu.sem_alloc : memref<!tpu.dma_semaphore, #tpu.memory_space<semaphore_mem>>
      %dma_start3A = arith.constant 0 : i32
      %dma_start3A_36 = arith.constant 0 : i32
      %dma_start3A_37 = tpu.memref_slice %arg5[%arg1, %dma_start3A, %dma_start3A_36] : memref<16x158x128xi32, #tpu.memory_space<hbm>> -> memref<1x158x128xi32, #tpu.memory_space<hbm>>
      %dma_start3A_38 = tpu.memref_squeeze %dma_start3A_37 : memref<1x158x128xi32, #tpu.memory_space<hbm>> -> memref<158x128xi32, #tpu.memory_space<hbm>>
      %dma_start3A_39 = arith.constant 0 : i32
      %dma_start3A_40 = arith.constant 0 : i32
      %dma_start3A_41 = tpu.memref_slice %arg5[%arg1, %dma_start3A_39, %dma_start3A_40] : memref<16x158x128xi32, #tpu.memory_space<hbm>> -> memref<1x158x128xi32, #tpu.memory_space<hbm>>
      %dma_start3A_42 = tpu.memref_squeeze %dma_start3A_41 : memref<1x158x128xi32, #tpu.memory_space<hbm>> -> memref<158x128xi32, #tpu.memory_space<hbm>>
      tpu.enqueue_dma source(%dma_start3A_42 : memref<158x128xi32, #tpu.memory_space<hbm>>) target(%arg9 : memref<158x128xi32, #tpu.memory_space<vmem>>) target_semaphore(%run_scoped3A : memref<!tpu.dma_semaphore, #tpu.memory_space<semaphore_mem>>)
      %dma_wait3A = arith.constant 0 : i32
      %dma_wait3A_43 = arith.constant 0 : i32
      %dma_wait3A_44 = tpu.memref_slice %arg5[%arg1, %dma_wait3A, %dma_wait3A_43] : memref<16x158x128xi32, #tpu.memory_space<hbm>> -> memref<1x158x128xi32, #tpu.memory_space<hbm>>
      %dma_wait3A_45 = tpu.memref_squeeze %dma_wait3A_44 : memref<1x158x128xi32, #tpu.memory_space<hbm>> -> memref<158x128xi32, #tpu.memory_space<hbm>>
      %dma_wait3A_46 = arith.constant 0 : i32
      %dma_wait3A_47 = arith.constant 0 : i32
      %dma_wait3A_48 = tpu.memref_slice %arg5[%arg1, %dma_wait3A_46, %dma_wait3A_47] : memref<16x158x128xi32, #tpu.memory_space<hbm>> -> memref<1x158x128xi32, #tpu.memory_space<hbm>>
      %dma_wait3A_49 = tpu.memref_squeeze %dma_wait3A_48 : memref<1x158x128xi32, #tpu.memory_space<hbm>> -> memref<158x128xi32, #tpu.memory_space<hbm>>
      tpu.wait_dma2 semaphore(%run_scoped3A : memref<!tpu.dma_semaphore, #tpu.memory_space<semaphore_mem>>) src(%dma_wait3A_49 : memref<158x128xi32, #tpu.memory_space<hbm>>) dst(%arg9 : memref<158x128xi32, #tpu.memory_space<vmem>>)
      tpu.yield
    }) : () -> ()
    %barrier3A = arith.constant 0 : index
    tpu.barrier barrier_id(%barrier3A)
    %eq3A = arith.constant 0 : i32
    %eq3A_18 = arith.cmpi eq, %arg0, %eq3A : i32
    %convert_element_type3A = arith.extui %eq3A_18 : i1 to i32
    %cond3A = arith.constant 0 : i32
    %cond3A_19 = arith.cmpi ne, %convert_element_type3A, %cond3A : i32
    scf.if %cond3A_19 {
      %dma_start3A = arith.constant 0 : i32
      %dma_start3A_36 = arith.constant 0 : i32
      %dma_start3A_37 = tpu.memref_slice %arg8[%dma_start3A, %dma_start3A_36] : memref<158x128xi32, #tpu.memory_space<vmem>> -> memref<1x128xi32, #tpu.memory_space<vmem>>
      %dma_start3A_38 = tpu.memref_squeeze %dma_start3A_37 : memref<1x128xi32, #tpu.memory_space<vmem>> -> memref<128xi32, #tpu.memory_space<vmem>>
      %dma_start3A_39 = arith.constant 0 : i32
      %dma_start3A_40 = arith.constant 0 : i32
      %dma_start3A_41 = tpu.memref_slice %arg2[%dma_start3A_39, %dma_start3A_40] : memref<10000x64xf32, #tpu.memory_space<hbm>> -> memref<10000x64xf32, #tpu.memory_space<hbm>>
      tpu.enqueue_indirect_dma source(%dma_start3A_41 : memref<10000x64xf32, #tpu.memory_space<hbm>>) target(%arg10 : memref<128x64xf32, #tpu.memory_space<vmem>>) offsets(%dma_start3A_38 : memref<128xi32, #tpu.memory_space<vmem>>) semaphore(%arg14 : memref<!tpu.dma_semaphore, #tpu.memory_space<semaphore_mem>>)
      %dma_start3A_42 = arith.constant 1 : i32
      %dma_start3A_43 = arith.constant 0 : i32
      %dma_start3A_44 = tpu.memref_slice %arg8[%dma_start3A_42, %dma_start3A_43] : memref<158x128xi32, #tpu.memory_space<vmem>> -> memref<1x128xi32, #tpu.memory_space<vmem>>
      %dma_start3A_45 = tpu.memref_squeeze %dma_start3A_44 : memref<1x128xi32, #tpu.memory_space<vmem>> -> memref<128xi32, #tpu.memory_space<vmem>>
      %dma_start3A_46 = arith.constant 0 : i32
      %dma_start3A_47 = arith.constant 0 : i32
      %dma_start3A_48 = tpu.memref_slice %arg2[%dma_start3A_46, %dma_start3A_47] : memref<10000x64xf32, #tpu.memory_space<hbm>> -> memref<10000x64xf32, #tpu.memory_space<hbm>>
      tpu.enqueue_indirect_dma source(%dma_start3A_48 : memref<10000x64xf32, #tpu.memory_space<hbm>>) target(%arg11 : memref<128x64xf32, #tpu.memory_space<vmem>>) offsets(%dma_start3A_45 : memref<128xi32, #tpu.memory_space<vmem>>) semaphore(%arg15 : memref<!tpu.dma_semaphore, #tpu.memory_space<semaphore_mem>>)
      %scan3A_49 = arith.constant 0 : i32
      %scan3A_50 = arith.constant 0 : i32
      %scan3A_51 = arith.constant 78 : i32
      %scan3A_52 = arith.addi %scan3A_50, %scan3A_51 : i32
      %scan3A_53 = arith.constant 1 : i32
      scf.for %scan3A_96 = %scan3A_50 to %scan3A_52 step %scan3A_53  : i32 {
        %mul3A_97 = arith.constant 2 : i32
        %mul3A_98 = arith.muli %mul3A_97, %scan3A_96 : i32
        %add3A_99 = arith.constant 1 : i32
        %add3A_100 = arith.addi %mul3A_98, %add3A_99 : i32
        %dma_wait3A_101 = arith.constant 0 : i32
        %dma_wait3A_102 = tpu.memref_slice %arg8[%mul3A_98, %dma_wait3A_101] : memref<158x128xi32, #tpu.memory_space<vmem>> -> memref<1x128xi32, #tpu.memory_space<vmem>>
        %dma_wait3A_103 = tpu.memref_squeeze %dma_wait3A_102 : memref<1x128xi32, #tpu.memory_space<vmem>> -> memref<128xi32, #tpu.memory_space<vmem>>
        %dma_wait3A_104 = arith.constant 0 : i32
        %dma_wait3A_105 = arith.constant 0 : i32
        %dma_wait3A_106 = tpu.memref_slice %arg2[%dma_wait3A_104, %dma_wait3A_105] : memref<10000x64xf32, #tpu.memory_space<hbm>> -> memref<10000x64xf32, #tpu.memory_space<hbm>>
        tpu.wait_indirect_dma semaphore(%arg14 : memref<!tpu.dma_semaphore, #tpu.memory_space<semaphore_mem>>) src(%dma_wait3A_106 : memref<10000x64xf32, #tpu.memory_space<hbm>>) dst(%arg10 : memref<128x64xf32, #tpu.memory_space<vmem>>)
        %dma_start3A_107 = arith.constant 0 : i32
        %dma_start3A_108 = tpu.memref_slice %arg9[%mul3A_98, %dma_start3A_107] : memref<158x128xi32, #tpu.memory_space<vmem>> -> memref<1x128xi32, #tpu.memory_space<vmem>>
        %dma_start3A_109 = tpu.memref_squeeze %dma_start3A_108 : memref<1x128xi32, #tpu.memory_space<vmem>> -> memref<128xi32, #tpu.memory_space<vmem>>
        %dma_start3A_110 = arith.constant 0 : i32
        %dma_start3A_111 = arith.constant 0 : i32
        %dma_start3A_112 = tpu.memref_slice %arg13[%dma_start3A_110, %dma_start3A_111] : memref<10240x64xf32, #tpu.memory_space<vmem_shared>> -> memref<10240x64xf32, #tpu.memory_space<vmem_shared>>
        tpu.enqueue_indirect_dma source(%arg10 : memref<128x64xf32, #tpu.memory_space<vmem>>) target(%dma_start3A_112 : memref<10240x64xf32, #tpu.memory_space<vmem_shared>>) offsets(%dma_start3A_109 : memref<128xi32, #tpu.memory_space<vmem>>) semaphore(%arg16 : memref<!tpu.dma_semaphore, #tpu.memory_space<semaphore_mem>>) {add = true}
        %dma_wait3A_113 = arith.constant 0 : i32
        %dma_wait3A_114 = tpu.memref_slice %arg8[%add3A_100, %dma_wait3A_113] : memref<158x128xi32, #tpu.memory_space<vmem>> -> memref<1x128xi32, #tpu.memory_space<vmem>>
        %dma_wait3A_115 = tpu.memref_squeeze %dma_wait3A_114 : memref<1x128xi32, #tpu.memory_space<vmem>> -> memref<128xi32, #tpu.memory_space<vmem>>
        %dma_wait3A_116 = arith.constant 0 : i32
        %dma_wait3A_117 = arith.constant 0 : i32
        %dma_wait3A_118 = tpu.memref_slice %arg2[%dma_wait3A_116, %dma_wait3A_117] : memref<10000x64xf32, #tpu.memory_space<hbm>> -> memref<10000x64xf32, #tpu.memory_space<hbm>>
        tpu.wait_indirect_dma semaphore(%arg15 : memref<!tpu.dma_semaphore, #tpu.memory_space<semaphore_mem>>) src(%dma_wait3A_118 : memref<10000x64xf32, #tpu.memory_space<hbm>>) dst(%arg11 : memref<128x64xf32, #tpu.memory_space<vmem>>)
        %dma_start3A_119 = arith.constant 0 : i32
        %dma_start3A_120 = tpu.memref_slice %arg9[%add3A_100, %dma_start3A_119] : memref<158x128xi32, #tpu.memory_space<vmem>> -> memref<1x128xi32, #tpu.memory_space<vmem>>
        %dma_start3A_121 = tpu.memref_squeeze %dma_start3A_120 : memref<1x128xi32, #tpu.memory_space<vmem>> -> memref<128xi32, #tpu.memory_space<vmem>>
        %dma_start3A_122 = arith.constant 0 : i32
        %dma_start3A_123 = arith.constant 0 : i32
        %dma_start3A_124 = tpu.memref_slice %arg13[%dma_start3A_122, %dma_start3A_123] : memref<10240x64xf32, #tpu.memory_space<vmem_shared>> -> memref<10240x64xf32, #tpu.memory_space<vmem_shared>>
        tpu.enqueue_indirect_dma source(%arg11 : memref<128x64xf32, #tpu.memory_space<vmem>>) target(%dma_start3A_124 : memref<10240x64xf32, #tpu.memory_space<vmem_shared>>) offsets(%dma_start3A_121 : memref<128xi32, #tpu.memory_space<vmem>>) semaphore(%arg17 : memref<!tpu.dma_semaphore, #tpu.memory_space<semaphore_mem>>) {add = true}
        %dma_wait3A_125 = arith.constant 0 : i32
        %dma_wait3A_126 = tpu.memref_slice %arg9[%mul3A_98, %dma_wait3A_125] : memref<158x128xi32, #tpu.memory_space<vmem>> -> memref<1x128xi32, #tpu.memory_space<vmem>>
        %dma_wait3A_127 = tpu.memref_squeeze %dma_wait3A_126 : memref<1x128xi32, #tpu.memory_space<vmem>> -> memref<128xi32, #tpu.memory_space<vmem>>
        %dma_wait3A_128 = arith.constant 0 : i32
        %dma_wait3A_129 = arith.constant 0 : i32
        %dma_wait3A_130 = tpu.memref_slice %arg13[%dma_wait3A_128, %dma_wait3A_129] : memref<10240x64xf32, #tpu.memory_space<vmem_shared>> -> memref<10240x64xf32, #tpu.memory_space<vmem_shared>>
        tpu.wait_indirect_dma semaphore(%arg16 : memref<!tpu.dma_semaphore, #tpu.memory_space<semaphore_mem>>) src(%arg10 : memref<128x64xf32, #tpu.memory_space<vmem>>) dst(%dma_wait3A_130 : memref<10240x64xf32, #tpu.memory_space<vmem_shared>>)
        %add3A_131 = arith.constant 2 : i32
        %add3A_132 = arith.addi %mul3A_98, %add3A_131 : i32
        %dma_start3A_133 = arith.constant 0 : i32
        %dma_start3A_134 = tpu.memref_slice %arg8[%add3A_132, %dma_start3A_133] : memref<158x128xi32, #tpu.memory_space<vmem>> -> memref<1x128xi32, #tpu.memory_space<vmem>>
        %dma_start3A_135 = tpu.memref_squeeze %dma_start3A_134 : memref<1x128xi32, #tpu.memory_space<vmem>> -> memref<128xi32, #tpu.memory_space<vmem>>
        %dma_start3A_136 = arith.constant 0 : i32
        %dma_start3A_137 = arith.constant 0 : i32
        %dma_start3A_138 = tpu.memref_slice %arg2[%dma_start3A_136, %dma_start3A_137] : memref<10000x64xf32, #tpu.memory_space<hbm>> -> memref<10000x64xf32, #tpu.memory_space<hbm>>
        tpu.enqueue_indirect_dma source(%dma_start3A_138 : memref<10000x64xf32, #tpu.memory_space<hbm>>) target(%arg10 : memref<128x64xf32, #tpu.memory_space<vmem>>) offsets(%dma_start3A_135 : memref<128xi32, #tpu.memory_space<vmem>>) semaphore(%arg14 : memref<!tpu.dma_semaphore, #tpu.memory_space<semaphore_mem>>)
        %dma_wait3A_139 = arith.constant 0 : i32
        %dma_wait3A_140 = tpu.memref_slice %arg9[%add3A_100, %dma_wait3A_139] : memref<158x128xi32, #tpu.memory_space<vmem>> -> memref<1x128xi32, #tpu.memory_space<vmem>>
        %dma_wait3A_141 = tpu.memref_squeeze %dma_wait3A_140 : memref<1x128xi32, #tpu.memory_space<vmem>> -> memref<128xi32, #tpu.memory_space<vmem>>
        %dma_wait3A_142 = arith.constant 0 : i32
        %dma_wait3A_143 = arith.constant 0 : i32
        %dma_wait3A_144 = tpu.memref_slice %arg13[%dma_wait3A_142, %dma_wait3A_143] : memref<10240x64xf32, #tpu.memory_space<vmem_shared>> -> memref<10240x64xf32, #tpu.memory_space<vmem_shared>>
        tpu.wait_indirect_dma semaphore(%arg17 : memref<!tpu.dma_semaphore, #tpu.memory_space<semaphore_mem>>) src(%arg11 : memref<128x64xf32, #tpu.memory_space<vmem>>) dst(%dma_wait3A_144 : memref<10240x64xf32, #tpu.memory_space<vmem_shared>>)
        %add3A_145 = arith.constant 2 : i32
        %add3A_146 = arith.addi %add3A_100, %add3A_145 : i32
        %dma_start3A_147 = arith.constant 0 : i32
        %dma_start3A_148 = tpu.memref_slice %arg8[%add3A_146, %dma_start3A_147] : memref<158x128xi32, #tpu.memory_space<vmem>> -> memref<1x128xi32, #tpu.memory_space<vmem>>
        %dma_start3A_149 = tpu.memref_squeeze %dma_start3A_148 : memref<1x128xi32, #tpu.memory_space<vmem>> -> memref<128xi32, #tpu.memory_space<vmem>>
        %dma_start3A_150 = arith.constant 0 : i32
        %dma_start3A_151 = arith.constant 0 : i32
        %dma_start3A_152 = tpu.memref_slice %arg2[%dma_start3A_150, %dma_start3A_151] : memref<10000x64xf32, #tpu.memory_space<hbm>> -> memref<10000x64xf32, #tpu.memory_space<hbm>>
        tpu.enqueue_indirect_dma source(%dma_start3A_152 : memref<10000x64xf32, #tpu.memory_space<hbm>>) target(%arg11 : memref<128x64xf32, #tpu.memory_space<vmem>>) offsets(%dma_start3A_149 : memref<128xi32, #tpu.memory_space<vmem>>) semaphore(%arg15 : memref<!tpu.dma_semaphore, #tpu.memory_space<semaphore_mem>>)
      }
      %scan3A_54 = arith.constant 78 : i32
      %dma_wait3A = arith.constant 156 : i32
      %dma_wait3A_55 = arith.constant 0 : i32
      %dma_wait3A_56 = tpu.memref_slice %arg8[%dma_wait3A, %dma_wait3A_55] : memref<158x128xi32, #tpu.memory_space<vmem>> -> memref<1x128xi32, #tpu.memory_space<vmem>>
      %dma_wait3A_57 = tpu.memref_squeeze %dma_wait3A_56 : memref<1x128xi32, #tpu.memory_space<vmem>> -> memref<128xi32, #tpu.memory_space<vmem>>
      %dma_wait3A_58 = arith.constant 0 : i32
      %dma_wait3A_59 = arith.constant 0 : i32
      %dma_wait3A_60 = tpu.memref_slice %arg2[%dma_wait3A_58, %dma_wait3A_59] : memref<10000x64xf32, #tpu.memory_space<hbm>> -> memref<10000x64xf32, #tpu.memory_space<hbm>>
      tpu.wait_indirect_dma semaphore(%arg14 : memref<!tpu.dma_semaphore, #tpu.memory_space<semaphore_mem>>) src(%dma_wait3A_60 : memref<10000x64xf32, #tpu.memory_space<hbm>>) dst(%arg10 : memref<128x64xf32, #tpu.memory_space<vmem>>)
      %dma_start3A_61 = arith.constant 156 : i32
      %dma_start3A_62 = arith.constant 0 : i32
      %dma_start3A_63 = tpu.memref_slice %arg9[%dma_start3A_61, %dma_start3A_62] : memref<158x128xi32, #tpu.memory_space<vmem>> -> memref<1x128xi32, #tpu.memory_space<vmem>>
      %dma_start3A_64 = tpu.memref_squeeze %dma_start3A_63 : memref<1x128xi32, #tpu.memory_space<vmem>> -> memref<128xi32, #tpu.memory_space<vmem>>
      %dma_start3A_65 = arith.constant 0 : i32
      %dma_start3A_66 = arith.constant 0 : i32
      %dma_start3A_67 = tpu.memref_slice %arg13[%dma_start3A_65, %dma_start3A_66] : memref<10240x64xf32, #tpu.memory_space<vmem_shared>> -> memref<10240x64xf32, #tpu.memory_space<vmem_shared>>
      tpu.enqueue_indirect_dma source(%arg10 : memref<128x64xf32, #tpu.memory_space<vmem>>) target(%dma_start3A_67 : memref<10240x64xf32, #tpu.memory_space<vmem_shared>>) offsets(%dma_start3A_64 : memref<128xi32, #tpu.memory_space<vmem>>) semaphore(%arg16 : memref<!tpu.dma_semaphore, #tpu.memory_space<semaphore_mem>>) {add = true}
      %dma_wait3A_68 = arith.constant 157 : i32
      %dma_wait3A_69 = arith.constant 0 : i32
      %dma_wait3A_70 = tpu.memref_slice %arg8[%dma_wait3A_68, %dma_wait3A_69] : memref<158x128xi32, #tpu.memory_space<vmem>> -> memref<1x128xi32, #tpu.memory_space<vmem>>
      %dma_wait3A_71 = tpu.memref_squeeze %dma_wait3A_70 : memref<1x128xi32, #tpu.memory_space<vmem>> -> memref<128xi32, #tpu.memory_space<vmem>>
      %dma_wait3A_72 = arith.constant 0 : i32
      %dma_wait3A_73 = arith.constant 0 : i32
      %dma_wait3A_74 = tpu.memref_slice %arg2[%dma_wait3A_72, %dma_wait3A_73] : memref<10000x64xf32, #tpu.memory_space<hbm>> -> memref<10000x64xf32, #tpu.memory_space<hbm>>
      tpu.wait_indirect_dma semaphore(%arg15 : memref<!tpu.dma_semaphore, #tpu.memory_space<semaphore_mem>>) src(%dma_wait3A_74 : memref<10000x64xf32, #tpu.memory_space<hbm>>) dst(%arg11 : memref<128x64xf32, #tpu.memory_space<vmem>>)
      %dma_start3A_75 = arith.constant 157 : i32
      %dma_start3A_76 = arith.constant 0 : i32
      %dma_start3A_77 = tpu.memref_slice %arg9[%dma_start3A_75, %dma_start3A_76] : memref<158x128xi32, #tpu.memory_space<vmem>> -> memref<1x128xi32, #tpu.memory_space<vmem>>
      %dma_start3A_78 = tpu.memref_squeeze %dma_start3A_77 : memref<1x128xi32, #tpu.memory_space<vmem>> -> memref<128xi32, #tpu.memory_space<vmem>>
      %dma_start3A_79 = arith.constant 0 : i32
      %dma_start3A_80 = arith.constant 0 : i32
      %dma_start3A_81 = tpu.memref_slice %arg13[%dma_start3A_79, %dma_start3A_80] : memref<10240x64xf32, #tpu.memory_space<vmem_shared>> -> memref<10240x64xf32, #tpu.memory_space<vmem_shared>>
      tpu.enqueue_indirect_dma source(%arg11 : memref<128x64xf32, #tpu.memory_space<vmem>>) target(%dma_start3A_81 : memref<10240x64xf32, #tpu.memory_space<vmem_shared>>) offsets(%dma_start3A_78 : memref<128xi32, #tpu.memory_space<vmem>>) semaphore(%arg17 : memref<!tpu.dma_semaphore, #tpu.memory_space<semaphore_mem>>) {add = true}
      %dma_wait3A_82 = arith.constant 156 : i32
      %dma_wait3A_83 = arith.constant 0 : i32
      %dma_wait3A_84 = tpu.memref_slice %arg9[%dma_wait3A_82, %dma_wait3A_83] : memref<158x128xi32, #tpu.memory_space<vmem>> -> memref<1x128xi32, #tpu.memory_space<vmem>>
      %dma_wait3A_85 = tpu.memref_squeeze %dma_wait3A_84 : memref<1x128xi32, #tpu.memory_space<vmem>> -> memref<128xi32, #tpu.memory_space<vmem>>
      %dma_wait3A_86 = arith.constant 0 : i32
      %dma_wait3A_87 = arith.constant 0 : i32
      %dma_wait3A_88 = tpu.memref_slice %arg13[%dma_wait3A_86, %dma_wait3A_87] : memref<10240x64xf32, #tpu.memory_space<vmem_shared>> -> memref<10240x64xf32, #tpu.memory_space<vmem_shared>>
      tpu.wait_indirect_dma semaphore(%arg16 : memref<!tpu.dma_semaphore, #tpu.memory_space<semaphore_mem>>) src(%arg10 : memref<128x64xf32, #tpu.memory_space<vmem>>) dst(%dma_wait3A_88 : memref<10240x64xf32, #tpu.memory_space<vmem_shared>>)
      %dma_wait3A_89 = arith.constant 157 : i32
      %dma_wait3A_90 = arith.constant 0 : i32
      %dma_wait3A_91 = tpu.memref_slice %arg9[%dma_wait3A_89, %dma_wait3A_90] : memref<158x128xi32, #tpu.memory_space<vmem>> -> memref<1x128xi32, #tpu.memory_space<vmem>>
      %dma_wait3A_92 = tpu.memref_squeeze %dma_wait3A_91 : memref<1x128xi32, #tpu.memory_space<vmem>> -> memref<128xi32, #tpu.memory_space<vmem>>
      %dma_wait3A_93 = arith.constant 0 : i32
      %dma_wait3A_94 = arith.constant 0 : i32
      %dma_wait3A_95 = tpu.memref_slice %arg13[%dma_wait3A_93, %dma_wait3A_94] : memref<10240x64xf32, #tpu.memory_space<vmem_shared>> -> memref<10240x64xf32, #tpu.memory_space<vmem_shared>>
      tpu.wait_indirect_dma semaphore(%arg17 : memref<!tpu.dma_semaphore, #tpu.memory_space<semaphore_mem>>) src(%arg11 : memref<128x64xf32, #tpu.memory_space<vmem>>) dst(%dma_wait3A_95 : memref<10240x64xf32, #tpu.memory_space<vmem_shared>>)
    } else {
    }
    %eq3A_20 = arith.constant 1 : i32
    %eq3A_21 = arith.cmpi eq, %arg0, %eq3A_20 : i32
    %convert_element_type3A_22 = arith.extui %eq3A_21 : i1 to i32
    %cond3A_23 = arith.constant 0 : i32
    %cond3A_24 = arith.cmpi ne, %convert_element_type3A_22, %cond3A_23 : i32
    scf.if %cond3A_24 {
      %dma_start3A = arith.constant 0 : i32
      %dma_start3A_36 = arith.constant 0 : i32
      %dma_start3A_37 = tpu.memref_slice %arg8[%dma_start3A, %dma_start3A_36] : memref<158x128xi32, #tpu.memory_space<vmem>> -> memref<1x128xi32, #tpu.memory_space<vmem>>
      %dma_start3A_38 = tpu.memref_squeeze %dma_start3A_37 : memref<1x128xi32, #tpu.memory_space<vmem>> -> memref<128xi32, #tpu.memory_space<vmem>>
      %dma_start3A_39 = arith.constant 0 : i32
      %dma_start3A_40 = arith.constant 0 : i32
      %dma_start3A_41 = tpu.memref_slice %arg3[%dma_start3A_39, %dma_start3A_40] : memref<10000x64xf32, #tpu.memory_space<hbm>> -> memref<10000x64xf32, #tpu.memory_space<hbm>>
      tpu.enqueue_indirect_dma source(%dma_start3A_41 : memref<10000x64xf32, #tpu.memory_space<hbm>>) target(%arg10 : memref<128x64xf32, #tpu.memory_space<vmem>>) offsets(%dma_start3A_38 : memref<128xi32, #tpu.memory_space<vmem>>) semaphore(%arg14 : memref<!tpu.dma_semaphore, #tpu.memory_space<semaphore_mem>>)
      %dma_start3A_42 = arith.constant 1 : i32
      %dma_start3A_43 = arith.constant 0 : i32
      %dma_start3A_44 = tpu.memref_slice %arg8[%dma_start3A_42, %dma_start3A_43] : memref<158x128xi32, #tpu.memory_space<vmem>> -> memref<1x128xi32, #tpu.memory_space<vmem>>
      %dma_start3A_45 = tpu.memref_squeeze %dma_start3A_44 : memref<1x128xi32, #tpu.memory_space<vmem>> -> memref<128xi32, #tpu.memory_space<vmem>>
      %dma_start3A_46 = arith.constant 0 : i32
      %dma_start3A_47 = arith.constant 0 : i32
      %dma_start3A_48 = tpu.memref_slice %arg3[%dma_start3A_46, %dma_start3A_47] : memref<10000x64xf32, #tpu.memory_space<hbm>> -> memref<10000x64xf32, #tpu.memory_space<hbm>>
      tpu.enqueue_indirect_dma source(%dma_start3A_48 : memref<10000x64xf32, #tpu.memory_space<hbm>>) target(%arg11 : memref<128x64xf32, #tpu.memory_space<vmem>>) offsets(%dma_start3A_45 : memref<128xi32, #tpu.memory_space<vmem>>) semaphore(%arg15 : memref<!tpu.dma_semaphore, #tpu.memory_space<semaphore_mem>>)
      %scan3A_49 = arith.constant 0 : i32
      %scan3A_50 = arith.constant 0 : i32
      %scan3A_51 = arith.constant 78 : i32
      %scan3A_52 = arith.addi %scan3A_50, %scan3A_51 : i32
      %scan3A_53 = arith.constant 1 : i32
      scf.for %scan3A_96 = %scan3A_50 to %scan3A_52 step %scan3A_53  : i32 {
        %mul3A_97 = arith.constant 2 : i32
        %mul3A_98 = arith.muli %mul3A_97, %scan3A_96 : i32
        %add3A_99 = arith.constant 1 : i32
        %add3A_100 = arith.addi %mul3A_98, %add3A_99 : i32
        %dma_wait3A_101 = arith.constant 0 : i32
        %dma_wait3A_102 = tpu.memref_slice %arg8[%mul3A_98, %dma_wait3A_101] : memref<158x128xi32, #tpu.memory_space<vmem>> -> memref<1x128xi32, #tpu.memory_space<vmem>>
        %dma_wait3A_103 = tpu.memref_squeeze %dma_wait3A_102 : memref<1x128xi32, #tpu.memory_space<vmem>> -> memref<128xi32, #tpu.memory_space<vmem>>
        %dma_wait3A_104 = arith.constant 0 : i32
        %dma_wait3A_105 = arith.constant 0 : i32
        %dma_wait3A_106 = tpu.memref_slice %arg3[%dma_wait3A_104, %dma_wait3A_105] : memref<10000x64xf32, #tpu.memory_space<hbm>> -> memref<10000x64xf32, #tpu.memory_space<hbm>>
        tpu.wait_indirect_dma semaphore(%arg14 : memref<!tpu.dma_semaphore, #tpu.memory_space<semaphore_mem>>) src(%dma_wait3A_106 : memref<10000x64xf32, #tpu.memory_space<hbm>>) dst(%arg10 : memref<128x64xf32, #tpu.memory_space<vmem>>)
        %dma_start3A_107 = arith.constant 0 : i32
        %dma_start3A_108 = tpu.memref_slice %arg9[%mul3A_98, %dma_start3A_107] : memref<158x128xi32, #tpu.memory_space<vmem>> -> memref<1x128xi32, #tpu.memory_space<vmem>>
        %dma_start3A_109 = tpu.memref_squeeze %dma_start3A_108 : memref<1x128xi32, #tpu.memory_space<vmem>> -> memref<128xi32, #tpu.memory_space<vmem>>
        %dma_start3A_110 = arith.constant 0 : i32
        %dma_start3A_111 = arith.constant 0 : i32
        %dma_start3A_112 = tpu.memref_slice %arg13[%dma_start3A_110, %dma_start3A_111] : memref<10240x64xf32, #tpu.memory_space<vmem_shared>> -> memref<10240x64xf32, #tpu.memory_space<vmem_shared>>
        tpu.enqueue_indirect_dma source(%arg10 : memref<128x64xf32, #tpu.memory_space<vmem>>) target(%dma_start3A_112 : memref<10240x64xf32, #tpu.memory_space<vmem_shared>>) offsets(%dma_start3A_109 : memref<128xi32, #tpu.memory_space<vmem>>) semaphore(%arg16 : memref<!tpu.dma_semaphore, #tpu.memory_space<semaphore_mem>>) {add = true}
        %dma_wait3A_113 = arith.constant 0 : i32
        %dma_wait3A_114 = tpu.memref_slice %arg8[%add3A_100, %dma_wait3A_113] : memref<158x128xi32, #tpu.memory_space<vmem>> -> memref<1x128xi32, #tpu.memory_space<vmem>>
        %dma_wait3A_115 = tpu.memref_squeeze %dma_wait3A_114 : memref<1x128xi32, #tpu.memory_space<vmem>> -> memref<128xi32, #tpu.memory_space<vmem>>
        %dma_wait3A_116 = arith.constant 0 : i32
        %dma_wait3A_117 = arith.constant 0 : i32
        %dma_wait3A_118 = tpu.memref_slice %arg3[%dma_wait3A_116, %dma_wait3A_117] : memref<10000x64xf32, #tpu.memory_space<hbm>> -> memref<10000x64xf32, #tpu.memory_space<hbm>>
        tpu.wait_indirect_dma semaphore(%arg15 : memref<!tpu.dma_semaphore, #tpu.memory_space<semaphore_mem>>) src(%dma_wait3A_118 : memref<10000x64xf32, #tpu.memory_space<hbm>>) dst(%arg11 : memref<128x64xf32, #tpu.memory_space<vmem>>)
        %dma_start3A_119 = arith.constant 0 : i32
        %dma_start3A_120 = tpu.memref_slice %arg9[%add3A_100, %dma_start3A_119] : memref<158x128xi32, #tpu.memory_space<vmem>> -> memref<1x128xi32, #tpu.memory_space<vmem>>
        %dma_start3A_121 = tpu.memref_squeeze %dma_start3A_120 : memref<1x128xi32, #tpu.memory_space<vmem>> -> memref<128xi32, #tpu.memory_space<vmem>>
        %dma_start3A_122 = arith.constant 0 : i32
        %dma_start3A_123 = arith.constant 0 : i32
        %dma_start3A_124 = tpu.memref_slice %arg13[%dma_start3A_122, %dma_start3A_123] : memref<10240x64xf32, #tpu.memory_space<vmem_shared>> -> memref<10240x64xf32, #tpu.memory_space<vmem_shared>>
        tpu.enqueue_indirect_dma source(%arg11 : memref<128x64xf32, #tpu.memory_space<vmem>>) target(%dma_start3A_124 : memref<10240x64xf32, #tpu.memory_space<vmem_shared>>) offsets(%dma_start3A_121 : memref<128xi32, #tpu.memory_space<vmem>>) semaphore(%arg17 : memref<!tpu.dma_semaphore, #tpu.memory_space<semaphore_mem>>) {add = true}
        %dma_wait3A_125 = arith.constant 0 : i32
        %dma_wait3A_126 = tpu.memref_slice %arg9[%mul3A_98, %dma_wait3A_125] : memref<158x128xi32, #tpu.memory_space<vmem>> -> memref<1x128xi32, #tpu.memory_space<vmem>>
        %dma_wait3A_127 = tpu.memref_squeeze %dma_wait3A_126 : memref<1x128xi32, #tpu.memory_space<vmem>> -> memref<128xi32, #tpu.memory_space<vmem>>
        %dma_wait3A_128 = arith.constant 0 : i32
        %dma_wait3A_129 = arith.constant 0 : i32
        %dma_wait3A_130 = tpu.memref_slice %arg13[%dma_wait3A_128, %dma_wait3A_129] : memref<10240x64xf32, #tpu.memory_space<vmem_shared>> -> memref<10240x64xf32, #tpu.memory_space<vmem_shared>>
        tpu.wait_indirect_dma semaphore(%arg16 : memref<!tpu.dma_semaphore, #tpu.memory_space<semaphore_mem>>) src(%arg10 : memref<128x64xf32, #tpu.memory_space<vmem>>) dst(%dma_wait3A_130 : memref<10240x64xf32, #tpu.memory_space<vmem_shared>>)
        %add3A_131 = arith.constant 2 : i32
        %add3A_132 = arith.addi %mul3A_98, %add3A_131 : i32
        %dma_start3A_133 = arith.constant 0 : i32
        %dma_start3A_134 = tpu.memref_slice %arg8[%add3A_132, %dma_start3A_133] : memref<158x128xi32, #tpu.memory_space<vmem>> -> memref<1x128xi32, #tpu.memory_space<vmem>>
        %dma_start3A_135 = tpu.memref_squeeze %dma_start3A_134 : memref<1x128xi32, #tpu.memory_space<vmem>> -> memref<128xi32, #tpu.memory_space<vmem>>
        %dma_start3A_136 = arith.constant 0 : i32
        %dma_start3A_137 = arith.constant 0 : i32
        %dma_start3A_138 = tpu.memref_slice %arg3[%dma_start3A_136, %dma_start3A_137] : memref<10000x64xf32, #tpu.memory_space<hbm>> -> memref<10000x64xf32, #tpu.memory_space<hbm>>
        tpu.enqueue_indirect_dma source(%dma_start3A_138 : memref<10000x64xf32, #tpu.memory_space<hbm>>) target(%arg10 : memref<128x64xf32, #tpu.memory_space<vmem>>) offsets(%dma_start3A_135 : memref<128xi32, #tpu.memory_space<vmem>>) semaphore(%arg14 : memref<!tpu.dma_semaphore, #tpu.memory_space<semaphore_mem>>)
        %dma_wait3A_139 = arith.constant 0 : i32
        %dma_wait3A_140 = tpu.memref_slice %arg9[%add3A_100, %dma_wait3A_139] : memref<158x128xi32, #tpu.memory_space<vmem>> -> memref<1x128xi32, #tpu.memory_space<vmem>>
        %dma_wait3A_141 = tpu.memref_squeeze %dma_wait3A_140 : memref<1x128xi32, #tpu.memory_space<vmem>> -> memref<128xi32, #tpu.memory_space<vmem>>
        %dma_wait3A_142 = arith.constant 0 : i32
        %dma_wait3A_143 = arith.constant 0 : i32
        %dma_wait3A_144 = tpu.memref_slice %arg13[%dma_wait3A_142, %dma_wait3A_143] : memref<10240x64xf32, #tpu.memory_space<vmem_shared>> -> memref<10240x64xf32, #tpu.memory_space<vmem_shared>>
        tpu.wait_indirect_dma semaphore(%arg17 : memref<!tpu.dma_semaphore, #tpu.memory_space<semaphore_mem>>) src(%arg11 : memref<128x64xf32, #tpu.memory_space<vmem>>) dst(%dma_wait3A_144 : memref<10240x64xf32, #tpu.memory_space<vmem_shared>>)
        %add3A_145 = arith.constant 2 : i32
        %add3A_146 = arith.addi %add3A_100, %add3A_145 : i32
        %dma_start3A_147 = arith.constant 0 : i32
        %dma_start3A_148 = tpu.memref_slice %arg8[%add3A_146, %dma_start3A_147] : memref<158x128xi32, #tpu.memory_space<vmem>> -> memref<1x128xi32, #tpu.memory_space<vmem>>
        %dma_start3A_149 = tpu.memref_squeeze %dma_start3A_148 : memref<1x128xi32, #tpu.memory_space<vmem>> -> memref<128xi32, #tpu.memory_space<vmem>>
        %dma_start3A_150 = arith.constant 0 : i32
        %dma_start3A_151 = arith.constant 0 : i32
        %dma_start3A_152 = tpu.memref_slice %arg3[%dma_start3A_150, %dma_start3A_151] : memref<10000x64xf32, #tpu.memory_space<hbm>> -> memref<10000x64xf32, #tpu.memory_space<hbm>>
        tpu.enqueue_indirect_dma source(%dma_start3A_152 : memref<10000x64xf32, #tpu.memory_space<hbm>>) target(%arg11 : memref<128x64xf32, #tpu.memory_space<vmem>>) offsets(%dma_start3A_149 : memref<128xi32, #tpu.memory_space<vmem>>) semaphore(%arg15 : memref<!tpu.dma_semaphore, #tpu.memory_space<semaphore_mem>>)
      }
      %scan3A_54 = arith.constant 78 : i32
      %dma_wait3A = arith.constant 156 : i32
      %dma_wait3A_55 = arith.constant 0 : i32
      %dma_wait3A_56 = tpu.memref_slice %arg8[%dma_wait3A, %dma_wait3A_55] : memref<158x128xi32, #tpu.memory_space<vmem>> -> memref<1x128xi32, #tpu.memory_space<vmem>>
      %dma_wait3A_57 = tpu.memref_squeeze %dma_wait3A_56 : memref<1x128xi32, #tpu.memory_space<vmem>> -> memref<128xi32, #tpu.memory_space<vmem>>
      %dma_wait3A_58 = arith.constant 0 : i32
      %dma_wait3A_59 = arith.constant 0 : i32
      %dma_wait3A_60 = tpu.memref_slice %arg3[%dma_wait3A_58, %dma_wait3A_59] : memref<10000x64xf32, #tpu.memory_space<hbm>> -> memref<10000x64xf32, #tpu.memory_space<hbm>>
      tpu.wait_indirect_dma semaphore(%arg14 : memref<!tpu.dma_semaphore, #tpu.memory_space<semaphore_mem>>) src(%dma_wait3A_60 : memref<10000x64xf32, #tpu.memory_space<hbm>>) dst(%arg10 : memref<128x64xf32, #tpu.memory_space<vmem>>)
      %dma_start3A_61 = arith.constant 156 : i32
      %dma_start3A_62 = arith.constant 0 : i32
      %dma_start3A_63 = tpu.memref_slice %arg9[%dma_start3A_61, %dma_start3A_62] : memref<158x128xi32, #tpu.memory_space<vmem>> -> memref<1x128xi32, #tpu.memory_space<vmem>>
      %dma_start3A_64 = tpu.memref_squeeze %dma_start3A_63 : memref<1x128xi32, #tpu.memory_space<vmem>> -> memref<128xi32, #tpu.memory_space<vmem>>
      %dma_start3A_65 = arith.constant 0 : i32
      %dma_start3A_66 = arith.constant 0 : i32
      %dma_start3A_67 = tpu.memref_slice %arg13[%dma_start3A_65, %dma_start3A_66] : memref<10240x64xf32, #tpu.memory_space<vmem_shared>> -> memref<10240x64xf32, #tpu.memory_space<vmem_shared>>
      tpu.enqueue_indirect_dma source(%arg10 : memref<128x64xf32, #tpu.memory_space<vmem>>) target(%dma_start3A_67 : memref<10240x64xf32, #tpu.memory_space<vmem_shared>>) offsets(%dma_start3A_64 : memref<128xi32, #tpu.memory_space<vmem>>) semaphore(%arg16 : memref<!tpu.dma_semaphore, #tpu.memory_space<semaphore_mem>>) {add = true}
      %dma_wait3A_68 = arith.constant 157 : i32
      %dma_wait3A_69 = arith.constant 0 : i32
      %dma_wait3A_70 = tpu.memref_slice %arg8[%dma_wait3A_68, %dma_wait3A_69] : memref<158x128xi32, #tpu.memory_space<vmem>> -> memref<1x128xi32, #tpu.memory_space<vmem>>
      %dma_wait3A_71 = tpu.memref_squeeze %dma_wait3A_70 : memref<1x128xi32, #tpu.memory_space<vmem>> -> memref<128xi32, #tpu.memory_space<vmem>>
      %dma_wait3A_72 = arith.constant 0 : i32
      %dma_wait3A_73 = arith.constant 0 : i32
      %dma_wait3A_74 = tpu.memref_slice %arg3[%dma_wait3A_72, %dma_wait3A_73] : memref<10000x64xf32, #tpu.memory_space<hbm>> -> memref<10000x64xf32, #tpu.memory_space<hbm>>
      tpu.wait_indirect_dma semaphore(%arg15 : memref<!tpu.dma_semaphore, #tpu.memory_space<semaphore_mem>>) src(%dma_wait3A_74 : memref<10000x64xf32, #tpu.memory_space<hbm>>) dst(%arg11 : memref<128x64xf32, #tpu.memory_space<vmem>>)
      %dma_start3A_75 = arith.constant 157 : i32
      %dma_start3A_76 = arith.constant 0 : i32
      %dma_start3A_77 = tpu.memref_slice %arg9[%dma_start3A_75, %dma_start3A_76] : memref<158x128xi32, #tpu.memory_space<vmem>> -> memref<1x128xi32, #tpu.memory_space<vmem>>
      %dma_start3A_78 = tpu.memref_squeeze %dma_start3A_77 : memref<1x128xi32, #tpu.memory_space<vmem>> -> memref<128xi32, #tpu.memory_space<vmem>>
      %dma_start3A_79 = arith.constant 0 : i32
      %dma_start3A_80 = arith.constant 0 : i32
      %dma_start3A_81 = tpu.memref_slice %arg13[%dma_start3A_79, %dma_start3A_80] : memref<10240x64xf32, #tpu.memory_space<vmem_shared>> -> memref<10240x64xf32, #tpu.memory_space<vmem_shared>>
      tpu.enqueue_indirect_dma source(%arg11 : memref<128x64xf32, #tpu.memory_space<vmem>>) target(%dma_start3A_81 : memref<10240x64xf32, #tpu.memory_space<vmem_shared>>) offsets(%dma_start3A_78 : memref<128xi32, #tpu.memory_space<vmem>>) semaphore(%arg17 : memref<!tpu.dma_semaphore, #tpu.memory_space<semaphore_mem>>) {add = true}
      %dma_wait3A_82 = arith.constant 156 : i32
      %dma_wait3A_83 = arith.constant 0 : i32
      %dma_wait3A_84 = tpu.memref_slice %arg9[%dma_wait3A_82, %dma_wait3A_83] : memref<158x128xi32, #tpu.memory_space<vmem>> -> memref<1x128xi32, #tpu.memory_space<vmem>>
      %dma_wait3A_85 = tpu.memref_squeeze %dma_wait3A_84 : memref<1x128xi32, #tpu.memory_space<vmem>> -> memref<128xi32, #tpu.memory_space<vmem>>
      %dma_wait3A_86 = arith.constant 0 : i32
      %dma_wait3A_87 = arith.constant 0 : i32
      %dma_wait3A_88 = tpu.memref_slice %arg13[%dma_wait3A_86, %dma_wait3A_87] : memref<10240x64xf32, #tpu.memory_space<vmem_shared>> -> memref<10240x64xf32, #tpu.memory_space<vmem_shared>>
      tpu.wait_indirect_dma semaphore(%arg16 : memref<!tpu.dma_semaphore, #tpu.memory_space<semaphore_mem>>) src(%arg10 : memref<128x64xf32, #tpu.memory_space<vmem>>) dst(%dma_wait3A_88 : memref<10240x64xf32, #tpu.memory_space<vmem_shared>>)
      %dma_wait3A_89 = arith.constant 157 : i32
      %dma_wait3A_90 = arith.constant 0 : i32
      %dma_wait3A_91 = tpu.memref_slice %arg9[%dma_wait3A_89, %dma_wait3A_90] : memref<158x128xi32, #tpu.memory_space<vmem>> -> memref<1x128xi32, #tpu.memory_space<vmem>>
      %dma_wait3A_92 = tpu.memref_squeeze %dma_wait3A_91 : memref<1x128xi32, #tpu.memory_space<vmem>> -> memref<128xi32, #tpu.memory_space<vmem>>
      %dma_wait3A_93 = arith.constant 0 : i32
      %dma_wait3A_94 = arith.constant 0 : i32
      %dma_wait3A_95 = tpu.memref_slice %arg13[%dma_wait3A_93, %dma_wait3A_94] : memref<10240x64xf32, #tpu.memory_space<vmem_shared>> -> memref<10240x64xf32, #tpu.memory_space<vmem_shared>>
      tpu.wait_indirect_dma semaphore(%arg17 : memref<!tpu.dma_semaphore, #tpu.memory_space<semaphore_mem>>) src(%arg11 : memref<128x64xf32, #tpu.memory_space<vmem>>) dst(%dma_wait3A_95 : memref<10240x64xf32, #tpu.memory_space<vmem_shared>>)
    } else {
    }
    %barrier3A_25 = arith.constant 0 : index
    tpu.barrier barrier_id(%barrier3A_25)
    %eq3A_26 = arith.constant 0 : i32
    %eq3A_27 = arith.cmpi eq, %arg0, %eq3A_26 : i32
    %convert_element_type3A_28 = arith.extui %eq3A_27 : i1 to i32
    %cond3A_29 = arith.constant 0 : i32
    %cond3A_30 = arith.cmpi ne, %convert_element_type3A_28, %cond3A_29 : i32
    scf.if %cond3A_30 {
      %add3A_36 = arith.constant 0 : i32
      %add3A_37 = arith.addi %mul3A_0, %add3A_36 : i32
      "tpu.region"() ({
        %run_scoped3A = tpu.sem_alloc : memref<!tpu.dma_semaphore, #tpu.memory_space<semaphore_mem>>
        %dma_start3A = arith.constant 0 : i32
        %dma_start3A_56 = tpu.memref_slice %arg13[%add3A_37, %dma_start3A] : memref<10240x64xf32, #tpu.memory_space<vmem_shared>> -> memref<128x64xf32, #tpu.memory_space<vmem_shared>>
        %dma_start3A_57 = arith.constant 0 : i32
        %dma_start3A_58 = tpu.memref_slice %arg13[%add3A_37, %dma_start3A_57] : memref<10240x64xf32, #tpu.memory_space<vmem_shared>> -> memref<128x64xf32, #tpu.memory_space<vmem_shared>>
        tpu.enqueue_dma source(%dma_start3A_58 : memref<128x64xf32, #tpu.memory_space<vmem_shared>>) target(%arg12 : memref<128x64xf32, #tpu.memory_space<vmem>>) target_semaphore(%run_scoped3A : memref<!tpu.dma_semaphore, #tpu.memory_space<semaphore_mem>>)
        %dma_wait3A = arith.constant 0 : i32
        %dma_wait3A_59 = tpu.memref_slice %arg13[%add3A_37, %dma_wait3A] : memref<10240x64xf32, #tpu.memory_space<vmem_shared>> -> memref<128x64xf32, #tpu.memory_space<vmem_shared>>
        %dma_wait3A_60 = arith.constant 0 : i32
        %dma_wait3A_61 = tpu.memref_slice %arg13[%add3A_37, %dma_wait3A_60] : memref<10240x64xf32, #tpu.memory_space<vmem_shared>> -> memref<128x64xf32, #tpu.memory_space<vmem_shared>>
        tpu.wait_dma2 semaphore(%run_scoped3A : memref<!tpu.dma_semaphore, #tpu.memory_space<semaphore_mem>>) src(%dma_wait3A_61 : memref<128x64xf32, #tpu.memory_space<vmem_shared>>) dst(%arg12 : memref<128x64xf32, #tpu.memory_space<vmem>>)
        tpu.yield
      }) : () -> ()
      %add3A_38 = arith.constant 0 : i32
      %add3A_39 = arith.addi %mul3A_0, %add3A_38 : i32
      "tpu.region"() ({
        %run_scoped3A = tpu.sem_alloc : memref<!tpu.dma_semaphore, #tpu.memory_space<semaphore_mem>>
        %dma_start3A = arith.constant 0 : i32
        %dma_start3A_56 = tpu.memref_slice %arg6[%add3A_39, %dma_start3A] : memref<10240x64xf32, #tpu.memory_space<hbm>> -> memref<128x64xf32, #tpu.memory_space<hbm>>
        %dma_start3A_57 = arith.constant 0 : i32
        %dma_start3A_58 = tpu.memref_slice %arg6[%add3A_39, %dma_start3A_57] : memref<10240x64xf32, #tpu.memory_space<hbm>> -> memref<128x64xf32, #tpu.memory_space<hbm>>
        tpu.enqueue_dma source(%arg12 : memref<128x64xf32, #tpu.memory_space<vmem>>) target(%dma_start3A_58 : memref<128x64xf32, #tpu.memory_space<hbm>>) target_semaphore(%run_scoped3A : memref<!tpu.dma_semaphore, #tpu.memory_space<semaphore_mem>>)
        %dma_wait3A = arith.constant 0 : i32
        %dma_wait3A_59 = tpu.memref_slice %arg6[%add3A_39, %dma_wait3A] : memref<10240x64xf32, #tpu.memory_space<hbm>> -> memref<128x64xf32, #tpu.memory_space<hbm>>
        %dma_wait3A_60 = arith.constant 0 : i32
        %dma_wait3A_61 = tpu.memref_slice %arg6[%add3A_39, %dma_wait3A_60] : memref<10240x64xf32, #tpu.memory_space<hbm>> -> memref<128x64xf32, #tpu.memory_space<hbm>>
        tpu.wait_dma2 semaphore(%run_scoped3A : memref<!tpu.dma_semaphore, #tpu.memory_space<semaphore_mem>>) src(%arg12 : memref<128x64xf32, #tpu.memory_space<vmem>>) dst(%dma_wait3A_61 : memref<128x64xf32, #tpu.memory_space<hbm>>)
        tpu.yield
      }) : () -> ()
      %add3A_40 = arith.constant 128 : i32
      %add3A_41 = arith.addi %mul3A_0, %add3A_40 : i32
      "tpu.region"() ({
        %run_scoped3A = tpu.sem_alloc : memref<!tpu.dma_semaphore, #tpu.memory_space<semaphore_mem>>
        %dma_start3A = arith.constant 0 : i32
        %dma_start3A_56 = tpu.memref_slice %arg13[%add3A_41, %dma_start3A] : memref<10240x64xf32, #tpu.memory_space<vmem_shared>> -> memref<128x64xf32, #tpu.memory_space<vmem_shared>>
        %dma_start3A_57 = arith.constant 0 : i32
        %dma_start3A_58 = tpu.memref_slice %arg13[%add3A_41, %dma_start3A_57] : memref<10240x64xf32, #tpu.memory_space<vmem_shared>> -> memref<128x64xf32, #tpu.memory_space<vmem_shared>>
        tpu.enqueue_dma source(%dma_start3A_58 : memref<128x64xf32, #tpu.memory_space<vmem_shared>>) target(%arg12 : memref<128x64xf32, #tpu.memory_space<vmem>>) target_semaphore(%run_scoped3A : memref<!tpu.dma_semaphore, #tpu.memory_space<semaphore_mem>>)
        %dma_wait3A = arith.constant 0 : i32
        %dma_wait3A_59 = tpu.memref_slice %arg13[%add3A_41, %dma_wait3A] : memref<10240x64xf32, #tpu.memory_space<vmem_shared>> -> memref<128x64xf32, #tpu.memory_space<vmem_shared>>
        %dma_wait3A_60 = arith.constant 0 : i32
        %dma_wait3A_61 = tpu.memref_slice %arg13[%add3A_41, %dma_wait3A_60] : memref<10240x64xf32, #tpu.memory_space<vmem_shared>> -> memref<128x64xf32, #tpu.memory_space<vmem_shared>>
        tpu.wait_dma2 semaphore(%run_scoped3A : memref<!tpu.dma_semaphore, #tpu.memory_space<semaphore_mem>>) src(%dma_wait3A_61 : memref<128x64xf32, #tpu.memory_space<vmem_shared>>) dst(%arg12 : memref<128x64xf32, #tpu.memory_space<vmem>>)
        tpu.yield
      }) : () -> ()
      %add3A_42 = arith.constant 128 : i32
      %add3A_43 = arith.addi %mul3A_0, %add3A_42 : i32
      "tpu.region"() ({
        %run_scoped3A = tpu.sem_alloc : memref<!tpu.dma_semaphore, #tpu.memory_space<semaphore_mem>>
        %dma_start3A = arith.constant 0 : i32
        %dma_start3A_56 = tpu.memref_slice %arg6[%add3A_43, %dma_start3A] : memref<10240x64xf32, #tpu.memory_space<hbm>> -> memref<128x64xf32, #tpu.memory_space<hbm>>
        %dma_start3A_57 = arith.constant 0 : i32
        %dma_start3A_58 = tpu.memref_slice %arg6[%add3A_43, %dma_start3A_57] : memref<10240x64xf32, #tpu.memory_space<hbm>> -> memref<128x64xf32, #tpu.memory_space<hbm>>
        tpu.enqueue_dma source(%arg12 : memref<128x64xf32, #tpu.memory_space<vmem>>) target(%dma_start3A_58 : memref<128x64xf32, #tpu.memory_space<hbm>>) target_semaphore(%run_scoped3A : memref<!tpu.dma_semaphore, #tpu.memory_space<semaphore_mem>>)
        %dma_wait3A = arith.constant 0 : i32
        %dma_wait3A_59 = tpu.memref_slice %arg6[%add3A_43, %dma_wait3A] : memref<10240x64xf32, #tpu.memory_space<hbm>> -> memref<128x64xf32, #tpu.memory_space<hbm>>
        %dma_wait3A_60 = arith.constant 0 : i32
        %dma_wait3A_61 = tpu.memref_slice %arg6[%add3A_43, %dma_wait3A_60] : memref<10240x64xf32, #tpu.memory_space<hbm>> -> memref<128x64xf32, #tpu.memory_space<hbm>>
        tpu.wait_dma2 semaphore(%run_scoped3A : memref<!tpu.dma_semaphore, #tpu.memory_space<semaphore_mem>>) src(%arg12 : memref<128x64xf32, #tpu.memory_space<vmem>>) dst(%dma_wait3A_61 : memref<128x64xf32, #tpu.memory_space<hbm>>)
        tpu.yield
      }) : () -> ()
      %add3A_44 = arith.constant 256 : i32
      %add3A_45 = arith.addi %mul3A_0, %add3A_44 : i32
      "tpu.region"() ({
        %run_scoped3A = tpu.sem_alloc : memref<!tpu.dma_semaphore, #tpu.memory_space<semaphore_mem>>
        %dma_start3A = arith.constant 0 : i32
        %dma_start3A_56 = tpu.memref_slice %arg13[%add3A_45, %dma_start3A] : memref<10240x64xf32, #tpu.memory_space<vmem_shared>> -> memref<128x64xf32, #tpu.memory_space<vmem_shared>>
        %dma_start3A_57 = arith.constant 0 : i32
        %dma_start3A_58 = tpu.memref_slice %arg13[%add3A_45, %dma_start3A_57] : memref<10240x64xf32, #tpu.memory_space<vmem_shared>> -> memref<128x64xf32, #tpu.memory_space<vmem_shared>>
        tpu.enqueue_dma source(%dma_start3A_58 : memref<128x64xf32, #tpu.memory_space<vmem_shared>>) target(%arg12 : memref<128x64xf32, #tpu.memory_space<vmem>>) target_semaphore(%run_scoped3A : memref<!tpu.dma_semaphore, #tpu.memory_space<semaphore_mem>>)
        %dma_wait3A = arith.constant 0 : i32
        %dma_wait3A_59 = tpu.memref_slice %arg13[%add3A_45, %dma_wait3A] : memref<10240x64xf32, #tpu.memory_space<vmem_shared>> -> memref<128x64xf32, #tpu.memory_space<vmem_shared>>
        %dma_wait3A_60 = arith.constant 0 : i32
        %dma_wait3A_61 = tpu.memref_slice %arg13[%add3A_45, %dma_wait3A_60] : memref<10240x64xf32, #tpu.memory_space<vmem_shared>> -> memref<128x64xf32, #tpu.memory_space<vmem_shared>>
        tpu.wait_dma2 semaphore(%run_scoped3A : memref<!tpu.dma_semaphore, #tpu.memory_space<semaphore_mem>>) src(%dma_wait3A_61 : memref<128x64xf32, #tpu.memory_space<vmem_shared>>) dst(%arg12 : memref<128x64xf32, #tpu.memory_space<vmem>>)
        tpu.yield
      }) : () -> ()
      %add3A_46 = arith.constant 256 : i32
      %add3A_47 = arith.addi %mul3A_0, %add3A_46 : i32
      "tpu.region"() ({
        %run_scoped3A = tpu.sem_alloc : memref<!tpu.dma_semaphore, #tpu.memory_space<semaphore_mem>>
        %dma_start3A = arith.constant 0 : i32
        %dma_start3A_56 = tpu.memref_slice %arg6[%add3A_47, %dma_start3A] : memref<10240x64xf32, #tpu.memory_space<hbm>> -> memref<128x64xf32, #tpu.memory_space<hbm>>
        %dma_start3A_57 = arith.constant 0 : i32
        %dma_start3A_58 = tpu.memref_slice %arg6[%add3A_47, %dma_start3A_57] : memref<10240x64xf32, #tpu.memory_space<hbm>> -> memref<128x64xf32, #tpu.memory_space<hbm>>
        tpu.enqueue_dma source(%arg12 : memref<128x64xf32, #tpu.memory_space<vmem>>) target(%dma_start3A_58 : memref<128x64xf32, #tpu.memory_space<hbm>>) target_semaphore(%run_scoped3A : memref<!tpu.dma_semaphore, #tpu.memory_space<semaphore_mem>>)
        %dma_wait3A = arith.constant 0 : i32
        %dma_wait3A_59 = tpu.memref_slice %arg6[%add3A_47, %dma_wait3A] : memref<10240x64xf32, #tpu.memory_space<hbm>> -> memref<128x64xf32, #tpu.memory_space<hbm>>
        %dma_wait3A_60 = arith.constant 0 : i32
        %dma_wait3A_61 = tpu.memref_slice %arg6[%add3A_47, %dma_wait3A_60] : memref<10240x64xf32, #tpu.memory_space<hbm>> -> memref<128x64xf32, #tpu.memory_space<hbm>>
        tpu.wait_dma2 semaphore(%run_scoped3A : memref<!tpu.dma_semaphore, #tpu.memory_space<semaphore_mem>>) src(%arg12 : memref<128x64xf32, #tpu.memory_space<vmem>>) dst(%dma_wait3A_61 : memref<128x64xf32, #tpu.memory_space<hbm>>)
        tpu.yield
      }) : () -> ()
      %add3A_48 = arith.constant 384 : i32
      %add3A_49 = arith.addi %mul3A_0, %add3A_48 : i32
      "tpu.region"() ({
        %run_scoped3A = tpu.sem_alloc : memref<!tpu.dma_semaphore, #tpu.memory_space<semaphore_mem>>
        %dma_start3A = arith.constant 0 : i32
        %dma_start3A_56 = tpu.memref_slice %arg13[%add3A_49, %dma_start3A] : memref<10240x64xf32, #tpu.memory_space<vmem_shared>> -> memref<128x64xf32, #tpu.memory_space<vmem_shared>>
        %dma_start3A_57 = arith.constant 0 : i32
        %dma_start3A_58 = tpu.memref_slice %arg13[%add3A_49, %dma_start3A_57] : memref<10240x64xf32, #tpu.memory_space<vmem_shared>> -> memref<128x64xf32, #tpu.memory_space<vmem_shared>>
        tpu.enqueue_dma source(%dma_start3A_58 : memref<128x64xf32, #tpu.memory_space<vmem_shared>>) target(%arg12 : memref<128x64xf32, #tpu.memory_space<vmem>>) target_semaphore(%run_scoped3A : memref<!tpu.dma_semaphore, #tpu.memory_space<semaphore_mem>>)
        %dma_wait3A = arith.constant 0 : i32
        %dma_wait3A_59 = tpu.memref_slice %arg13[%add3A_49, %dma_wait3A] : memref<10240x64xf32, #tpu.memory_space<vmem_shared>> -> memref<128x64xf32, #tpu.memory_space<vmem_shared>>
        %dma_wait3A_60 = arith.constant 0 : i32
        %dma_wait3A_61 = tpu.memref_slice %arg13[%add3A_49, %dma_wait3A_60] : memref<10240x64xf32, #tpu.memory_space<vmem_shared>> -> memref<128x64xf32, #tpu.memory_space<vmem_shared>>
        tpu.wait_dma2 semaphore(%run_scoped3A : memref<!tpu.dma_semaphore, #tpu.memory_space<semaphore_mem>>) src(%dma_wait3A_61 : memref<128x64xf32, #tpu.memory_space<vmem_shared>>) dst(%arg12 : memref<128x64xf32, #tpu.memory_space<vmem>>)
        tpu.yield
      }) : () -> ()
      %add3A_50 = arith.constant 384 : i32
      %add3A_51 = arith.addi %mul3A_0, %add3A_50 : i32
      "tpu.region"() ({
        %run_scoped3A = tpu.sem_alloc : memref<!tpu.dma_semaphore, #tpu.memory_space<semaphore_mem>>
        %dma_start3A = arith.constant 0 : i32
        %dma_start3A_56 = tpu.memref_slice %arg6[%add3A_51, %dma_start3A] : memref<10240x64xf32, #tpu.memory_space<hbm>> -> memref<128x64xf32, #tpu.memory_space<hbm>>
        %dma_start3A_57 = arith.constant 0 : i32
        %dma_start3A_58 = tpu.memref_slice %arg6[%add3A_51, %dma_start3A_57] : memref<10240x64xf32, #tpu.memory_space<hbm>> -> memref<128x64xf32, #tpu.memory_space<hbm>>
        tpu.enqueue_dma source(%arg12 : memref<128x64xf32, #tpu.memory_space<vmem>>) target(%dma_start3A_58 : memref<128x64xf32, #tpu.memory_space<hbm>>) target_semaphore(%run_scoped3A : memref<!tpu.dma_semaphore, #tpu.memory_space<semaphore_mem>>)
        %dma_wait3A = arith.constant 0 : i32
        %dma_wait3A_59 = tpu.memref_slice %arg6[%add3A_51, %dma_wait3A] : memref<10240x64xf32, #tpu.memory_space<hbm>> -> memref<128x64xf32, #tpu.memory_space<hbm>>
        %dma_wait3A_60 = arith.constant 0 : i32
        %dma_wait3A_61 = tpu.memref_slice %arg6[%add3A_51, %dma_wait3A_60] : memref<10240x64xf32, #tpu.memory_space<hbm>> -> memref<128x64xf32, #tpu.memory_space<hbm>>
        tpu.wait_dma2 semaphore(%run_scoped3A : memref<!tpu.dma_semaphore, #tpu.memory_space<semaphore_mem>>) src(%arg12 : memref<128x64xf32, #tpu.memory_space<vmem>>) dst(%dma_wait3A_61 : memref<128x64xf32, #tpu.memory_space<hbm>>)
        tpu.yield
      }) : () -> ()
      %add3A_52 = arith.constant 512 : i32
      %add3A_53 = arith.addi %mul3A_0, %add3A_52 : i32
      "tpu.region"() ({
        %run_scoped3A = tpu.sem_alloc : memref<!tpu.dma_semaphore, #tpu.memory_space<semaphore_mem>>
        %dma_start3A = arith.constant 0 : i32
        %dma_start3A_56 = tpu.memref_slice %arg13[%add3A_53, %dma_start3A] : memref<10240x64xf32, #tpu.memory_space<vmem_shared>> -> memref<128x64xf32, #tpu.memory_space<vmem_shared>>
        %dma_start3A_57 = arith.constant 0 : i32
        %dma_start3A_58 = tpu.memref_slice %arg13[%add3A_53, %dma_start3A_57] : memref<10240x64xf32, #tpu.memory_space<vmem_shared>> -> memref<128x64xf32, #tpu.memory_space<vmem_shared>>
        tpu.enqueue_dma source(%dma_start3A_58 : memref<128x64xf32, #tpu.memory_space<vmem_shared>>) target(%arg12 : memref<128x64xf32, #tpu.memory_space<vmem>>) target_semaphore(%run_scoped3A : memref<!tpu.dma_semaphore, #tpu.memory_space<semaphore_mem>>)
        %dma_wait3A = arith.constant 0 : i32
        %dma_wait3A_59 = tpu.memref_slice %arg13[%add3A_53, %dma_wait3A] : memref<10240x64xf32, #tpu.memory_space<vmem_shared>> -> memref<128x64xf32, #tpu.memory_space<vmem_shared>>
        %dma_wait3A_60 = arith.constant 0 : i32
        %dma_wait3A_61 = tpu.memref_slice %arg13[%add3A_53, %dma_wait3A_60] : memref<10240x64xf32, #tpu.memory_space<vmem_shared>> -> memref<128x64xf32, #tpu.memory_space<vmem_shared>>
        tpu.wait_dma2 semaphore(%run_scoped3A : memref<!tpu.dma_semaphore, #tpu.memory_space<semaphore_mem>>) src(%dma_wait3A_61 : memref<128x64xf32, #tpu.memory_space<vmem_shared>>) dst(%arg12 : memref<128x64xf32, #tpu.memory_space<vmem>>)
        tpu.yield
      }) : () -> ()
      %add3A_54 = arith.constant 512 : i32
      %add3A_55 = arith.addi %mul3A_0, %add3A_54 : i32
      "tpu.region"() ({
        %run_scoped3A = tpu.sem_alloc : memref<!tpu.dma_semaphore, #tpu.memory_space<semaphore_mem>>
        %dma_start3A = arith.constant 0 : i32
        %dma_start3A_56 = tpu.memref_slice %arg6[%add3A_55, %dma_start3A] : memref<10240x64xf32, #tpu.memory_space<hbm>> -> memref<128x64xf32, #tpu.memory_space<hbm>>
        %dma_start3A_57 = arith.constant 0 : i32
        %dma_start3A_58 = tpu.memref_slice %arg6[%add3A_55, %dma_start3A_57] : memref<10240x64xf32, #tpu.memory_space<hbm>> -> memref<128x64xf32, #tpu.memory_space<hbm>>
        tpu.enqueue_dma source(%arg12 : memref<128x64xf32, #tpu.memory_space<vmem>>) target(%dma_start3A_58 : memref<128x64xf32, #tpu.memory_space<hbm>>) target_semaphore(%run_scoped3A : memref<!tpu.dma_semaphore, #tpu.memory_space<semaphore_mem>>)
        %dma_wait3A = arith.constant 0 : i32
        %dma_wait3A_59 = tpu.memref_slice %arg6[%add3A_55, %dma_wait3A] : memref<10240x64xf32, #tpu.memory_space<hbm>> -> memref<128x64xf32, #tpu.memory_space<hbm>>
        %dma_wait3A_60 = arith.constant 0 : i32
        %dma_wait3A_61 = tpu.memref_slice %arg6[%add3A_55, %dma_wait3A_60] : memref<10240x64xf32, #tpu.memory_space<hbm>> -> memref<128x64xf32, #tpu.memory_space<hbm>>
        tpu.wait_dma2 semaphore(%run_scoped3A : memref<!tpu.dma_semaphore, #tpu.memory_space<semaphore_mem>>) src(%arg12 : memref<128x64xf32, #tpu.memory_space<vmem>>) dst(%dma_wait3A_61 : memref<128x64xf32, #tpu.memory_space<hbm>>)
        tpu.yield
      }) : () -> ()
    } else {
    }
    %eq3A_31 = arith.constant 1 : i32
    %eq3A_32 = arith.cmpi eq, %arg0, %eq3A_31 : i32
    %convert_element_type3A_33 = arith.extui %eq3A_32 : i1 to i32
    %cond3A_34 = arith.constant 0 : i32
    %cond3A_35 = arith.cmpi ne, %convert_element_type3A_33, %cond3A_34 : i32
    scf.if %cond3A_35 {
      %add3A_36 = arith.constant 0 : i32
      %add3A_37 = arith.addi %mul3A_0, %add3A_36 : i32
      "tpu.region"() ({
        %run_scoped3A = tpu.sem_alloc : memref<!tpu.dma_semaphore, #tpu.memory_space<semaphore_mem>>
        %dma_start3A = arith.constant 0 : i32
        %dma_start3A_56 = tpu.memref_slice %arg13[%add3A_37, %dma_start3A] : memref<10240x64xf32, #tpu.memory_space<vmem_shared>> -> memref<128x64xf32, #tpu.memory_space<vmem_shared>>
        %dma_start3A_57 = arith.constant 0 : i32
        %dma_start3A_58 = tpu.memref_slice %arg13[%add3A_37, %dma_start3A_57] : memref<10240x64xf32, #tpu.memory_space<vmem_shared>> -> memref<128x64xf32, #tpu.memory_space<vmem_shared>>
        tpu.enqueue_dma source(%dma_start3A_58 : memref<128x64xf32, #tpu.memory_space<vmem_shared>>) target(%arg12 : memref<128x64xf32, #tpu.memory_space<vmem>>) target_semaphore(%run_scoped3A : memref<!tpu.dma_semaphore, #tpu.memory_space<semaphore_mem>>)
        %dma_wait3A = arith.constant 0 : i32
        %dma_wait3A_59 = tpu.memref_slice %arg13[%add3A_37, %dma_wait3A] : memref<10240x64xf32, #tpu.memory_space<vmem_shared>> -> memref<128x64xf32, #tpu.memory_space<vmem_shared>>
        %dma_wait3A_60 = arith.constant 0 : i32
        %dma_wait3A_61 = tpu.memref_slice %arg13[%add3A_37, %dma_wait3A_60] : memref<10240x64xf32, #tpu.memory_space<vmem_shared>> -> memref<128x64xf32, #tpu.memory_space<vmem_shared>>
        tpu.wait_dma2 semaphore(%run_scoped3A : memref<!tpu.dma_semaphore, #tpu.memory_space<semaphore_mem>>) src(%dma_wait3A_61 : memref<128x64xf32, #tpu.memory_space<vmem_shared>>) dst(%arg12 : memref<128x64xf32, #tpu.memory_space<vmem>>)
        tpu.yield
      }) : () -> ()
      %add3A_38 = arith.constant 0 : i32
      %add3A_39 = arith.addi %mul3A_0, %add3A_38 : i32
      "tpu.region"() ({
        %run_scoped3A = tpu.sem_alloc : memref<!tpu.dma_semaphore, #tpu.memory_space<semaphore_mem>>
        %dma_start3A = arith.constant 0 : i32
        %dma_start3A_56 = tpu.memref_slice %arg7[%add3A_39, %dma_start3A] : memref<10240x64xf32, #tpu.memory_space<hbm>> -> memref<128x64xf32, #tpu.memory_space<hbm>>
        %dma_start3A_57 = arith.constant 0 : i32
        %dma_start3A_58 = tpu.memref_slice %arg7[%add3A_39, %dma_start3A_57] : memref<10240x64xf32, #tpu.memory_space<hbm>> -> memref<128x64xf32, #tpu.memory_space<hbm>>
        tpu.enqueue_dma source(%arg12 : memref<128x64xf32, #tpu.memory_space<vmem>>) target(%dma_start3A_58 : memref<128x64xf32, #tpu.memory_space<hbm>>) target_semaphore(%run_scoped3A : memref<!tpu.dma_semaphore, #tpu.memory_space<semaphore_mem>>)
        %dma_wait3A = arith.constant 0 : i32
        %dma_wait3A_59 = tpu.memref_slice %arg7[%add3A_39, %dma_wait3A] : memref<10240x64xf32, #tpu.memory_space<hbm>> -> memref<128x64xf32, #tpu.memory_space<hbm>>
        %dma_wait3A_60 = arith.constant 0 : i32
        %dma_wait3A_61 = tpu.memref_slice %arg7[%add3A_39, %dma_wait3A_60] : memref<10240x64xf32, #tpu.memory_space<hbm>> -> memref<128x64xf32, #tpu.memory_space<hbm>>
        tpu.wait_dma2 semaphore(%run_scoped3A : memref<!tpu.dma_semaphore, #tpu.memory_space<semaphore_mem>>) src(%arg12 : memref<128x64xf32, #tpu.memory_space<vmem>>) dst(%dma_wait3A_61 : memref<128x64xf32, #tpu.memory_space<hbm>>)
        tpu.yield
      }) : () -> ()
      %add3A_40 = arith.constant 128 : i32
      %add3A_41 = arith.addi %mul3A_0, %add3A_40 : i32
      "tpu.region"() ({
        %run_scoped3A = tpu.sem_alloc : memref<!tpu.dma_semaphore, #tpu.memory_space<semaphore_mem>>
        %dma_start3A = arith.constant 0 : i32
        %dma_start3A_56 = tpu.memref_slice %arg13[%add3A_41, %dma_start3A] : memref<10240x64xf32, #tpu.memory_space<vmem_shared>> -> memref<128x64xf32, #tpu.memory_space<vmem_shared>>
        %dma_start3A_57 = arith.constant 0 : i32
        %dma_start3A_58 = tpu.memref_slice %arg13[%add3A_41, %dma_start3A_57] : memref<10240x64xf32, #tpu.memory_space<vmem_shared>> -> memref<128x64xf32, #tpu.memory_space<vmem_shared>>
        tpu.enqueue_dma source(%dma_start3A_58 : memref<128x64xf32, #tpu.memory_space<vmem_shared>>) target(%arg12 : memref<128x64xf32, #tpu.memory_space<vmem>>) target_semaphore(%run_scoped3A : memref<!tpu.dma_semaphore, #tpu.memory_space<semaphore_mem>>)
        %dma_wait3A = arith.constant 0 : i32
        %dma_wait3A_59 = tpu.memref_slice %arg13[%add3A_41, %dma_wait3A] : memref<10240x64xf32, #tpu.memory_space<vmem_shared>> -> memref<128x64xf32, #tpu.memory_space<vmem_shared>>
        %dma_wait3A_60 = arith.constant 0 : i32
        %dma_wait3A_61 = tpu.memref_slice %arg13[%add3A_41, %dma_wait3A_60] : memref<10240x64xf32, #tpu.memory_space<vmem_shared>> -> memref<128x64xf32, #tpu.memory_space<vmem_shared>>
        tpu.wait_dma2 semaphore(%run_scoped3A : memref<!tpu.dma_semaphore, #tpu.memory_space<semaphore_mem>>) src(%dma_wait3A_61 : memref<128x64xf32, #tpu.memory_space<vmem_shared>>) dst(%arg12 : memref<128x64xf32, #tpu.memory_space<vmem>>)
        tpu.yield
      }) : () -> ()
      %add3A_42 = arith.constant 128 : i32
      %add3A_43 = arith.addi %mul3A_0, %add3A_42 : i32
      "tpu.region"() ({
        %run_scoped3A = tpu.sem_alloc : memref<!tpu.dma_semaphore, #tpu.memory_space<semaphore_mem>>
        %dma_start3A = arith.constant 0 : i32
        %dma_start3A_56 = tpu.memref_slice %arg7[%add3A_43, %dma_start3A] : memref<10240x64xf32, #tpu.memory_space<hbm>> -> memref<128x64xf32, #tpu.memory_space<hbm>>
        %dma_start3A_57 = arith.constant 0 : i32
        %dma_start3A_58 = tpu.memref_slice %arg7[%add3A_43, %dma_start3A_57] : memref<10240x64xf32, #tpu.memory_space<hbm>> -> memref<128x64xf32, #tpu.memory_space<hbm>>
        tpu.enqueue_dma source(%arg12 : memref<128x64xf32, #tpu.memory_space<vmem>>) target(%dma_start3A_58 : memref<128x64xf32, #tpu.memory_space<hbm>>) target_semaphore(%run_scoped3A : memref<!tpu.dma_semaphore, #tpu.memory_space<semaphore_mem>>)
        %dma_wait3A = arith.constant 0 : i32
        %dma_wait3A_59 = tpu.memref_slice %arg7[%add3A_43, %dma_wait3A] : memref<10240x64xf32, #tpu.memory_space<hbm>> -> memref<128x64xf32, #tpu.memory_space<hbm>>
        %dma_wait3A_60 = arith.constant 0 : i32
        %dma_wait3A_61 = tpu.memref_slice %arg7[%add3A_43, %dma_wait3A_60] : memref<10240x64xf32, #tpu.memory_space<hbm>> -> memref<128x64xf32, #tpu.memory_space<hbm>>
        tpu.wait_dma2 semaphore(%run_scoped3A : memref<!tpu.dma_semaphore, #tpu.memory_space<semaphore_mem>>) src(%arg12 : memref<128x64xf32, #tpu.memory_space<vmem>>) dst(%dma_wait3A_61 : memref<128x64xf32, #tpu.memory_space<hbm>>)
        tpu.yield
      }) : () -> ()
      %add3A_44 = arith.constant 256 : i32
      %add3A_45 = arith.addi %mul3A_0, %add3A_44 : i32
      "tpu.region"() ({
        %run_scoped3A = tpu.sem_alloc : memref<!tpu.dma_semaphore, #tpu.memory_space<semaphore_mem>>
        %dma_start3A = arith.constant 0 : i32
        %dma_start3A_56 = tpu.memref_slice %arg13[%add3A_45, %dma_start3A] : memref<10240x64xf32, #tpu.memory_space<vmem_shared>> -> memref<128x64xf32, #tpu.memory_space<vmem_shared>>
        %dma_start3A_57 = arith.constant 0 : i32
        %dma_start3A_58 = tpu.memref_slice %arg13[%add3A_45, %dma_start3A_57] : memref<10240x64xf32, #tpu.memory_space<vmem_shared>> -> memref<128x64xf32, #tpu.memory_space<vmem_shared>>
        tpu.enqueue_dma source(%dma_start3A_58 : memref<128x64xf32, #tpu.memory_space<vmem_shared>>) target(%arg12 : memref<128x64xf32, #tpu.memory_space<vmem>>) target_semaphore(%run_scoped3A : memref<!tpu.dma_semaphore, #tpu.memory_space<semaphore_mem>>)
        %dma_wait3A = arith.constant 0 : i32
        %dma_wait3A_59 = tpu.memref_slice %arg13[%add3A_45, %dma_wait3A] : memref<10240x64xf32, #tpu.memory_space<vmem_shared>> -> memref<128x64xf32, #tpu.memory_space<vmem_shared>>
        %dma_wait3A_60 = arith.constant 0 : i32
        %dma_wait3A_61 = tpu.memref_slice %arg13[%add3A_45, %dma_wait3A_60] : memref<10240x64xf32, #tpu.memory_space<vmem_shared>> -> memref<128x64xf32, #tpu.memory_space<vmem_shared>>
        tpu.wait_dma2 semaphore(%run_scoped3A : memref<!tpu.dma_semaphore, #tpu.memory_space<semaphore_mem>>) src(%dma_wait3A_61 : memref<128x64xf32, #tpu.memory_space<vmem_shared>>) dst(%arg12 : memref<128x64xf32, #tpu.memory_space<vmem>>)
        tpu.yield
      }) : () -> ()
      %add3A_46 = arith.constant 256 : i32
      %add3A_47 = arith.addi %mul3A_0, %add3A_46 : i32
      "tpu.region"() ({
        %run_scoped3A = tpu.sem_alloc : memref<!tpu.dma_semaphore, #tpu.memory_space<semaphore_mem>>
        %dma_start3A = arith.constant 0 : i32
        %dma_start3A_56 = tpu.memref_slice %arg7[%add3A_47, %dma_start3A] : memref<10240x64xf32, #tpu.memory_space<hbm>> -> memref<128x64xf32, #tpu.memory_space<hbm>>
        %dma_start3A_57 = arith.constant 0 : i32
        %dma_start3A_58 = tpu.memref_slice %arg7[%add3A_47, %dma_start3A_57] : memref<10240x64xf32, #tpu.memory_space<hbm>> -> memref<128x64xf32, #tpu.memory_space<hbm>>
        tpu.enqueue_dma source(%arg12 : memref<128x64xf32, #tpu.memory_space<vmem>>) target(%dma_start3A_58 : memref<128x64xf32, #tpu.memory_space<hbm>>) target_semaphore(%run_scoped3A : memref<!tpu.dma_semaphore, #tpu.memory_space<semaphore_mem>>)
        %dma_wait3A = arith.constant 0 : i32
        %dma_wait3A_59 = tpu.memref_slice %arg7[%add3A_47, %dma_wait3A] : memref<10240x64xf32, #tpu.memory_space<hbm>> -> memref<128x64xf32, #tpu.memory_space<hbm>>
        %dma_wait3A_60 = arith.constant 0 : i32
        %dma_wait3A_61 = tpu.memref_slice %arg7[%add3A_47, %dma_wait3A_60] : memref<10240x64xf32, #tpu.memory_space<hbm>> -> memref<128x64xf32, #tpu.memory_space<hbm>>
        tpu.wait_dma2 semaphore(%run_scoped3A : memref<!tpu.dma_semaphore, #tpu.memory_space<semaphore_mem>>) src(%arg12 : memref<128x64xf32, #tpu.memory_space<vmem>>) dst(%dma_wait3A_61 : memref<128x64xf32, #tpu.memory_space<hbm>>)
        tpu.yield
      }) : () -> ()
      %add3A_48 = arith.constant 384 : i32
      %add3A_49 = arith.addi %mul3A_0, %add3A_48 : i32
      "tpu.region"() ({
        %run_scoped3A = tpu.sem_alloc : memref<!tpu.dma_semaphore, #tpu.memory_space<semaphore_mem>>
        %dma_start3A = arith.constant 0 : i32
        %dma_start3A_56 = tpu.memref_slice %arg13[%add3A_49, %dma_start3A] : memref<10240x64xf32, #tpu.memory_space<vmem_shared>> -> memref<128x64xf32, #tpu.memory_space<vmem_shared>>
        %dma_start3A_57 = arith.constant 0 : i32
        %dma_start3A_58 = tpu.memref_slice %arg13[%add3A_49, %dma_start3A_57] : memref<10240x64xf32, #tpu.memory_space<vmem_shared>> -> memref<128x64xf32, #tpu.memory_space<vmem_shared>>
        tpu.enqueue_dma source(%dma_start3A_58 : memref<128x64xf32, #tpu.memory_space<vmem_shared>>) target(%arg12 : memref<128x64xf32, #tpu.memory_space<vmem>>) target_semaphore(%run_scoped3A : memref<!tpu.dma_semaphore, #tpu.memory_space<semaphore_mem>>)
        %dma_wait3A = arith.constant 0 : i32
        %dma_wait3A_59 = tpu.memref_slice %arg13[%add3A_49, %dma_wait3A] : memref<10240x64xf32, #tpu.memory_space<vmem_shared>> -> memref<128x64xf32, #tpu.memory_space<vmem_shared>>
        %dma_wait3A_60 = arith.constant 0 : i32
        %dma_wait3A_61 = tpu.memref_slice %arg13[%add3A_49, %dma_wait3A_60] : memref<10240x64xf32, #tpu.memory_space<vmem_shared>> -> memref<128x64xf32, #tpu.memory_space<vmem_shared>>
        tpu.wait_dma2 semaphore(%run_scoped3A : memref<!tpu.dma_semaphore, #tpu.memory_space<semaphore_mem>>) src(%dma_wait3A_61 : memref<128x64xf32, #tpu.memory_space<vmem_shared>>) dst(%arg12 : memref<128x64xf32, #tpu.memory_space<vmem>>)
        tpu.yield
      }) : () -> ()
      %add3A_50 = arith.constant 384 : i32
      %add3A_51 = arith.addi %mul3A_0, %add3A_50 : i32
      "tpu.region"() ({
        %run_scoped3A = tpu.sem_alloc : memref<!tpu.dma_semaphore, #tpu.memory_space<semaphore_mem>>
        %dma_start3A = arith.constant 0 : i32
        %dma_start3A_56 = tpu.memref_slice %arg7[%add3A_51, %dma_start3A] : memref<10240x64xf32, #tpu.memory_space<hbm>> -> memref<128x64xf32, #tpu.memory_space<hbm>>
        %dma_start3A_57 = arith.constant 0 : i32
        %dma_start3A_58 = tpu.memref_slice %arg7[%add3A_51, %dma_start3A_57] : memref<10240x64xf32, #tpu.memory_space<hbm>> -> memref<128x64xf32, #tpu.memory_space<hbm>>
        tpu.enqueue_dma source(%arg12 : memref<128x64xf32, #tpu.memory_space<vmem>>) target(%dma_start3A_58 : memref<128x64xf32, #tpu.memory_space<hbm>>) target_semaphore(%run_scoped3A : memref<!tpu.dma_semaphore, #tpu.memory_space<semaphore_mem>>)
        %dma_wait3A = arith.constant 0 : i32
        %dma_wait3A_59 = tpu.memref_slice %arg7[%add3A_51, %dma_wait3A] : memref<10240x64xf32, #tpu.memory_space<hbm>> -> memref<128x64xf32, #tpu.memory_space<hbm>>
        %dma_wait3A_60 = arith.constant 0 : i32
        %dma_wait3A_61 = tpu.memref_slice %arg7[%add3A_51, %dma_wait3A_60] : memref<10240x64xf32, #tpu.memory_space<hbm>> -> memref<128x64xf32, #tpu.memory_space<hbm>>
        tpu.wait_dma2 semaphore(%run_scoped3A : memref<!tpu.dma_semaphore, #tpu.memory_space<semaphore_mem>>) src(%arg12 : memref<128x64xf32, #tpu.memory_space<vmem>>) dst(%dma_wait3A_61 : memref<128x64xf32, #tpu.memory_space<hbm>>)
        tpu.yield
      }) : () -> ()
      %add3A_52 = arith.constant 512 : i32
      %add3A_53 = arith.addi %mul3A_0, %add3A_52 : i32
      "tpu.region"() ({
        %run_scoped3A = tpu.sem_alloc : memref<!tpu.dma_semaphore, #tpu.memory_space<semaphore_mem>>
        %dma_start3A = arith.constant 0 : i32
        %dma_start3A_56 = tpu.memref_slice %arg13[%add3A_53, %dma_start3A] : memref<10240x64xf32, #tpu.memory_space<vmem_shared>> -> memref<128x64xf32, #tpu.memory_space<vmem_shared>>
        %dma_start3A_57 = arith.constant 0 : i32
        %dma_start3A_58 = tpu.memref_slice %arg13[%add3A_53, %dma_start3A_57] : memref<10240x64xf32, #tpu.memory_space<vmem_shared>> -> memref<128x64xf32, #tpu.memory_space<vmem_shared>>
        tpu.enqueue_dma source(%dma_start3A_58 : memref<128x64xf32, #tpu.memory_space<vmem_shared>>) target(%arg12 : memref<128x64xf32, #tpu.memory_space<vmem>>) target_semaphore(%run_scoped3A : memref<!tpu.dma_semaphore, #tpu.memory_space<semaphore_mem>>)
        %dma_wait3A = arith.constant 0 : i32
        %dma_wait3A_59 = tpu.memref_slice %arg13[%add3A_53, %dma_wait3A] : memref<10240x64xf32, #tpu.memory_space<vmem_shared>> -> memref<128x64xf32, #tpu.memory_space<vmem_shared>>
        %dma_wait3A_60 = arith.constant 0 : i32
        %dma_wait3A_61 = tpu.memref_slice %arg13[%add3A_53, %dma_wait3A_60] : memref<10240x64xf32, #tpu.memory_space<vmem_shared>> -> memref<128x64xf32, #tpu.memory_space<vmem_shared>>
        tpu.wait_dma2 semaphore(%run_scoped3A : memref<!tpu.dma_semaphore, #tpu.memory_space<semaphore_mem>>) src(%dma_wait3A_61 : memref<128x64xf32, #tpu.memory_space<vmem_shared>>) dst(%arg12 : memref<128x64xf32, #tpu.memory_space<vmem>>)
        tpu.yield
      }) : () -> ()
      %add3A_54 = arith.constant 512 : i32
      %add3A_55 = arith.addi %mul3A_0, %add3A_54 : i32
      "tpu.region"() ({
        %run_scoped3A = tpu.sem_alloc : memref<!tpu.dma_semaphore, #tpu.memory_space<semaphore_mem>>
        %dma_start3A = arith.constant 0 : i32
        %dma_start3A_56 = tpu.memref_slice %arg7[%add3A_55, %dma_start3A] : memref<10240x64xf32, #tpu.memory_space<hbm>> -> memref<128x64xf32, #tpu.memory_space<hbm>>
        %dma_start3A_57 = arith.constant 0 : i32
        %dma_start3A_58 = tpu.memref_slice %arg7[%add3A_55, %dma_start3A_57] : memref<10240x64xf32, #tpu.memory_space<hbm>> -> memref<128x64xf32, #tpu.memory_space<hbm>>
        tpu.enqueue_dma source(%arg12 : memref<128x64xf32, #tpu.memory_space<vmem>>) target(%dma_start3A_58 : memref<128x64xf32, #tpu.memory_space<hbm>>) target_semaphore(%run_scoped3A : memref<!tpu.dma_semaphore, #tpu.memory_space<semaphore_mem>>)
        %dma_wait3A = arith.constant 0 : i32
        %dma_wait3A_59 = tpu.memref_slice %arg7[%add3A_55, %dma_wait3A] : memref<10240x64xf32, #tpu.memory_space<hbm>> -> memref<128x64xf32, #tpu.memory_space<hbm>>
        %dma_wait3A_60 = arith.constant 0 : i32
        %dma_wait3A_61 = tpu.memref_slice %arg7[%add3A_55, %dma_wait3A_60] : memref<10240x64xf32, #tpu.memory_space<hbm>> -> memref<128x64xf32, #tpu.memory_space<hbm>>
        tpu.wait_dma2 semaphore(%run_scoped3A : memref<!tpu.dma_semaphore, #tpu.memory_space<semaphore_mem>>) src(%arg12 : memref<128x64xf32, #tpu.memory_space<vmem>>) dst(%dma_wait3A_61 : memref<128x64xf32, #tpu.memory_space<hbm>>)
        tpu.yield
      }) : () -> ()
    } else {
    }
    return
  }
}

#map = affine_map<(d0, d1) -> (0, 0)>
#map1 = affine_map<(d0, d1) -> (0, 0, 0)>
module attributes {stable_mosaic.version = 14 : i64} {
  func.func @body(%arg0: i32, %arg1: i32, %arg2: memref<10000x64xf32, #tpu.memory_space<hbm>>, %arg3: memref<10000x64xf32, #tpu.memory_space<hbm>>, %arg4: memref<16x158x128xi32, #tpu.memory_space<hbm>>, %arg5: memref<16x158x128xi32, #tpu.memory_space<hbm>>, %arg6: memref<10240x64xf32, #tpu.memory_space<hbm>>, %arg7: memref<10240x64xf32, #tpu.memory_space<hbm>>, %arg8: memref<10240x16xf32, #tpu.memory_space<hbm>>, %arg9: memref<10240x16xf32, #tpu.memory_space<hbm>>, %arg10: memref<158x128xi32, #tpu.memory_space<vmem>>, %arg11: memref<158x128xi32, #tpu.memory_space<vmem>>, %arg12: memref<128x64xf32, #tpu.memory_space<vmem>>, %arg13: memref<128x64xf32, #tpu.memory_space<vmem>>, %arg14: memref<128x16xf32, #tpu.memory_space<vmem>>, %arg15: memref<128x64xf32, #tpu.memory_space<vmem>>, %arg16: memref<640x16xf32, #tpu.memory_space<vmem>>, %arg17: memref<128xi32, #tpu.memory_space<vmem>>, %arg18: memref<10240x64xf32, #tpu.memory_space<vmem_shared>>, %arg19: memref<10240x16xf32, #tpu.memory_space<vmem_shared>>, %arg20: memref<!tpu.dma_semaphore, #tpu.memory_space<semaphore_mem>>, %arg21: memref<!tpu.dma_semaphore, #tpu.memory_space<semaphore_mem>>, %arg22: memref<!tpu.dma_semaphore, #tpu.memory_space<semaphore_mem>>, %arg23: memref<!tpu.dma_semaphore, #tpu.memory_space<semaphore_mem>>, %arg24: memref<!tpu.dma_semaphore, #tpu.memory_space<semaphore_mem>>) attributes {dimension_semantics = [#tpu.dimension_semantics<core_parallel>, #tpu.dimension_semantics<subcore_parallel>], iteration_bounds = array<i64: 2, 16>, scalar_prefetch = 0 : i64, scratch_operands = 15 : i64, tpu.core_type = #tpu.core_type<sc_vector_subcore>, window_params = [{transform_indices = #map}, {transform_indices = #map}, {transform_indices = #map1}, {transform_indices = #map1}, {transform_indices = #map}, {transform_indices = #map}, {transform_indices = #map}, {transform_indices = #map}]} {
    %mul3A = arith.constant 640 : i32
    %mul3A_0 = arith.muli %arg1, %mul3A : i32
    %broadcast_in_dim3A = arith.constant 0.000000e+00 : f32
    %broadcast_in_dim3A_1 = vector.broadcast %broadcast_in_dim3A : f32 to vector<16xf32>
    %broadcast_in_dim3A_2 = arith.constant 1.000000e+00 : f32
    %broadcast_in_dim3A_3 = vector.broadcast %broadcast_in_dim3A_2 : f32 to vector<16xf32>
    %scan3A = arith.constant 0 : i32
    %scan3A_4 = arith.constant 0 : i32
    %scan3A_5 = arith.constant 128 : i32
    %scan3A_6 = arith.addi %scan3A_4, %scan3A_5 : i32
    %scan3A_7 = arith.constant 1 : i32
    scf.for %scan3A_56 = %scan3A_4 to %scan3A_6 step %scan3A_7  : i32 {
      %swap3A = arith.index_cast %scan3A_56 : i32 to index
      %swap3A_57 = arith.constant 0 : index
      %swap3A_58 = tpu.vector_load %arg15[%swap3A, %swap3A_57] {strides = array<i32>} : memref<128x64xf32, #tpu.memory_space<vmem>>, vector<1x16xf32>,
      %swap3A_59 = vector.shape_cast %swap3A_58 : vector<1x16xf32> to vector<16xf32>
      %swap3A_60 = vector.shape_cast %broadcast_in_dim3A_1 : vector<16xf32> to vector<1x16xf32>
      tpu.vector_store %arg15[%swap3A, %swap3A_57], %swap3A_60 {strides = array<i32>} : memref<128x64xf32, #tpu.memory_space<vmem>>, vector<1x16xf32>,
      %swap3A_61 = arith.index_cast %scan3A_56 : i32 to index
      %swap3A_62 = arith.constant 16 : index
      %swap3A_63 = tpu.vector_load %arg15[%swap3A_61, %swap3A_62] {strides = array<i32>} : memref<128x64xf32, #tpu.memory_space<vmem>>, vector<1x16xf32>,
      %swap3A_64 = vector.shape_cast %swap3A_63 : vector<1x16xf32> to vector<16xf32>
      %swap3A_65 = vector.shape_cast %broadcast_in_dim3A_1 : vector<16xf32> to vector<1x16xf32>
      tpu.vector_store %arg15[%swap3A_61, %swap3A_62], %swap3A_65 {strides = array<i32>} : memref<128x64xf32, #tpu.memory_space<vmem>>, vector<1x16xf32>,
      %swap3A_66 = arith.index_cast %scan3A_56 : i32 to index
      %swap3A_67 = arith.constant 32 : index
      %swap3A_68 = tpu.vector_load %arg15[%swap3A_66, %swap3A_67] {strides = array<i32>} : memref<128x64xf32, #tpu.memory_space<vmem>>, vector<1x16xf32>,
      %swap3A_69 = vector.shape_cast %swap3A_68 : vector<1x16xf32> to vector<16xf32>
      %swap3A_70 = vector.shape_cast %broadcast_in_dim3A_1 : vector<16xf32> to vector<1x16xf32>
      tpu.vector_store %arg15[%swap3A_66, %swap3A_67], %swap3A_70 {strides = array<i32>} : memref<128x64xf32, #tpu.memory_space<vmem>>, vector<1x16xf32>,
      %swap3A_71 = arith.index_cast %scan3A_56 : i32 to index
      %swap3A_72 = arith.constant 48 : index
      %swap3A_73 = tpu.vector_load %arg15[%swap3A_71, %swap3A_72] {strides = array<i32>} : memref<128x64xf32, #tpu.memory_space<vmem>>, vector<1x16xf32>,
      %swap3A_74 = vector.shape_cast %swap3A_73 : vector<1x16xf32> to vector<16xf32>
      %swap3A_75 = vector.shape_cast %broadcast_in_dim3A_1 : vector<16xf32> to vector<1x16xf32>
      tpu.vector_store %arg15[%swap3A_71, %swap3A_72], %swap3A_75 {strides = array<i32>} : memref<128x64xf32, #tpu.memory_space<vmem>>, vector<1x16xf32>,
    }
    %scan3A_8 = arith.constant 128 : i32
    %scan3A_9 = arith.constant 0 : i32
    %scan3A_10 = arith.constant 0 : i32
    %scan3A_11 = arith.constant 640 : i32
    %scan3A_12 = arith.addi %scan3A_10, %scan3A_11 : i32
    %scan3A_13 = arith.constant 1 : i32
    scf.for %scan3A_56 = %scan3A_10 to %scan3A_12 step %scan3A_13  : i32 {
      %swap3A = arith.index_cast %scan3A_56 : i32 to index
      %swap3A_57 = arith.constant 0 : index
      %swap3A_58 = tpu.vector_load %arg16[%swap3A, %swap3A_57] {strides = array<i32>} : memref<640x16xf32, #tpu.memory_space<vmem>>, vector<1x16xf32>,
      %swap3A_59 = vector.shape_cast %swap3A_58 : vector<1x16xf32> to vector<16xf32>
      %swap3A_60 = vector.shape_cast %broadcast_in_dim3A_1 : vector<16xf32> to vector<1x16xf32>
      tpu.vector_store %arg16[%swap3A, %swap3A_57], %swap3A_60 {strides = array<i32>} : memref<640x16xf32, #tpu.memory_space<vmem>>, vector<1x16xf32>,
    }
    %scan3A_14 = arith.constant 640 : i32
    %scan3A_15 = arith.constant 0 : i32
    %scan3A_16 = arith.constant 0 : i32
    %scan3A_17 = arith.constant 128 : i32
    %scan3A_18 = arith.addi %scan3A_16, %scan3A_17 : i32
    %scan3A_19 = arith.constant 1 : i32
    scf.for %scan3A_56 = %scan3A_16 to %scan3A_18 step %scan3A_19  : i32 {
      %swap3A = arith.index_cast %scan3A_56 : i32 to index
      %swap3A_57 = arith.constant 0 : index
      %swap3A_58 = tpu.vector_load %arg14[%swap3A, %swap3A_57] {strides = array<i32>} : memref<128x16xf32, #tpu.memory_space<vmem>>, vector<1x16xf32>,
      %swap3A_59 = vector.shape_cast %swap3A_58 : vector<1x16xf32> to vector<16xf32>
      %swap3A_60 = vector.shape_cast %broadcast_in_dim3A_3 : vector<16xf32> to vector<1x16xf32>
      tpu.vector_store %arg14[%swap3A, %swap3A_57], %swap3A_60 {strides = array<i32>} : memref<128x16xf32, #tpu.memory_space<vmem>>, vector<1x16xf32>,
    }
    %scan3A_20 = arith.constant 128 : i32
    %broadcast_in_dim3A_21 = arith.constant 10000 : i32
    %broadcast_in_dim3A_22 = vector.broadcast %broadcast_in_dim3A_21 : i32 to vector<16xi32>
    %scan3A_23 = arith.constant 0 : i32
    %scan3A_24 = arith.constant 0 : i32
    %scan3A_25 = arith.constant 8 : i32
    %scan3A_26 = arith.addi %scan3A_24, %scan3A_25 : i32
    %scan3A_27 = arith.constant 1 : i32
    scf.for %scan3A_56 = %scan3A_24 to %scan3A_26 step %scan3A_27  : i32 {
      %mul3A_57 = arith.constant 16 : i32
      %mul3A_58 = arith.muli %scan3A_56, %mul3A_57 : i32
      %swap3A = arith.index_cast %mul3A_58 : i32 to index
      %swap3A_59 = tpu.vector_load %arg17[%swap3A] {strides = array<i32>} : memref<128xi32, #tpu.memory_space<vmem>>, vector<16xi32>,
      %swap3A_60 = vector.shape_cast %swap3A_59 : vector<16xi32> to vector<16xi32>
      %swap3A_61 = vector.shape_cast %broadcast_in_dim3A_22 : vector<16xi32> to vector<16xi32>
      tpu.vector_store %arg17[%swap3A], %swap3A_61 {strides = array<i32>} : memref<128xi32, #tpu.memory_space<vmem>>, vector<16xi32>,
    }
    %scan3A_28 = arith.constant 8 : i32
    %add3A = arith.constant 0 : i32
    %add3A_29 = arith.addi %mul3A_0, %add3A : i32
    "tpu.region"() ({
      %run_scoped3A = tpu.sem_alloc : memref<!tpu.dma_semaphore, #tpu.memory_space<semaphore_mem>>
      %dma_start3A = arith.constant 0 : i32
      %dma_start3A_56 = tpu.memref_slice %arg18[%add3A_29, %dma_start3A] : memref<10240x64xf32, #tpu.memory_space<vmem_shared>> -> memref<128x64xf32, #tpu.memory_space<vmem_shared>>
      %dma_start3A_57 = arith.constant 0 : i32
      %dma_start3A_58 = tpu.memref_slice %arg18[%add3A_29, %dma_start3A_57] : memref<10240x64xf32, #tpu.memory_space<vmem_shared>> -> memref<128x64xf32, #tpu.memory_space<vmem_shared>>
      tpu.enqueue_dma source(%arg15 : memref<128x64xf32, #tpu.memory_space<vmem>>) target(%dma_start3A_58 : memref<128x64xf32, #tpu.memory_space<vmem_shared>>) target_semaphore(%run_scoped3A : memref<!tpu.dma_semaphore, #tpu.memory_space<semaphore_mem>>)
      %dma_wait3A = arith.constant 0 : i32
      %dma_wait3A_59 = tpu.memref_slice %arg18[%add3A_29, %dma_wait3A] : memref<10240x64xf32, #tpu.memory_space<vmem_shared>> -> memref<128x64xf32, #tpu.memory_space<vmem_shared>>
      %dma_wait3A_60 = arith.constant 0 : i32
      %dma_wait3A_61 = tpu.memref_slice %arg18[%add3A_29, %dma_wait3A_60] : memref<10240x64xf32, #tpu.memory_space<vmem_shared>> -> memref<128x64xf32, #tpu.memory_space<vmem_shared>>
      tpu.wait_dma2 semaphore(%run_scoped3A : memref<!tpu.dma_semaphore, #tpu.memory_space<semaphore_mem>>) src(%arg15 : memref<128x64xf32, #tpu.memory_space<vmem>>) dst(%dma_wait3A_61 : memref<128x64xf32, #tpu.memory_space<vmem_shared>>)
      tpu.yield
    }) : () -> ()
    %add3A_30 = arith.constant 128 : i32
    %add3A_31 = arith.addi %mul3A_0, %add3A_30 : i32
    "tpu.region"() ({
      %run_scoped3A = tpu.sem_alloc : memref<!tpu.dma_semaphore, #tpu.memory_space<semaphore_mem>>
      %dma_start3A = arith.constant 0 : i32
      %dma_start3A_56 = tpu.memref_slice %arg18[%add3A_31, %dma_start3A] : memref<10240x64xf32, #tpu.memory_space<vmem_shared>> -> memref<128x64xf32, #tpu.memory_space<vmem_shared>>
      %dma_start3A_57 = arith.constant 0 : i32
      %dma_start3A_58 = tpu.memref_slice %arg18[%add3A_31, %dma_start3A_57] : memref<10240x64xf32, #tpu.memory_space<vmem_shared>> -> memref<128x64xf32, #tpu.memory_space<vmem_shared>>
      tpu.enqueue_dma source(%arg15 : memref<128x64xf32, #tpu.memory_space<vmem>>) target(%dma_start3A_58 : memref<128x64xf32, #tpu.memory_space<vmem_shared>>) target_semaphore(%run_scoped3A : memref<!tpu.dma_semaphore, #tpu.memory_space<semaphore_mem>>)
      %dma_wait3A = arith.constant 0 : i32
      %dma_wait3A_59 = tpu.memref_slice %arg18[%add3A_31, %dma_wait3A] : memref<10240x64xf32, #tpu.memory_space<vmem_shared>> -> memref<128x64xf32, #tpu.memory_space<vmem_shared>>
      %dma_wait3A_60 = arith.constant 0 : i32
      %dma_wait3A_61 = tpu.memref_slice %arg18[%add3A_31, %dma_wait3A_60] : memref<10240x64xf32, #tpu.memory_space<vmem_shared>> -> memref<128x64xf32, #tpu.memory_space<vmem_shared>>
      tpu.wait_dma2 semaphore(%run_scoped3A : memref<!tpu.dma_semaphore, #tpu.memory_space<semaphore_mem>>) src(%arg15 : memref<128x64xf32, #tpu.memory_space<vmem>>) dst(%dma_wait3A_61 : memref<128x64xf32, #tpu.memory_space<vmem_shared>>)
      tpu.yield
    }) : () -> ()
    %add3A_32 = arith.constant 256 : i32
    %add3A_33 = arith.addi %mul3A_0, %add3A_32 : i32
    "tpu.region"() ({
      %run_scoped3A = tpu.sem_alloc : memref<!tpu.dma_semaphore, #tpu.memory_space<semaphore_mem>>
      %dma_start3A = arith.constant 0 : i32
      %dma_start3A_56 = tpu.memref_slice %arg18[%add3A_33, %dma_start3A] : memref<10240x64xf32, #tpu.memory_space<vmem_shared>> -> memref<128x64xf32, #tpu.memory_space<vmem_shared>>
      %dma_start3A_57 = arith.constant 0 : i32
      %dma_start3A_58 = tpu.memref_slice %arg18[%add3A_33, %dma_start3A_57] : memref<10240x64xf32, #tpu.memory_space<vmem_shared>> -> memref<128x64xf32, #tpu.memory_space<vmem_shared>>
      tpu.enqueue_dma source(%arg15 : memref<128x64xf32, #tpu.memory_space<vmem>>) target(%dma_start3A_58 : memref<128x64xf32, #tpu.memory_space<vmem_shared>>) target_semaphore(%run_scoped3A : memref<!tpu.dma_semaphore, #tpu.memory_space<semaphore_mem>>)
      %dma_wait3A = arith.constant 0 : i32
      %dma_wait3A_59 = tpu.memref_slice %arg18[%add3A_33, %dma_wait3A] : memref<10240x64xf32, #tpu.memory_space<vmem_shared>> -> memref<128x64xf32, #tpu.memory_space<vmem_shared>>
      %dma_wait3A_60 = arith.constant 0 : i32
      %dma_wait3A_61 = tpu.memref_slice %arg18[%add3A_33, %dma_wait3A_60] : memref<10240x64xf32, #tpu.memory_space<vmem_shared>> -> memref<128x64xf32, #tpu.memory_space<vmem_shared>>
      tpu.wait_dma2 semaphore(%run_scoped3A : memref<!tpu.dma_semaphore, #tpu.memory_space<semaphore_mem>>) src(%arg15 : memref<128x64xf32, #tpu.memory_space<vmem>>) dst(%dma_wait3A_61 : memref<128x64xf32, #tpu.memory_space<vmem_shared>>)
      tpu.yield
    }) : () -> ()
    %add3A_34 = arith.constant 384 : i32
    %add3A_35 = arith.addi %mul3A_0, %add3A_34 : i32
    "tpu.region"() ({
      %run_scoped3A = tpu.sem_alloc : memref<!tpu.dma_semaphore, #tpu.memory_space<semaphore_mem>>
      %dma_start3A = arith.constant 0 : i32
      %dma_start3A_56 = tpu.memref_slice %arg18[%add3A_35, %dma_start3A] : memref<10240x64xf32, #tpu.memory_space<vmem_shared>> -> memref<128x64xf32, #tpu.memory_space<vmem_shared>>
      %dma_start3A_57 = arith.constant 0 : i32
      %dma_start3A_58 = tpu.memref_slice %arg18[%add3A_35, %dma_start3A_57] : memref<10240x64xf32, #tpu.memory_space<vmem_shared>> -> memref<128x64xf32, #tpu.memory_space<vmem_shared>>
      tpu.enqueue_dma source(%arg15 : memref<128x64xf32, #tpu.memory_space<vmem>>) target(%dma_start3A_58 : memref<128x64xf32, #tpu.memory_space<vmem_shared>>) target_semaphore(%run_scoped3A : memref<!tpu.dma_semaphore, #tpu.memory_space<semaphore_mem>>)
      %dma_wait3A = arith.constant 0 : i32
      %dma_wait3A_59 = tpu.memref_slice %arg18[%add3A_35, %dma_wait3A] : memref<10240x64xf32, #tpu.memory_space<vmem_shared>> -> memref<128x64xf32, #tpu.memory_space<vmem_shared>>
      %dma_wait3A_60 = arith.constant 0 : i32
      %dma_wait3A_61 = tpu.memref_slice %arg18[%add3A_35, %dma_wait3A_60] : memref<10240x64xf32, #tpu.memory_space<vmem_shared>> -> memref<128x64xf32, #tpu.memory_space<vmem_shared>>
      tpu.wait_dma2 semaphore(%run_scoped3A : memref<!tpu.dma_semaphore, #tpu.memory_space<semaphore_mem>>) src(%arg15 : memref<128x64xf32, #tpu.memory_space<vmem>>) dst(%dma_wait3A_61 : memref<128x64xf32, #tpu.memory_space<vmem_shared>>)
      tpu.yield
    }) : () -> ()
    %add3A_36 = arith.constant 512 : i32
    %add3A_37 = arith.addi %mul3A_0, %add3A_36 : i32
    "tpu.region"() ({
      %run_scoped3A = tpu.sem_alloc : memref<!tpu.dma_semaphore, #tpu.memory_space<semaphore_mem>>
      %dma_start3A = arith.constant 0 : i32
      %dma_start3A_56 = tpu.memref_slice %arg18[%add3A_37, %dma_start3A] : memref<10240x64xf32, #tpu.memory_space<vmem_shared>> -> memref<128x64xf32, #tpu.memory_space<vmem_shared>>
      %dma_start3A_57 = arith.constant 0 : i32
      %dma_start3A_58 = tpu.memref_slice %arg18[%add3A_37, %dma_start3A_57] : memref<10240x64xf32, #tpu.memory_space<vmem_shared>> -> memref<128x64xf32, #tpu.memory_space<vmem_shared>>
      tpu.enqueue_dma source(%arg15 : memref<128x64xf32, #tpu.memory_space<vmem>>) target(%dma_start3A_58 : memref<128x64xf32, #tpu.memory_space<vmem_shared>>) target_semaphore(%run_scoped3A : memref<!tpu.dma_semaphore, #tpu.memory_space<semaphore_mem>>)
      %dma_wait3A = arith.constant 0 : i32
      %dma_wait3A_59 = tpu.memref_slice %arg18[%add3A_37, %dma_wait3A] : memref<10240x64xf32, #tpu.memory_space<vmem_shared>> -> memref<128x64xf32, #tpu.memory_space<vmem_shared>>
      %dma_wait3A_60 = arith.constant 0 : i32
      %dma_wait3A_61 = tpu.memref_slice %arg18[%add3A_37, %dma_wait3A_60] : memref<10240x64xf32, #tpu.memory_space<vmem_shared>> -> memref<128x64xf32, #tpu.memory_space<vmem_shared>>
      tpu.wait_dma2 semaphore(%run_scoped3A : memref<!tpu.dma_semaphore, #tpu.memory_space<semaphore_mem>>) src(%arg15 : memref<128x64xf32, #tpu.memory_space<vmem>>) dst(%dma_wait3A_61 : memref<128x64xf32, #tpu.memory_space<vmem_shared>>)
      tpu.yield
    }) : () -> ()
    "tpu.region"() ({
      %run_scoped3A = tpu.sem_alloc : memref<!tpu.dma_semaphore, #tpu.memory_space<semaphore_mem>>
      %dma_start3A = arith.constant 0 : i32
      %dma_start3A_56 = tpu.memref_slice %arg19[%mul3A_0, %dma_start3A] : memref<10240x16xf32, #tpu.memory_space<vmem_shared>> -> memref<640x16xf32, #tpu.memory_space<vmem_shared>>
      %dma_start3A_57 = arith.constant 0 : i32
      %dma_start3A_58 = tpu.memref_slice %arg19[%mul3A_0, %dma_start3A_57] : memref<10240x16xf32, #tpu.memory_space<vmem_shared>> -> memref<640x16xf32, #tpu.memory_space<vmem_shared>>
      tpu.enqueue_dma source(%arg16 : memref<640x16xf32, #tpu.memory_space<vmem>>) target(%dma_start3A_58 : memref<640x16xf32, #tpu.memory_space<vmem_shared>>) target_semaphore(%run_scoped3A : memref<!tpu.dma_semaphore, #tpu.memory_space<semaphore_mem>>)
      %dma_wait3A = arith.constant 0 : i32
      %dma_wait3A_59 = tpu.memref_slice %arg19[%mul3A_0, %dma_wait3A] : memref<10240x16xf32, #tpu.memory_space<vmem_shared>> -> memref<640x16xf32, #tpu.memory_space<vmem_shared>>
      %dma_wait3A_60 = arith.constant 0 : i32
      %dma_wait3A_61 = tpu.memref_slice %arg19[%mul3A_0, %dma_wait3A_60] : memref<10240x16xf32, #tpu.memory_space<vmem_shared>> -> memref<640x16xf32, #tpu.memory_space<vmem_shared>>
      tpu.wait_dma2 semaphore(%run_scoped3A : memref<!tpu.dma_semaphore, #tpu.memory_space<semaphore_mem>>) src(%arg16 : memref<640x16xf32, #tpu.memory_space<vmem>>) dst(%dma_wait3A_61 : memref<640x16xf32, #tpu.memory_space<vmem_shared>>)
      tpu.yield
    }) : () -> ()
    "tpu.region"() ({
      %run_scoped3A = tpu.sem_alloc : memref<!tpu.dma_semaphore, #tpu.memory_space<semaphore_mem>>
      %dma_start3A = arith.constant 0 : i32
      %dma_start3A_56 = arith.constant 0 : i32
      %dma_start3A_57 = tpu.memref_slice %arg4[%arg1, %dma_start3A, %dma_start3A_56] : memref<16x158x128xi32, #tpu.memory_space<hbm>> -> memref<1x158x128xi32, #tpu.memory_space<hbm>>
      %dma_start3A_58 = tpu.memref_squeeze %dma_start3A_57 : memref<1x158x128xi32, #tpu.memory_space<hbm>> -> memref<158x128xi32, #tpu.memory_space<hbm>>
      %dma_start3A_59 = arith.constant 0 : i32
      %dma_start3A_60 = arith.constant 0 : i32
      %dma_start3A_61 = tpu.memref_slice %arg4[%arg1, %dma_start3A_59, %dma_start3A_60] : memref<16x158x128xi32, #tpu.memory_space<hbm>> -> memref<1x158x128xi32, #tpu.memory_space<hbm>>
      %dma_start3A_62 = tpu.memref_squeeze %dma_start3A_61 : memref<1x158x128xi32, #tpu.memory_space<hbm>> -> memref<158x128xi32, #tpu.memory_space<hbm>>
      tpu.enqueue_dma source(%dma_start3A_62 : memref<158x128xi32, #tpu.memory_space<hbm>>) target(%arg10 : memref<158x128xi32, #tpu.memory_space<vmem>>) target_semaphore(%run_scoped3A : memref<!tpu.dma_semaphore, #tpu.memory_space<semaphore_mem>>)
      %dma_wait3A = arith.constant 0 : i32
      %dma_wait3A_63 = arith.constant 0 : i32
      %dma_wait3A_64 = tpu.memref_slice %arg4[%arg1, %dma_wait3A, %dma_wait3A_63] : memref<16x158x128xi32, #tpu.memory_space<hbm>> -> memref<1x158x128xi32, #tpu.memory_space<hbm>>
      %dma_wait3A_65 = tpu.memref_squeeze %dma_wait3A_64 : memref<1x158x128xi32, #tpu.memory_space<hbm>> -> memref<158x128xi32, #tpu.memory_space<hbm>>
      %dma_wait3A_66 = arith.constant 0 : i32
      %dma_wait3A_67 = arith.constant 0 : i32
      %dma_wait3A_68 = tpu.memref_slice %arg4[%arg1, %dma_wait3A_66, %dma_wait3A_67] : memref<16x158x128xi32, #tpu.memory_space<hbm>> -> memref<1x158x128xi32, #tpu.memory_space<hbm>>
      %dma_wait3A_69 = tpu.memref_squeeze %dma_wait3A_68 : memref<1x158x128xi32, #tpu.memory_space<hbm>> -> memref<158x128xi32, #tpu.memory_space<hbm>>
      tpu.wait_dma2 semaphore(%run_scoped3A : memref<!tpu.dma_semaphore, #tpu.memory_space<semaphore_mem>>) src(%dma_wait3A_69 : memref<158x128xi32, #tpu.memory_space<hbm>>) dst(%arg10 : memref<158x128xi32, #tpu.memory_space<vmem>>)
      tpu.yield
    }) : () -> ()
    "tpu.region"() ({
      %run_scoped3A = tpu.sem_alloc : memref<!tpu.dma_semaphore, #tpu.memory_space<semaphore_mem>>
      %dma_start3A = arith.constant 0 : i32
      %dma_start3A_56 = arith.constant 0 : i32
      %dma_start3A_57 = tpu.memref_slice %arg5[%arg1, %dma_start3A, %dma_start3A_56] : memref<16x158x128xi32, #tpu.memory_space<hbm>> -> memref<1x158x128xi32, #tpu.memory_space<hbm>>
      %dma_start3A_58 = tpu.memref_squeeze %dma_start3A_57 : memref<1x158x128xi32, #tpu.memory_space<hbm>> -> memref<158x128xi32, #tpu.memory_space<hbm>>
      %dma_start3A_59 = arith.constant 0 : i32
      %dma_start3A_60 = arith.constant 0 : i32
      %dma_start3A_61 = tpu.memref_slice %arg5[%arg1, %dma_start3A_59, %dma_start3A_60] : memref<16x158x128xi32, #tpu.memory_space<hbm>> -> memref<1x158x128xi32, #tpu.memory_space<hbm>>
      %dma_start3A_62 = tpu.memref_squeeze %dma_start3A_61 : memref<1x158x128xi32, #tpu.memory_space<hbm>> -> memref<158x128xi32, #tpu.memory_space<hbm>>
      tpu.enqueue_dma source(%dma_start3A_62 : memref<158x128xi32, #tpu.memory_space<hbm>>) target(%arg11 : memref<158x128xi32, #tpu.memory_space<vmem>>) target_semaphore(%run_scoped3A : memref<!tpu.dma_semaphore, #tpu.memory_space<semaphore_mem>>)
      %dma_wait3A = arith.constant 0 : i32
      %dma_wait3A_63 = arith.constant 0 : i32
      %dma_wait3A_64 = tpu.memref_slice %arg5[%arg1, %dma_wait3A, %dma_wait3A_63] : memref<16x158x128xi32, #tpu.memory_space<hbm>> -> memref<1x158x128xi32, #tpu.memory_space<hbm>>
      %dma_wait3A_65 = tpu.memref_squeeze %dma_wait3A_64 : memref<1x158x128xi32, #tpu.memory_space<hbm>> -> memref<158x128xi32, #tpu.memory_space<hbm>>
      %dma_wait3A_66 = arith.constant 0 : i32
      %dma_wait3A_67 = arith.constant 0 : i32
      %dma_wait3A_68 = tpu.memref_slice %arg5[%arg1, %dma_wait3A_66, %dma_wait3A_67] : memref<16x158x128xi32, #tpu.memory_space<hbm>> -> memref<1x158x128xi32, #tpu.memory_space<hbm>>
      %dma_wait3A_69 = tpu.memref_squeeze %dma_wait3A_68 : memref<1x158x128xi32, #tpu.memory_space<hbm>> -> memref<158x128xi32, #tpu.memory_space<hbm>>
      tpu.wait_dma2 semaphore(%run_scoped3A : memref<!tpu.dma_semaphore, #tpu.memory_space<semaphore_mem>>) src(%dma_wait3A_69 : memref<158x128xi32, #tpu.memory_space<hbm>>) dst(%arg11 : memref<158x128xi32, #tpu.memory_space<vmem>>)
      tpu.yield
    }) : () -> ()
    %barrier3A = arith.constant 0 : index
    tpu.barrier barrier_id(%barrier3A)
    %eq3A = arith.constant 0 : i32
    %eq3A_38 = arith.cmpi eq, %arg0, %eq3A : i32
    %convert_element_type3A = arith.extui %eq3A_38 : i1 to i32
    %cond3A = arith.constant 0 : i32
    %cond3A_39 = arith.cmpi ne, %convert_element_type3A, %cond3A : i32
    scf.if %cond3A_39 {
      %dma_start3A = arith.constant 0 : i32
      %dma_start3A_56 = arith.constant 0 : i32
      %dma_start3A_57 = tpu.memref_slice %arg19[%dma_start3A, %dma_start3A_56] : memref<10240x16xf32, #tpu.memory_space<vmem_shared>> -> memref<10240x16xf32, #tpu.memory_space<vmem_shared>>
      tpu.enqueue_indirect_dma source(%arg14 : memref<128x16xf32, #tpu.memory_space<vmem>>) target(%dma_start3A_57 : memref<10240x16xf32, #tpu.memory_space<vmem_shared>>) offsets(%arg17 : memref<128xi32, #tpu.memory_space<vmem>>) semaphore(%arg24 : memref<!tpu.dma_semaphore, #tpu.memory_space<semaphore_mem>>) {add = true}
      %dma_start3A_58 = arith.constant 0 : i32
      %dma_start3A_59 = arith.constant 0 : i32
      %dma_start3A_60 = tpu.memref_slice %arg10[%dma_start3A_58, %dma_start3A_59] : memref<158x128xi32, #tpu.memory_space<vmem>> -> memref<1x128xi32, #tpu.memory_space<vmem>>
      %dma_start3A_61 = tpu.memref_squeeze %dma_start3A_60 : memref<1x128xi32, #tpu.memory_space<vmem>> -> memref<128xi32, #tpu.memory_space<vmem>>
      %dma_start3A_62 = arith.constant 0 : i32
      %dma_start3A_63 = arith.constant 0 : i32
      %dma_start3A_64 = tpu.memref_slice %arg2[%dma_start3A_62, %dma_start3A_63] : memref<10000x64xf32, #tpu.memory_space<hbm>> -> memref<10000x64xf32, #tpu.memory_space<hbm>>
      tpu.enqueue_indirect_dma source(%dma_start3A_64 : memref<10000x64xf32, #tpu.memory_space<hbm>>) target(%arg12 : memref<128x64xf32, #tpu.memory_space<vmem>>) offsets(%dma_start3A_61 : memref<128xi32, #tpu.memory_space<vmem>>) semaphore(%arg20 : memref<!tpu.dma_semaphore, #tpu.memory_space<semaphore_mem>>)
      %dma_start3A_65 = arith.constant 1 : i32
      %dma_start3A_66 = arith.constant 0 : i32
      %dma_start3A_67 = tpu.memref_slice %arg10[%dma_start3A_65, %dma_start3A_66] : memref<158x128xi32, #tpu.memory_space<vmem>> -> memref<1x128xi32, #tpu.memory_space<vmem>>
      %dma_start3A_68 = tpu.memref_squeeze %dma_start3A_67 : memref<1x128xi32, #tpu.memory_space<vmem>> -> memref<128xi32, #tpu.memory_space<vmem>>
      %dma_start3A_69 = arith.constant 0 : i32
      %dma_start3A_70 = arith.constant 0 : i32
      %dma_start3A_71 = tpu.memref_slice %arg2[%dma_start3A_69, %dma_start3A_70] : memref<10000x64xf32, #tpu.memory_space<hbm>> -> memref<10000x64xf32, #tpu.memory_space<hbm>>
      tpu.enqueue_indirect_dma source(%dma_start3A_71 : memref<10000x64xf32, #tpu.memory_space<hbm>>) target(%arg13 : memref<128x64xf32, #tpu.memory_space<vmem>>) offsets(%dma_start3A_68 : memref<128xi32, #tpu.memory_space<vmem>>) semaphore(%arg21 : memref<!tpu.dma_semaphore, #tpu.memory_space<semaphore_mem>>)
      %scan3A_72 = arith.constant 0 : i32
      %scan3A_73 = arith.constant 0 : i32
      %scan3A_74 = arith.constant 78 : i32
      %scan3A_75 = arith.addi %scan3A_73, %scan3A_74 : i32
      %scan3A_76 = arith.constant 1 : i32
      scf.for %scan3A_140 = %scan3A_73 to %scan3A_75 step %scan3A_76  : i32 {
        %mul3A_141 = arith.constant 2 : i32
        %mul3A_142 = arith.muli %mul3A_141, %scan3A_140 : i32
        %add3A_143 = arith.constant 1 : i32
        %add3A_144 = arith.addi %mul3A_142, %add3A_143 : i32
        %dma_wait3A_145 = arith.constant 0 : i32
        %dma_wait3A_146 = tpu.memref_slice %arg10[%mul3A_142, %dma_wait3A_145] : memref<158x128xi32, #tpu.memory_space<vmem>> -> memref<1x128xi32, #tpu.memory_space<vmem>>
        %dma_wait3A_147 = tpu.memref_squeeze %dma_wait3A_146 : memref<1x128xi32, #tpu.memory_space<vmem>> -> memref<128xi32, #tpu.memory_space<vmem>>
        %dma_wait3A_148 = arith.constant 0 : i32
        %dma_wait3A_149 = arith.constant 0 : i32
        %dma_wait3A_150 = tpu.memref_slice %arg2[%dma_wait3A_148, %dma_wait3A_149] : memref<10000x64xf32, #tpu.memory_space<hbm>> -> memref<10000x64xf32, #tpu.memory_space<hbm>>
        tpu.wait_indirect_dma semaphore(%arg20 : memref<!tpu.dma_semaphore, #tpu.memory_space<semaphore_mem>>) src(%dma_wait3A_150 : memref<10000x64xf32, #tpu.memory_space<hbm>>) dst(%arg12 : memref<128x64xf32, #tpu.memory_space<vmem>>)
        %dma_start3A_151 = arith.constant 0 : i32
        %dma_start3A_152 = tpu.memref_slice %arg11[%mul3A_142, %dma_start3A_151] : memref<158x128xi32, #tpu.memory_space<vmem>> -> memref<1x128xi32, #tpu.memory_space<vmem>>
        %dma_start3A_153 = tpu.memref_squeeze %dma_start3A_152 : memref<1x128xi32, #tpu.memory_space<vmem>> -> memref<128xi32, #tpu.memory_space<vmem>>
        %dma_start3A_154 = arith.constant 0 : i32
        %dma_start3A_155 = arith.constant 0 : i32
        %dma_start3A_156 = tpu.memref_slice %arg18[%dma_start3A_154, %dma_start3A_155] : memref<10240x64xf32, #tpu.memory_space<vmem_shared>> -> memref<10240x64xf32, #tpu.memory_space<vmem_shared>>
        tpu.enqueue_indirect_dma source(%arg12 : memref<128x64xf32, #tpu.memory_space<vmem>>) target(%dma_start3A_156 : memref<10240x64xf32, #tpu.memory_space<vmem_shared>>) offsets(%dma_start3A_153 : memref<128xi32, #tpu.memory_space<vmem>>) semaphore(%arg22 : memref<!tpu.dma_semaphore, #tpu.memory_space<semaphore_mem>>) {add = true}
        %dma_wait3A_157 = arith.constant 0 : i32
        %dma_wait3A_158 = arith.constant 0 : i32
        %dma_wait3A_159 = tpu.memref_slice %arg11[%dma_wait3A_157, %dma_wait3A_158] : memref<158x128xi32, #tpu.memory_space<vmem>> -> memref<1x128xi32, #tpu.memory_space<vmem>>
        %dma_wait3A_160 = tpu.memref_squeeze %dma_wait3A_159 : memref<1x128xi32, #tpu.memory_space<vmem>> -> memref<128xi32, #tpu.memory_space<vmem>>
        %dma_wait3A_161 = arith.constant 0 : i32
        %dma_wait3A_162 = arith.constant 0 : i32
        %dma_wait3A_163 = tpu.memref_slice %arg19[%dma_wait3A_161, %dma_wait3A_162] : memref<10240x16xf32, #tpu.memory_space<vmem_shared>> -> memref<10240x16xf32, #tpu.memory_space<vmem_shared>>
        tpu.wait_indirect_dma semaphore(%arg24 : memref<!tpu.dma_semaphore, #tpu.memory_space<semaphore_mem>>) src(%arg14 : memref<128x16xf32, #tpu.memory_space<vmem>>) dst(%dma_wait3A_163 : memref<10240x16xf32, #tpu.memory_space<vmem_shared>>)
        %dma_start3A_164 = arith.constant 0 : i32
        %dma_start3A_165 = tpu.memref_slice %arg11[%mul3A_142, %dma_start3A_164] : memref<158x128xi32, #tpu.memory_space<vmem>> -> memref<1x128xi32, #tpu.memory_space<vmem>>
        %dma_start3A_166 = tpu.memref_squeeze %dma_start3A_165 : memref<1x128xi32, #tpu.memory_space<vmem>> -> memref<128xi32, #tpu.memory_space<vmem>>
        %dma_start3A_167 = arith.constant 0 : i32
        %dma_start3A_168 = arith.constant 0 : i32
        %dma_start3A_169 = tpu.memref_slice %arg19[%dma_start3A_167, %dma_start3A_168] : memref<10240x16xf32, #tpu.memory_space<vmem_shared>> -> memref<10240x16xf32, #tpu.memory_space<vmem_shared>>
        tpu.enqueue_indirect_dma source(%arg14 : memref<128x16xf32, #tpu.memory_space<vmem>>) target(%dma_start3A_169 : memref<10240x16xf32, #tpu.memory_space<vmem_shared>>) offsets(%dma_start3A_166 : memref<128xi32, #tpu.memory_space<vmem>>) semaphore(%arg24 : memref<!tpu.dma_semaphore, #tpu.memory_space<semaphore_mem>>) {add = true}
        %dma_wait3A_170 = arith.constant 0 : i32
        %dma_wait3A_171 = tpu.memref_slice %arg10[%add3A_144, %dma_wait3A_170] : memref<158x128xi32, #tpu.memory_space<vmem>> -> memref<1x128xi32, #tpu.memory_space<vmem>>
        %dma_wait3A_172 = tpu.memref_squeeze %dma_wait3A_171 : memref<1x128xi32, #tpu.memory_space<vmem>> -> memref<128xi32, #tpu.memory_space<vmem>>
        %dma_wait3A_173 = arith.constant 0 : i32
        %dma_wait3A_174 = arith.constant 0 : i32
        %dma_wait3A_175 = tpu.memref_slice %arg2[%dma_wait3A_173, %dma_wait3A_174] : memref<10000x64xf32, #tpu.memory_space<hbm>> -> memref<10000x64xf32, #tpu.memory_space<hbm>>
        tpu.wait_indirect_dma semaphore(%arg21 : memref<!tpu.dma_semaphore, #tpu.memory_space<semaphore_mem>>) src(%dma_wait3A_175 : memref<10000x64xf32, #tpu.memory_space<hbm>>) dst(%arg13 : memref<128x64xf32, #tpu.memory_space<vmem>>)
        %dma_start3A_176 = arith.constant 0 : i32
        %dma_start3A_177 = tpu.memref_slice %arg11[%add3A_144, %dma_start3A_176] : memref<158x128xi32, #tpu.memory_space<vmem>> -> memref<1x128xi32, #tpu.memory_space<vmem>>
        %dma_start3A_178 = tpu.memref_squeeze %dma_start3A_177 : memref<1x128xi32, #tpu.memory_space<vmem>> -> memref<128xi32, #tpu.memory_space<vmem>>
        %dma_start3A_179 = arith.constant 0 : i32
        %dma_start3A_180 = arith.constant 0 : i32
        %dma_start3A_181 = tpu.memref_slice %arg18[%dma_start3A_179, %dma_start3A_180] : memref<10240x64xf32, #tpu.memory_space<vmem_shared>> -> memref<10240x64xf32, #tpu.memory_space<vmem_shared>>
        tpu.enqueue_indirect_dma source(%arg13 : memref<128x64xf32, #tpu.memory_space<vmem>>) target(%dma_start3A_181 : memref<10240x64xf32, #tpu.memory_space<vmem_shared>>) offsets(%dma_start3A_178 : memref<128xi32, #tpu.memory_space<vmem>>) semaphore(%arg23 : memref<!tpu.dma_semaphore, #tpu.memory_space<semaphore_mem>>) {add = true}
        %dma_wait3A_182 = arith.constant 0 : i32
        %dma_wait3A_183 = tpu.memref_slice %arg11[%mul3A_142, %dma_wait3A_182] : memref<158x128xi32, #tpu.memory_space<vmem>> -> memref<1x128xi32, #tpu.memory_space<vmem>>
        %dma_wait3A_184 = tpu.memref_squeeze %dma_wait3A_183 : memref<1x128xi32, #tpu.memory_space<vmem>> -> memref<128xi32, #tpu.memory_space<vmem>>
        %dma_wait3A_185 = arith.constant 0 : i32
        %dma_wait3A_186 = arith.constant 0 : i32
        %dma_wait3A_187 = tpu.memref_slice %arg18[%dma_wait3A_185, %dma_wait3A_186] : memref<10240x64xf32, #tpu.memory_space<vmem_shared>> -> memref<10240x64xf32, #tpu.memory_space<vmem_shared>>
        tpu.wait_indirect_dma semaphore(%arg22 : memref<!tpu.dma_semaphore, #tpu.memory_space<semaphore_mem>>) src(%arg12 : memref<128x64xf32, #tpu.memory_space<vmem>>) dst(%dma_wait3A_187 : memref<10240x64xf32, #tpu.memory_space<vmem_shared>>)
        %add3A_188 = arith.constant 2 : i32
        %add3A_189 = arith.addi %mul3A_142, %add3A_188 : i32
        %dma_start3A_190 = arith.constant 0 : i32
        %dma_start3A_191 = tpu.memref_slice %arg10[%add3A_189, %dma_start3A_190] : memref<158x128xi32, #tpu.memory_space<vmem>> -> memref<1x128xi32, #tpu.memory_space<vmem>>
        %dma_start3A_192 = tpu.memref_squeeze %dma_start3A_191 : memref<1x128xi32, #tpu.memory_space<vmem>> -> memref<128xi32, #tpu.memory_space<vmem>>
        %dma_start3A_193 = arith.constant 0 : i32
        %dma_start3A_194 = arith.constant 0 : i32
        %dma_start3A_195 = tpu.memref_slice %arg2[%dma_start3A_193, %dma_start3A_194] : memref<10000x64xf32, #tpu.memory_space<hbm>> -> memref<10000x64xf32, #tpu.memory_space<hbm>>
        tpu.enqueue_indirect_dma source(%dma_start3A_195 : memref<10000x64xf32, #tpu.memory_space<hbm>>) target(%arg12 : memref<128x64xf32, #tpu.memory_space<vmem>>) offsets(%dma_start3A_192 : memref<128xi32, #tpu.memory_space<vmem>>) semaphore(%arg20 : memref<!tpu.dma_semaphore, #tpu.memory_space<semaphore_mem>>)
        %dma_wait3A_196 = arith.constant 0 : i32
        %dma_wait3A_197 = tpu.memref_slice %arg11[%add3A_144, %dma_wait3A_196] : memref<158x128xi32, #tpu.memory_space<vmem>> -> memref<1x128xi32, #tpu.memory_space<vmem>>
        %dma_wait3A_198 = tpu.memref_squeeze %dma_wait3A_197 : memref<1x128xi32, #tpu.memory_space<vmem>> -> memref<128xi32, #tpu.memory_space<vmem>>
        %dma_wait3A_199 = arith.constant 0 : i32
        %dma_wait3A_200 = arith.constant 0 : i32
        %dma_wait3A_201 = tpu.memref_slice %arg18[%dma_wait3A_199, %dma_wait3A_200] : memref<10240x64xf32, #tpu.memory_space<vmem_shared>> -> memref<10240x64xf32, #tpu.memory_space<vmem_shared>>
        tpu.wait_indirect_dma semaphore(%arg23 : memref<!tpu.dma_semaphore, #tpu.memory_space<semaphore_mem>>) src(%arg13 : memref<128x64xf32, #tpu.memory_space<vmem>>) dst(%dma_wait3A_201 : memref<10240x64xf32, #tpu.memory_space<vmem_shared>>)
        %add3A_202 = arith.constant 2 : i32
        %add3A_203 = arith.addi %add3A_144, %add3A_202 : i32
        %dma_start3A_204 = arith.constant 0 : i32
        %dma_start3A_205 = tpu.memref_slice %arg10[%add3A_203, %dma_start3A_204] : memref<158x128xi32, #tpu.memory_space<vmem>> -> memref<1x128xi32, #tpu.memory_space<vmem>>
        %dma_start3A_206 = tpu.memref_squeeze %dma_start3A_205 : memref<1x128xi32, #tpu.memory_space<vmem>> -> memref<128xi32, #tpu.memory_space<vmem>>
        %dma_start3A_207 = arith.constant 0 : i32
        %dma_start3A_208 = arith.constant 0 : i32
        %dma_start3A_209 = tpu.memref_slice %arg2[%dma_start3A_207, %dma_start3A_208] : memref<10000x64xf32, #tpu.memory_space<hbm>> -> memref<10000x64xf32, #tpu.memory_space<hbm>>
        tpu.enqueue_indirect_dma source(%dma_start3A_209 : memref<10000x64xf32, #tpu.memory_space<hbm>>) target(%arg13 : memref<128x64xf32, #tpu.memory_space<vmem>>) offsets(%dma_start3A_206 : memref<128xi32, #tpu.memory_space<vmem>>) semaphore(%arg21 : memref<!tpu.dma_semaphore, #tpu.memory_space<semaphore_mem>>)
      }
      %scan3A_77 = arith.constant 78 : i32
      %dma_wait3A = arith.constant 156 : i32
      %dma_wait3A_78 = arith.constant 0 : i32
      %dma_wait3A_79 = tpu.memref_slice %arg10[%dma_wait3A, %dma_wait3A_78] : memref<158x128xi32, #tpu.memory_space<vmem>> -> memref<1x128xi32, #tpu.memory_space<vmem>>
      %dma_wait3A_80 = tpu.memref_squeeze %dma_wait3A_79 : memref<1x128xi32, #tpu.memory_space<vmem>> -> memref<128xi32, #tpu.memory_space<vmem>>
      %dma_wait3A_81 = arith.constant 0 : i32
      %dma_wait3A_82 = arith.constant 0 : i32
      %dma_wait3A_83 = tpu.memref_slice %arg2[%dma_wait3A_81, %dma_wait3A_82] : memref<10000x64xf32, #tpu.memory_space<hbm>> -> memref<10000x64xf32, #tpu.memory_space<hbm>>
      tpu.wait_indirect_dma semaphore(%arg20 : memref<!tpu.dma_semaphore, #tpu.memory_space<semaphore_mem>>) src(%dma_wait3A_83 : memref<10000x64xf32, #tpu.memory_space<hbm>>) dst(%arg12 : memref<128x64xf32, #tpu.memory_space<vmem>>)
      %dma_start3A_84 = arith.constant 156 : i32
      %dma_start3A_85 = arith.constant 0 : i32
      %dma_start3A_86 = tpu.memref_slice %arg11[%dma_start3A_84, %dma_start3A_85] : memref<158x128xi32, #tpu.memory_space<vmem>> -> memref<1x128xi32, #tpu.memory_space<vmem>>
      %dma_start3A_87 = tpu.memref_squeeze %dma_start3A_86 : memref<1x128xi32, #tpu.memory_space<vmem>> -> memref<128xi32, #tpu.memory_space<vmem>>
      %dma_start3A_88 = arith.constant 0 : i32
      %dma_start3A_89 = arith.constant 0 : i32
      %dma_start3A_90 = tpu.memref_slice %arg18[%dma_start3A_88, %dma_start3A_89] : memref<10240x64xf32, #tpu.memory_space<vmem_shared>> -> memref<10240x64xf32, #tpu.memory_space<vmem_shared>>
      tpu.enqueue_indirect_dma source(%arg12 : memref<128x64xf32, #tpu.memory_space<vmem>>) target(%dma_start3A_90 : memref<10240x64xf32, #tpu.memory_space<vmem_shared>>) offsets(%dma_start3A_87 : memref<128xi32, #tpu.memory_space<vmem>>) semaphore(%arg22 : memref<!tpu.dma_semaphore, #tpu.memory_space<semaphore_mem>>) {add = true}
      %dma_wait3A_91 = arith.constant 0 : i32
      %dma_wait3A_92 = arith.constant 0 : i32
      %dma_wait3A_93 = tpu.memref_slice %arg11[%dma_wait3A_91, %dma_wait3A_92] : memref<158x128xi32, #tpu.memory_space<vmem>> -> memref<1x128xi32, #tpu.memory_space<vmem>>
      %dma_wait3A_94 = tpu.memref_squeeze %dma_wait3A_93 : memref<1x128xi32, #tpu.memory_space<vmem>> -> memref<128xi32, #tpu.memory_space<vmem>>
      %dma_wait3A_95 = arith.constant 0 : i32
      %dma_wait3A_96 = arith.constant 0 : i32
      %dma_wait3A_97 = tpu.memref_slice %arg19[%dma_wait3A_95, %dma_wait3A_96] : memref<10240x16xf32, #tpu.memory_space<vmem_shared>> -> memref<10240x16xf32, #tpu.memory_space<vmem_shared>>
      tpu.wait_indirect_dma semaphore(%arg24 : memref<!tpu.dma_semaphore, #tpu.memory_space<semaphore_mem>>) src(%arg14 : memref<128x16xf32, #tpu.memory_space<vmem>>) dst(%dma_wait3A_97 : memref<10240x16xf32, #tpu.memory_space<vmem_shared>>)
      %dma_start3A_98 = arith.constant 156 : i32
      %dma_start3A_99 = arith.constant 0 : i32
      %dma_start3A_100 = tpu.memref_slice %arg11[%dma_start3A_98, %dma_start3A_99] : memref<158x128xi32, #tpu.memory_space<vmem>> -> memref<1x128xi32, #tpu.memory_space<vmem>>
      %dma_start3A_101 = tpu.memref_squeeze %dma_start3A_100 : memref<1x128xi32, #tpu.memory_space<vmem>> -> memref<128xi32, #tpu.memory_space<vmem>>
      %dma_start3A_102 = arith.constant 0 : i32
      %dma_start3A_103 = arith.constant 0 : i32
      %dma_start3A_104 = tpu.memref_slice %arg19[%dma_start3A_102, %dma_start3A_103] : memref<10240x16xf32, #tpu.memory_space<vmem_shared>> -> memref<10240x16xf32, #tpu.memory_space<vmem_shared>>
      tpu.enqueue_indirect_dma source(%arg14 : memref<128x16xf32, #tpu.memory_space<vmem>>) target(%dma_start3A_104 : memref<10240x16xf32, #tpu.memory_space<vmem_shared>>) offsets(%dma_start3A_101 : memref<128xi32, #tpu.memory_space<vmem>>) semaphore(%arg24 : memref<!tpu.dma_semaphore, #tpu.memory_space<semaphore_mem>>) {add = true}
      %dma_wait3A_105 = arith.constant 157 : i32
      %dma_wait3A_106 = arith.constant 0 : i32
      %dma_wait3A_107 = tpu.memref_slice %arg10[%dma_wait3A_105, %dma_wait3A_106] : memref<158x128xi32, #tpu.memory_space<vmem>> -> memref<1x128xi32, #tpu.memory_space<vmem>>
      %dma_wait3A_108 = tpu.memref_squeeze %dma_wait3A_107 : memref<1x128xi32, #tpu.memory_space<vmem>> -> memref<128xi32, #tpu.memory_space<vmem>>
      %dma_wait3A_109 = arith.constant 0 : i32
      %dma_wait3A_110 = arith.constant 0 : i32
      %dma_wait3A_111 = tpu.memref_slice %arg2[%dma_wait3A_109, %dma_wait3A_110] : memref<10000x64xf32, #tpu.memory_space<hbm>> -> memref<10000x64xf32, #tpu.memory_space<hbm>>
      tpu.wait_indirect_dma semaphore(%arg21 : memref<!tpu.dma_semaphore, #tpu.memory_space<semaphore_mem>>) src(%dma_wait3A_111 : memref<10000x64xf32, #tpu.memory_space<hbm>>) dst(%arg13 : memref<128x64xf32, #tpu.memory_space<vmem>>)
      %dma_start3A_112 = arith.constant 157 : i32
      %dma_start3A_113 = arith.constant 0 : i32
      %dma_start3A_114 = tpu.memref_slice %arg11[%dma_start3A_112, %dma_start3A_113] : memref<158x128xi32, #tpu.memory_space<vmem>> -> memref<1x128xi32, #tpu.memory_space<vmem>>
      %dma_start3A_115 = tpu.memref_squeeze %dma_start3A_114 : memref<1x128xi32, #tpu.memory_space<vmem>> -> memref<128xi32, #tpu.memory_space<vmem>>
      %dma_start3A_116 = arith.constant 0 : i32
      %dma_start3A_117 = arith.constant 0 : i32
      %dma_start3A_118 = tpu.memref_slice %arg18[%dma_start3A_116, %dma_start3A_117] : memref<10240x64xf32, #tpu.memory_space<vmem_shared>> -> memref<10240x64xf32, #tpu.memory_space<vmem_shared>>
      tpu.enqueue_indirect_dma source(%arg13 : memref<128x64xf32, #tpu.memory_space<vmem>>) target(%dma_start3A_118 : memref<10240x64xf32, #tpu.memory_space<vmem_shared>>) offsets(%dma_start3A_115 : memref<128xi32, #tpu.memory_space<vmem>>) semaphore(%arg23 : memref<!tpu.dma_semaphore, #tpu.memory_space<semaphore_mem>>) {add = true}
      %dma_wait3A_119 = arith.constant 156 : i32
      %dma_wait3A_120 = arith.constant 0 : i32
      %dma_wait3A_121 = tpu.memref_slice %arg11[%dma_wait3A_119, %dma_wait3A_120] : memref<158x128xi32, #tpu.memory_space<vmem>> -> memref<1x128xi32, #tpu.memory_space<vmem>>
      %dma_wait3A_122 = tpu.memref_squeeze %dma_wait3A_121 : memref<1x128xi32, #tpu.memory_space<vmem>> -> memref<128xi32, #tpu.memory_space<vmem>>
      %dma_wait3A_123 = arith.constant 0 : i32
      %dma_wait3A_124 = arith.constant 0 : i32
      %dma_wait3A_125 = tpu.memref_slice %arg18[%dma_wait3A_123, %dma_wait3A_124] : memref<10240x64xf32, #tpu.memory_space<vmem_shared>> -> memref<10240x64xf32, #tpu.memory_space<vmem_shared>>
      tpu.wait_indirect_dma semaphore(%arg22 : memref<!tpu.dma_semaphore, #tpu.memory_space<semaphore_mem>>) src(%arg12 : memref<128x64xf32, #tpu.memory_space<vmem>>) dst(%dma_wait3A_125 : memref<10240x64xf32, #tpu.memory_space<vmem_shared>>)
      %dma_wait3A_126 = arith.constant 157 : i32
      %dma_wait3A_127 = arith.constant 0 : i32
      %dma_wait3A_128 = tpu.memref_slice %arg11[%dma_wait3A_126, %dma_wait3A_127] : memref<158x128xi32, #tpu.memory_space<vmem>> -> memref<1x128xi32, #tpu.memory_space<vmem>>
      %dma_wait3A_129 = tpu.memref_squeeze %dma_wait3A_128 : memref<1x128xi32, #tpu.memory_space<vmem>> -> memref<128xi32, #tpu.memory_space<vmem>>
      %dma_wait3A_130 = arith.constant 0 : i32
      %dma_wait3A_131 = arith.constant 0 : i32
      %dma_wait3A_132 = tpu.memref_slice %arg18[%dma_wait3A_130, %dma_wait3A_131] : memref<10240x64xf32, #tpu.memory_space<vmem_shared>> -> memref<10240x64xf32, #tpu.memory_space<vmem_shared>>
      tpu.wait_indirect_dma semaphore(%arg23 : memref<!tpu.dma_semaphore, #tpu.memory_space<semaphore_mem>>) src(%arg13 : memref<128x64xf32, #tpu.memory_space<vmem>>) dst(%dma_wait3A_132 : memref<10240x64xf32, #tpu.memory_space<vmem_shared>>)
      %dma_wait3A_133 = arith.constant 0 : i32
      %dma_wait3A_134 = arith.constant 0 : i32
      %dma_wait3A_135 = tpu.memref_slice %arg11[%dma_wait3A_133, %dma_wait3A_134] : memref<158x128xi32, #tpu.memory_space<vmem>> -> memref<1x128xi32, #tpu.memory_space<vmem>>
      %dma_wait3A_136 = tpu.memref_squeeze %dma_wait3A_135 : memref<1x128xi32, #tpu.memory_space<vmem>> -> memref<128xi32, #tpu.memory_space<vmem>>
      %dma_wait3A_137 = arith.constant 0 : i32
      %dma_wait3A_138 = arith.constant 0 : i32
      %dma_wait3A_139 = tpu.memref_slice %arg19[%dma_wait3A_137, %dma_wait3A_138] : memref<10240x16xf32, #tpu.memory_space<vmem_shared>> -> memref<10240x16xf32, #tpu.memory_space<vmem_shared>>
      tpu.wait_indirect_dma semaphore(%arg24 : memref<!tpu.dma_semaphore, #tpu.memory_space<semaphore_mem>>) src(%arg14 : memref<128x16xf32, #tpu.memory_space<vmem>>) dst(%dma_wait3A_139 : memref<10240x16xf32, #tpu.memory_space<vmem_shared>>)
    } else {
    }
    %eq3A_40 = arith.constant 1 : i32
    %eq3A_41 = arith.cmpi eq, %arg0, %eq3A_40 : i32
    %convert_element_type3A_42 = arith.extui %eq3A_41 : i1 to i32
    %cond3A_43 = arith.constant 0 : i32
    %cond3A_44 = arith.cmpi ne, %convert_element_type3A_42, %cond3A_43 : i32
    scf.if %cond3A_44 {
      %dma_start3A = arith.constant 0 : i32
      %dma_start3A_56 = arith.constant 0 : i32
      %dma_start3A_57 = tpu.memref_slice %arg19[%dma_start3A, %dma_start3A_56] : memref<10240x16xf32, #tpu.memory_space<vmem_shared>> -> memref<10240x16xf32, #tpu.memory_space<vmem_shared>>
      tpu.enqueue_indirect_dma source(%arg14 : memref<128x16xf32, #tpu.memory_space<vmem>>) target(%dma_start3A_57 : memref<10240x16xf32, #tpu.memory_space<vmem_shared>>) offsets(%arg17 : memref<128xi32, #tpu.memory_space<vmem>>) semaphore(%arg24 : memref<!tpu.dma_semaphore, #tpu.memory_space<semaphore_mem>>) {add = true}
      %dma_start3A_58 = arith.constant 0 : i32
      %dma_start3A_59 = arith.constant 0 : i32
      %dma_start3A_60 = tpu.memref_slice %arg10[%dma_start3A_58, %dma_start3A_59] : memref<158x128xi32, #tpu.memory_space<vmem>> -> memref<1x128xi32, #tpu.memory_space<vmem>>
      %dma_start3A_61 = tpu.memref_squeeze %dma_start3A_60 : memref<1x128xi32, #tpu.memory_space<vmem>> -> memref<128xi32, #tpu.memory_space<vmem>>
      %dma_start3A_62 = arith.constant 0 : i32
      %dma_start3A_63 = arith.constant 0 : i32
      %dma_start3A_64 = tpu.memref_slice %arg3[%dma_start3A_62, %dma_start3A_63] : memref<10000x64xf32, #tpu.memory_space<hbm>> -> memref<10000x64xf32, #tpu.memory_space<hbm>>
      tpu.enqueue_indirect_dma source(%dma_start3A_64 : memref<10000x64xf32, #tpu.memory_space<hbm>>) target(%arg12 : memref<128x64xf32, #tpu.memory_space<vmem>>) offsets(%dma_start3A_61 : memref<128xi32, #tpu.memory_space<vmem>>) semaphore(%arg20 : memref<!tpu.dma_semaphore, #tpu.memory_space<semaphore_mem>>)
      %dma_start3A_65 = arith.constant 1 : i32
      %dma_start3A_66 = arith.constant 0 : i32
      %dma_start3A_67 = tpu.memref_slice %arg10[%dma_start3A_65, %dma_start3A_66] : memref<158x128xi32, #tpu.memory_space<vmem>> -> memref<1x128xi32, #tpu.memory_space<vmem>>
      %dma_start3A_68 = tpu.memref_squeeze %dma_start3A_67 : memref<1x128xi32, #tpu.memory_space<vmem>> -> memref<128xi32, #tpu.memory_space<vmem>>
      %dma_start3A_69 = arith.constant 0 : i32
      %dma_start3A_70 = arith.constant 0 : i32
      %dma_start3A_71 = tpu.memref_slice %arg3[%dma_start3A_69, %dma_start3A_70] : memref<10000x64xf32, #tpu.memory_space<hbm>> -> memref<10000x64xf32, #tpu.memory_space<hbm>>
      tpu.enqueue_indirect_dma source(%dma_start3A_71 : memref<10000x64xf32, #tpu.memory_space<hbm>>) target(%arg13 : memref<128x64xf32, #tpu.memory_space<vmem>>) offsets(%dma_start3A_68 : memref<128xi32, #tpu.memory_space<vmem>>) semaphore(%arg21 : memref<!tpu.dma_semaphore, #tpu.memory_space<semaphore_mem>>)
      %scan3A_72 = arith.constant 0 : i32
      %scan3A_73 = arith.constant 0 : i32
      %scan3A_74 = arith.constant 78 : i32
      %scan3A_75 = arith.addi %scan3A_73, %scan3A_74 : i32
      %scan3A_76 = arith.constant 1 : i32
      scf.for %scan3A_140 = %scan3A_73 to %scan3A_75 step %scan3A_76  : i32 {
        %mul3A_141 = arith.constant 2 : i32
        %mul3A_142 = arith.muli %mul3A_141, %scan3A_140 : i32
        %add3A_143 = arith.constant 1 : i32
        %add3A_144 = arith.addi %mul3A_142, %add3A_143 : i32
        %dma_wait3A_145 = arith.constant 0 : i32
        %dma_wait3A_146 = tpu.memref_slice %arg10[%mul3A_142, %dma_wait3A_145] : memref<158x128xi32, #tpu.memory_space<vmem>> -> memref<1x128xi32, #tpu.memory_space<vmem>>
        %dma_wait3A_147 = tpu.memref_squeeze %dma_wait3A_146 : memref<1x128xi32, #tpu.memory_space<vmem>> -> memref<128xi32, #tpu.memory_space<vmem>>
        %dma_wait3A_148 = arith.constant 0 : i32
        %dma_wait3A_149 = arith.constant 0 : i32
        %dma_wait3A_150 = tpu.memref_slice %arg3[%dma_wait3A_148, %dma_wait3A_149] : memref<10000x64xf32, #tpu.memory_space<hbm>> -> memref<10000x64xf32, #tpu.memory_space<hbm>>
        tpu.wait_indirect_dma semaphore(%arg20 : memref<!tpu.dma_semaphore, #tpu.memory_space<semaphore_mem>>) src(%dma_wait3A_150 : memref<10000x64xf32, #tpu.memory_space<hbm>>) dst(%arg12 : memref<128x64xf32, #tpu.memory_space<vmem>>)
        %dma_start3A_151 = arith.constant 0 : i32
        %dma_start3A_152 = tpu.memref_slice %arg11[%mul3A_142, %dma_start3A_151] : memref<158x128xi32, #tpu.memory_space<vmem>> -> memref<1x128xi32, #tpu.memory_space<vmem>>
        %dma_start3A_153 = tpu.memref_squeeze %dma_start3A_152 : memref<1x128xi32, #tpu.memory_space<vmem>> -> memref<128xi32, #tpu.memory_space<vmem>>
        %dma_start3A_154 = arith.constant 0 : i32
        %dma_start3A_155 = arith.constant 0 : i32
        %dma_start3A_156 = tpu.memref_slice %arg18[%dma_start3A_154, %dma_start3A_155] : memref<10240x64xf32, #tpu.memory_space<vmem_shared>> -> memref<10240x64xf32, #tpu.memory_space<vmem_shared>>
        tpu.enqueue_indirect_dma source(%arg12 : memref<128x64xf32, #tpu.memory_space<vmem>>) target(%dma_start3A_156 : memref<10240x64xf32, #tpu.memory_space<vmem_shared>>) offsets(%dma_start3A_153 : memref<128xi32, #tpu.memory_space<vmem>>) semaphore(%arg22 : memref<!tpu.dma_semaphore, #tpu.memory_space<semaphore_mem>>) {add = true}
        %dma_wait3A_157 = arith.constant 0 : i32
        %dma_wait3A_158 = tpu.memref_slice %arg10[%add3A_144, %dma_wait3A_157] : memref<158x128xi32, #tpu.memory_space<vmem>> -> memref<1x128xi32, #tpu.memory_space<vmem>>
        %dma_wait3A_159 = tpu.memref_squeeze %dma_wait3A_158 : memref<1x128xi32, #tpu.memory_space<vmem>> -> memref<128xi32, #tpu.memory_space<vmem>>
        %dma_wait3A_160 = arith.constant 0 : i32
        %dma_wait3A_161 = arith.constant 0 : i32
        %dma_wait3A_162 = tpu.memref_slice %arg3[%dma_wait3A_160, %dma_wait3A_161] : memref<10000x64xf32, #tpu.memory_space<hbm>> -> memref<10000x64xf32, #tpu.memory_space<hbm>>
        tpu.wait_indirect_dma semaphore(%arg21 : memref<!tpu.dma_semaphore, #tpu.memory_space<semaphore_mem>>) src(%dma_wait3A_162 : memref<10000x64xf32, #tpu.memory_space<hbm>>) dst(%arg13 : memref<128x64xf32, #tpu.memory_space<vmem>>)
        %dma_start3A_163 = arith.constant 0 : i32
        %dma_start3A_164 = tpu.memref_slice %arg11[%add3A_144, %dma_start3A_163] : memref<158x128xi32, #tpu.memory_space<vmem>> -> memref<1x128xi32, #tpu.memory_space<vmem>>
        %dma_start3A_165 = tpu.memref_squeeze %dma_start3A_164 : memref<1x128xi32, #tpu.memory_space<vmem>> -> memref<128xi32, #tpu.memory_space<vmem>>
        %dma_start3A_166 = arith.constant 0 : i32
        %dma_start3A_167 = arith.constant 0 : i32
        %dma_start3A_168 = tpu.memref_slice %arg18[%dma_start3A_166, %dma_start3A_167] : memref<10240x64xf32, #tpu.memory_space<vmem_shared>> -> memref<10240x64xf32, #tpu.memory_space<vmem_shared>>
        tpu.enqueue_indirect_dma source(%arg13 : memref<128x64xf32, #tpu.memory_space<vmem>>) target(%dma_start3A_168 : memref<10240x64xf32, #tpu.memory_space<vmem_shared>>) offsets(%dma_start3A_165 : memref<128xi32, #tpu.memory_space<vmem>>) semaphore(%arg23 : memref<!tpu.dma_semaphore, #tpu.memory_space<semaphore_mem>>) {add = true}
        %dma_wait3A_169 = arith.constant 0 : i32
        %dma_wait3A_170 = arith.constant 0 : i32
        %dma_wait3A_171 = tpu.memref_slice %arg11[%dma_wait3A_169, %dma_wait3A_170] : memref<158x128xi32, #tpu.memory_space<vmem>> -> memref<1x128xi32, #tpu.memory_space<vmem>>
        %dma_wait3A_172 = tpu.memref_squeeze %dma_wait3A_171 : memref<1x128xi32, #tpu.memory_space<vmem>> -> memref<128xi32, #tpu.memory_space<vmem>>
        %dma_wait3A_173 = arith.constant 0 : i32
        %dma_wait3A_174 = arith.constant 0 : i32
        %dma_wait3A_175 = tpu.memref_slice %arg19[%dma_wait3A_173, %dma_wait3A_174] : memref<10240x16xf32, #tpu.memory_space<vmem_shared>> -> memref<10240x16xf32, #tpu.memory_space<vmem_shared>>
        tpu.wait_indirect_dma semaphore(%arg24 : memref<!tpu.dma_semaphore, #tpu.memory_space<semaphore_mem>>) src(%arg14 : memref<128x16xf32, #tpu.memory_space<vmem>>) dst(%dma_wait3A_175 : memref<10240x16xf32, #tpu.memory_space<vmem_shared>>)
        %dma_start3A_176 = arith.constant 0 : i32
        %dma_start3A_177 = tpu.memref_slice %arg11[%add3A_144, %dma_start3A_176] : memref<158x128xi32, #tpu.memory_space<vmem>> -> memref<1x128xi32, #tpu.memory_space<vmem>>
        %dma_start3A_178 = tpu.memref_squeeze %dma_start3A_177 : memref<1x128xi32, #tpu.memory_space<vmem>> -> memref<128xi32, #tpu.memory_space<vmem>>
        %dma_start3A_179 = arith.constant 0 : i32
        %dma_start3A_180 = arith.constant 0 : i32
        %dma_start3A_181 = tpu.memref_slice %arg19[%dma_start3A_179, %dma_start3A_180] : memref<10240x16xf32, #tpu.memory_space<vmem_shared>> -> memref<10240x16xf32, #tpu.memory_space<vmem_shared>>
        tpu.enqueue_indirect_dma source(%arg14 : memref<128x16xf32, #tpu.memory_space<vmem>>) target(%dma_start3A_181 : memref<10240x16xf32, #tpu.memory_space<vmem_shared>>) offsets(%dma_start3A_178 : memref<128xi32, #tpu.memory_space<vmem>>) semaphore(%arg24 : memref<!tpu.dma_semaphore, #tpu.memory_space<semaphore_mem>>) {add = true}
        %dma_wait3A_182 = arith.constant 0 : i32
        %dma_wait3A_183 = tpu.memref_slice %arg11[%mul3A_142, %dma_wait3A_182] : memref<158x128xi32, #tpu.memory_space<vmem>> -> memref<1x128xi32, #tpu.memory_space<vmem>>
        %dma_wait3A_184 = tpu.memref_squeeze %dma_wait3A_183 : memref<1x128xi32, #tpu.memory_space<vmem>> -> memref<128xi32, #tpu.memory_space<vmem>>
        %dma_wait3A_185 = arith.constant 0 : i32
        %dma_wait3A_186 = arith.constant 0 : i32
        %dma_wait3A_187 = tpu.memref_slice %arg18[%dma_wait3A_185, %dma_wait3A_186] : memref<10240x64xf32, #tpu.memory_space<vmem_shared>> -> memref<10240x64xf32, #tpu.memory_space<vmem_shared>>
        tpu.wait_indirect_dma semaphore(%arg22 : memref<!tpu.dma_semaphore, #tpu.memory_space<semaphore_mem>>) src(%arg12 : memref<128x64xf32, #tpu.memory_space<vmem>>) dst(%dma_wait3A_187 : memref<10240x64xf32, #tpu.memory_space<vmem_shared>>)
        %add3A_188 = arith.constant 2 : i32
        %add3A_189 = arith.addi %mul3A_142, %add3A_188 : i32
        %dma_start3A_190 = arith.constant 0 : i32
        %dma_start3A_191 = tpu.memref_slice %arg10[%add3A_189, %dma_start3A_190] : memref<158x128xi32, #tpu.memory_space<vmem>> -> memref<1x128xi32, #tpu.memory_space<vmem>>
        %dma_start3A_192 = tpu.memref_squeeze %dma_start3A_191 : memref<1x128xi32, #tpu.memory_space<vmem>> -> memref<128xi32, #tpu.memory_space<vmem>>
        %dma_start3A_193 = arith.constant 0 : i32
        %dma_start3A_194 = arith.constant 0 : i32
        %dma_start3A_195 = tpu.memref_slice %arg3[%dma_start3A_193, %dma_start3A_194] : memref<10000x64xf32, #tpu.memory_space<hbm>> -> memref<10000x64xf32, #tpu.memory_space<hbm>>
        tpu.enqueue_indirect_dma source(%dma_start3A_195 : memref<10000x64xf32, #tpu.memory_space<hbm>>) target(%arg12 : memref<128x64xf32, #tpu.memory_space<vmem>>) offsets(%dma_start3A_192 : memref<128xi32, #tpu.memory_space<vmem>>) semaphore(%arg20 : memref<!tpu.dma_semaphore, #tpu.memory_space<semaphore_mem>>)
        %dma_wait3A_196 = arith.constant 0 : i32
        %dma_wait3A_197 = tpu.memref_slice %arg11[%add3A_144, %dma_wait3A_196] : memref<158x128xi32, #tpu.memory_space<vmem>> -> memref<1x128xi32, #tpu.memory_space<vmem>>
        %dma_wait3A_198 = tpu.memref_squeeze %dma_wait3A_197 : memref<1x128xi32, #tpu.memory_space<vmem>> -> memref<128xi32, #tpu.memory_space<vmem>>
        %dma_wait3A_199 = arith.constant 0 : i32
        %dma_wait3A_200 = arith.constant 0 : i32
        %dma_wait3A_201 = tpu.memref_slice %arg18[%dma_wait3A_199, %dma_wait3A_200] : memref<10240x64xf32, #tpu.memory_space<vmem_shared>> -> memref<10240x64xf32, #tpu.memory_space<vmem_shared>>
        tpu.wait_indirect_dma semaphore(%arg23 : memref<!tpu.dma_semaphore, #tpu.memory_space<semaphore_mem>>) src(%arg13 : memref<128x64xf32, #tpu.memory_space<vmem>>) dst(%dma_wait3A_201 : memref<10240x64xf32, #tpu.memory_space<vmem_shared>>)
        %add3A_202 = arith.constant 2 : i32
        %add3A_203 = arith.addi %add3A_144, %add3A_202 : i32
        %dma_start3A_204 = arith.constant 0 : i32
        %dma_start3A_205 = tpu.memref_slice %arg10[%add3A_203, %dma_start3A_204] : memref<158x128xi32, #tpu.memory_space<vmem>> -> memref<1x128xi32, #tpu.memory_space<vmem>>
        %dma_start3A_206 = tpu.memref_squeeze %dma_start3A_205 : memref<1x128xi32, #tpu.memory_space<vmem>> -> memref<128xi32, #tpu.memory_space<vmem>>
        %dma_start3A_207 = arith.constant 0 : i32
        %dma_start3A_208 = arith.constant 0 : i32
        %dma_start3A_209 = tpu.memref_slice %arg3[%dma_start3A_207, %dma_start3A_208] : memref<10000x64xf32, #tpu.memory_space<hbm>> -> memref<10000x64xf32, #tpu.memory_space<hbm>>
        tpu.enqueue_indirect_dma source(%dma_start3A_209 : memref<10000x64xf32, #tpu.memory_space<hbm>>) target(%arg13 : memref<128x64xf32, #tpu.memory_space<vmem>>) offsets(%dma_start3A_206 : memref<128xi32, #tpu.memory_space<vmem>>) semaphore(%arg21 : memref<!tpu.dma_semaphore, #tpu.memory_space<semaphore_mem>>)
      }
      %scan3A_77 = arith.constant 78 : i32
      %dma_wait3A = arith.constant 156 : i32
      %dma_wait3A_78 = arith.constant 0 : i32
      %dma_wait3A_79 = tpu.memref_slice %arg10[%dma_wait3A, %dma_wait3A_78] : memref<158x128xi32, #tpu.memory_space<vmem>> -> memref<1x128xi32, #tpu.memory_space<vmem>>
      %dma_wait3A_80 = tpu.memref_squeeze %dma_wait3A_79 : memref<1x128xi32, #tpu.memory_space<vmem>> -> memref<128xi32, #tpu.memory_space<vmem>>
      %dma_wait3A_81 = arith.constant 0 : i32
      %dma_wait3A_82 = arith.constant 0 : i32
      %dma_wait3A_83 = tpu.memref_slice %arg3[%dma_wait3A_81, %dma_wait3A_82] : memref<10000x64xf32, #tpu.memory_space<hbm>> -> memref<10000x64xf32, #tpu.memory_space<hbm>>
      tpu.wait_indirect_dma semaphore(%arg20 : memref<!tpu.dma_semaphore, #tpu.memory_space<semaphore_mem>>) src(%dma_wait3A_83 : memref<10000x64xf32, #tpu.memory_space<hbm>>) dst(%arg12 : memref<128x64xf32, #tpu.memory_space<vmem>>)
      %dma_start3A_84 = arith.constant 156 : i32
      %dma_start3A_85 = arith.constant 0 : i32
      %dma_start3A_86 = tpu.memref_slice %arg11[%dma_start3A_84, %dma_start3A_85] : memref<158x128xi32, #tpu.memory_space<vmem>> -> memref<1x128xi32, #tpu.memory_space<vmem>>
      %dma_start3A_87 = tpu.memref_squeeze %dma_start3A_86 : memref<1x128xi32, #tpu.memory_space<vmem>> -> memref<128xi32, #tpu.memory_space<vmem>>
      %dma_start3A_88 = arith.constant 0 : i32
      %dma_start3A_89 = arith.constant 0 : i32
      %dma_start3A_90 = tpu.memref_slice %arg18[%dma_start3A_88, %dma_start3A_89] : memref<10240x64xf32, #tpu.memory_space<vmem_shared>> -> memref<10240x64xf32, #tpu.memory_space<vmem_shared>>
      tpu.enqueue_indirect_dma source(%arg12 : memref<128x64xf32, #tpu.memory_space<vmem>>) target(%dma_start3A_90 : memref<10240x64xf32, #tpu.memory_space<vmem_shared>>) offsets(%dma_start3A_87 : memref<128xi32, #tpu.memory_space<vmem>>) semaphore(%arg22 : memref<!tpu.dma_semaphore, #tpu.memory_space<semaphore_mem>>) {add = true}
      %dma_wait3A_91 = arith.constant 157 : i32
      %dma_wait3A_92 = arith.constant 0 : i32
      %dma_wait3A_93 = tpu.memref_slice %arg10[%dma_wait3A_91, %dma_wait3A_92] : memref<158x128xi32, #tpu.memory_space<vmem>> -> memref<1x128xi32, #tpu.memory_space<vmem>>
      %dma_wait3A_94 = tpu.memref_squeeze %dma_wait3A_93 : memref<1x128xi32, #tpu.memory_space<vmem>> -> memref<128xi32, #tpu.memory_space<vmem>>
      %dma_wait3A_95 = arith.constant 0 : i32
      %dma_wait3A_96 = arith.constant 0 : i32
      %dma_wait3A_97 = tpu.memref_slice %arg3[%dma_wait3A_95, %dma_wait3A_96] : memref<10000x64xf32, #tpu.memory_space<hbm>> -> memref<10000x64xf32, #tpu.memory_space<hbm>>
      tpu.wait_indirect_dma semaphore(%arg21 : memref<!tpu.dma_semaphore, #tpu.memory_space<semaphore_mem>>) src(%dma_wait3A_97 : memref<10000x64xf32, #tpu.memory_space<hbm>>) dst(%arg13 : memref<128x64xf32, #tpu.memory_space<vmem>>)
      %dma_start3A_98 = arith.constant 157 : i32
      %dma_start3A_99 = arith.constant 0 : i32
      %dma_start3A_100 = tpu.memref_slice %arg11[%dma_start3A_98, %dma_start3A_99] : memref<158x128xi32, #tpu.memory_space<vmem>> -> memref<1x128xi32, #tpu.memory_space<vmem>>
      %dma_start3A_101 = tpu.memref_squeeze %dma_start3A_100 : memref<1x128xi32, #tpu.memory_space<vmem>> -> memref<128xi32, #tpu.memory_space<vmem>>
      %dma_start3A_102 = arith.constant 0 : i32
      %dma_start3A_103 = arith.constant 0 : i32
      %dma_start3A_104 = tpu.memref_slice %arg18[%dma_start3A_102, %dma_start3A_103] : memref<10240x64xf32, #tpu.memory_space<vmem_shared>> -> memref<10240x64xf32, #tpu.memory_space<vmem_shared>>
      tpu.enqueue_indirect_dma source(%arg13 : memref<128x64xf32, #tpu.memory_space<vmem>>) target(%dma_start3A_104 : memref<10240x64xf32, #tpu.memory_space<vmem_shared>>) offsets(%dma_start3A_101 : memref<128xi32, #tpu.memory_space<vmem>>) semaphore(%arg23 : memref<!tpu.dma_semaphore, #tpu.memory_space<semaphore_mem>>) {add = true}
      %dma_wait3A_105 = arith.constant 0 : i32
      %dma_wait3A_106 = arith.constant 0 : i32
      %dma_wait3A_107 = tpu.memref_slice %arg11[%dma_wait3A_105, %dma_wait3A_106] : memref<158x128xi32, #tpu.memory_space<vmem>> -> memref<1x128xi32, #tpu.memory_space<vmem>>
      %dma_wait3A_108 = tpu.memref_squeeze %dma_wait3A_107 : memref<1x128xi32, #tpu.memory_space<vmem>> -> memref<128xi32, #tpu.memory_space<vmem>>
      %dma_wait3A_109 = arith.constant 0 : i32
      %dma_wait3A_110 = arith.constant 0 : i32
      %dma_wait3A_111 = tpu.memref_slice %arg19[%dma_wait3A_109, %dma_wait3A_110] : memref<10240x16xf32, #tpu.memory_space<vmem_shared>> -> memref<10240x16xf32, #tpu.memory_space<vmem_shared>>
      tpu.wait_indirect_dma semaphore(%arg24 : memref<!tpu.dma_semaphore, #tpu.memory_space<semaphore_mem>>) src(%arg14 : memref<128x16xf32, #tpu.memory_space<vmem>>) dst(%dma_wait3A_111 : memref<10240x16xf32, #tpu.memory_space<vmem_shared>>)
      %dma_start3A_112 = arith.constant 157 : i32
      %dma_start3A_113 = arith.constant 0 : i32
      %dma_start3A_114 = tpu.memref_slice %arg11[%dma_start3A_112, %dma_start3A_113] : memref<158x128xi32, #tpu.memory_space<vmem>> -> memref<1x128xi32, #tpu.memory_space<vmem>>
      %dma_start3A_115 = tpu.memref_squeeze %dma_start3A_114 : memref<1x128xi32, #tpu.memory_space<vmem>> -> memref<128xi32, #tpu.memory_space<vmem>>
      %dma_start3A_116 = arith.constant 0 : i32
      %dma_start3A_117 = arith.constant 0 : i32
      %dma_start3A_118 = tpu.memref_slice %arg19[%dma_start3A_116, %dma_start3A_117] : memref<10240x16xf32, #tpu.memory_space<vmem_shared>> -> memref<10240x16xf32, #tpu.memory_space<vmem_shared>>
      tpu.enqueue_indirect_dma source(%arg14 : memref<128x16xf32, #tpu.memory_space<vmem>>) target(%dma_start3A_118 : memref<10240x16xf32, #tpu.memory_space<vmem_shared>>) offsets(%dma_start3A_115 : memref<128xi32, #tpu.memory_space<vmem>>) semaphore(%arg24 : memref<!tpu.dma_semaphore, #tpu.memory_space<semaphore_mem>>) {add = true}
      %dma_wait3A_119 = arith.constant 156 : i32
      %dma_wait3A_120 = arith.constant 0 : i32
      %dma_wait3A_121 = tpu.memref_slice %arg11[%dma_wait3A_119, %dma_wait3A_120] : memref<158x128xi32, #tpu.memory_space<vmem>> -> memref<1x128xi32, #tpu.memory_space<vmem>>
      %dma_wait3A_122 = tpu.memref_squeeze %dma_wait3A_121 : memref<1x128xi32, #tpu.memory_space<vmem>> -> memref<128xi32, #tpu.memory_space<vmem>>
      %dma_wait3A_123 = arith.constant 0 : i32
      %dma_wait3A_124 = arith.constant 0 : i32
      %dma_wait3A_125 = tpu.memref_slice %arg18[%dma_wait3A_123, %dma_wait3A_124] : memref<10240x64xf32, #tpu.memory_space<vmem_shared>> -> memref<10240x64xf32, #tpu.memory_space<vmem_shared>>
      tpu.wait_indirect_dma semaphore(%arg22 : memref<!tpu.dma_semaphore, #tpu.memory_space<semaphore_mem>>) src(%arg12 : memref<128x64xf32, #tpu.memory_space<vmem>>) dst(%dma_wait3A_125 : memref<10240x64xf32, #tpu.memory_space<vmem_shared>>)
      %dma_wait3A_126 = arith.constant 157 : i32
      %dma_wait3A_127 = arith.constant 0 : i32
      %dma_wait3A_128 = tpu.memref_slice %arg11[%dma_wait3A_126, %dma_wait3A_127] : memref<158x128xi32, #tpu.memory_space<vmem>> -> memref<1x128xi32, #tpu.memory_space<vmem>>
      %dma_wait3A_129 = tpu.memref_squeeze %dma_wait3A_128 : memref<1x128xi32, #tpu.memory_space<vmem>> -> memref<128xi32, #tpu.memory_space<vmem>>
      %dma_wait3A_130 = arith.constant 0 : i32
      %dma_wait3A_131 = arith.constant 0 : i32
      %dma_wait3A_132 = tpu.memref_slice %arg18[%dma_wait3A_130, %dma_wait3A_131] : memref<10240x64xf32, #tpu.memory_space<vmem_shared>> -> memref<10240x64xf32, #tpu.memory_space<vmem_shared>>
      tpu.wait_indirect_dma semaphore(%arg23 : memref<!tpu.dma_semaphore, #tpu.memory_space<semaphore_mem>>) src(%arg13 : memref<128x64xf32, #tpu.memory_space<vmem>>) dst(%dma_wait3A_132 : memref<10240x64xf32, #tpu.memory_space<vmem_shared>>)
      %dma_wait3A_133 = arith.constant 0 : i32
      %dma_wait3A_134 = arith.constant 0 : i32
      %dma_wait3A_135 = tpu.memref_slice %arg11[%dma_wait3A_133, %dma_wait3A_134] : memref<158x128xi32, #tpu.memory_space<vmem>> -> memref<1x128xi32, #tpu.memory_space<vmem>>
      %dma_wait3A_136 = tpu.memref_squeeze %dma_wait3A_135 : memref<1x128xi32, #tpu.memory_space<vmem>> -> memref<128xi32, #tpu.memory_space<vmem>>
      %dma_wait3A_137 = arith.constant 0 : i32
      %dma_wait3A_138 = arith.constant 0 : i32
      %dma_wait3A_139 = tpu.memref_slice %arg19[%dma_wait3A_137, %dma_wait3A_138] : memref<10240x16xf32, #tpu.memory_space<vmem_shared>> -> memref<10240x16xf32, #tpu.memory_space<vmem_shared>>
      tpu.wait_indirect_dma semaphore(%arg24 : memref<!tpu.dma_semaphore, #tpu.memory_space<semaphore_mem>>) src(%arg14 : memref<128x16xf32, #tpu.memory_space<vmem>>) dst(%dma_wait3A_139 : memref<10240x16xf32, #tpu.memory_space<vmem_shared>>)
    } else {
    }
    %barrier3A_45 = arith.constant 0 : index
    tpu.barrier barrier_id(%barrier3A_45)
    %eq3A_46 = arith.constant 0 : i32
    %eq3A_47 = arith.cmpi eq, %arg0, %eq3A_46 : i32
    %convert_element_type3A_48 = arith.extui %eq3A_47 : i1 to i32
    %cond3A_49 = arith.constant 0 : i32
    %cond3A_50 = arith.cmpi ne, %convert_element_type3A_48, %cond3A_49 : i32
    scf.if %cond3A_50 {
      %add3A_56 = arith.constant 0 : i32
      %add3A_57 = arith.addi %mul3A_0, %add3A_56 : i32
      "tpu.region"() ({
        %run_scoped3A = tpu.sem_alloc : memref<!tpu.dma_semaphore, #tpu.memory_space<semaphore_mem>>
        %dma_start3A = arith.constant 0 : i32
        %dma_start3A_76 = tpu.memref_slice %arg18[%add3A_57, %dma_start3A] : memref<10240x64xf32, #tpu.memory_space<vmem_shared>> -> memref<128x64xf32, #tpu.memory_space<vmem_shared>>
        %dma_start3A_77 = arith.constant 0 : i32
        %dma_start3A_78 = tpu.memref_slice %arg18[%add3A_57, %dma_start3A_77] : memref<10240x64xf32, #tpu.memory_space<vmem_shared>> -> memref<128x64xf32, #tpu.memory_space<vmem_shared>>
        tpu.enqueue_dma source(%dma_start3A_78 : memref<128x64xf32, #tpu.memory_space<vmem_shared>>) target(%arg15 : memref<128x64xf32, #tpu.memory_space<vmem>>) target_semaphore(%run_scoped3A : memref<!tpu.dma_semaphore, #tpu.memory_space<semaphore_mem>>)
        %dma_wait3A = arith.constant 0 : i32
        %dma_wait3A_79 = tpu.memref_slice %arg18[%add3A_57, %dma_wait3A] : memref<10240x64xf32, #tpu.memory_space<vmem_shared>> -> memref<128x64xf32, #tpu.memory_space<vmem_shared>>
        %dma_wait3A_80 = arith.constant 0 : i32
        %dma_wait3A_81 = tpu.memref_slice %arg18[%add3A_57, %dma_wait3A_80] : memref<10240x64xf32, #tpu.memory_space<vmem_shared>> -> memref<128x64xf32, #tpu.memory_space<vmem_shared>>
        tpu.wait_dma2 semaphore(%run_scoped3A : memref<!tpu.dma_semaphore, #tpu.memory_space<semaphore_mem>>) src(%dma_wait3A_81 : memref<128x64xf32, #tpu.memory_space<vmem_shared>>) dst(%arg15 : memref<128x64xf32, #tpu.memory_space<vmem>>)
        tpu.yield
      }) : () -> ()
      %add3A_58 = arith.constant 0 : i32
      %add3A_59 = arith.addi %mul3A_0, %add3A_58 : i32
      "tpu.region"() ({
        %run_scoped3A = tpu.sem_alloc : memref<!tpu.dma_semaphore, #tpu.memory_space<semaphore_mem>>
        %dma_start3A = arith.constant 0 : i32
        %dma_start3A_76 = tpu.memref_slice %arg6[%add3A_59, %dma_start3A] : memref<10240x64xf32, #tpu.memory_space<hbm>> -> memref<128x64xf32, #tpu.memory_space<hbm>>
        %dma_start3A_77 = arith.constant 0 : i32
        %dma_start3A_78 = tpu.memref_slice %arg6[%add3A_59, %dma_start3A_77] : memref<10240x64xf32, #tpu.memory_space<hbm>> -> memref<128x64xf32, #tpu.memory_space<hbm>>
        tpu.enqueue_dma source(%arg15 : memref<128x64xf32, #tpu.memory_space<vmem>>) target(%dma_start3A_78 : memref<128x64xf32, #tpu.memory_space<hbm>>) target_semaphore(%run_scoped3A : memref<!tpu.dma_semaphore, #tpu.memory_space<semaphore_mem>>)
        %dma_wait3A = arith.constant 0 : i32
        %dma_wait3A_79 = tpu.memref_slice %arg6[%add3A_59, %dma_wait3A] : memref<10240x64xf32, #tpu.memory_space<hbm>> -> memref<128x64xf32, #tpu.memory_space<hbm>>
        %dma_wait3A_80 = arith.constant 0 : i32
        %dma_wait3A_81 = tpu.memref_slice %arg6[%add3A_59, %dma_wait3A_80] : memref<10240x64xf32, #tpu.memory_space<hbm>> -> memref<128x64xf32, #tpu.memory_space<hbm>>
        tpu.wait_dma2 semaphore(%run_scoped3A : memref<!tpu.dma_semaphore, #tpu.memory_space<semaphore_mem>>) src(%arg15 : memref<128x64xf32, #tpu.memory_space<vmem>>) dst(%dma_wait3A_81 : memref<128x64xf32, #tpu.memory_space<hbm>>)
        tpu.yield
      }) : () -> ()
      %add3A_60 = arith.constant 128 : i32
      %add3A_61 = arith.addi %mul3A_0, %add3A_60 : i32
      "tpu.region"() ({
        %run_scoped3A = tpu.sem_alloc : memref<!tpu.dma_semaphore, #tpu.memory_space<semaphore_mem>>
        %dma_start3A = arith.constant 0 : i32
        %dma_start3A_76 = tpu.memref_slice %arg18[%add3A_61, %dma_start3A] : memref<10240x64xf32, #tpu.memory_space<vmem_shared>> -> memref<128x64xf32, #tpu.memory_space<vmem_shared>>
        %dma_start3A_77 = arith.constant 0 : i32
        %dma_start3A_78 = tpu.memref_slice %arg18[%add3A_61, %dma_start3A_77] : memref<10240x64xf32, #tpu.memory_space<vmem_shared>> -> memref<128x64xf32, #tpu.memory_space<vmem_shared>>
        tpu.enqueue_dma source(%dma_start3A_78 : memref<128x64xf32, #tpu.memory_space<vmem_shared>>) target(%arg15 : memref<128x64xf32, #tpu.memory_space<vmem>>) target_semaphore(%run_scoped3A : memref<!tpu.dma_semaphore, #tpu.memory_space<semaphore_mem>>)
        %dma_wait3A = arith.constant 0 : i32
        %dma_wait3A_79 = tpu.memref_slice %arg18[%add3A_61, %dma_wait3A] : memref<10240x64xf32, #tpu.memory_space<vmem_shared>> -> memref<128x64xf32, #tpu.memory_space<vmem_shared>>
        %dma_wait3A_80 = arith.constant 0 : i32
        %dma_wait3A_81 = tpu.memref_slice %arg18[%add3A_61, %dma_wait3A_80] : memref<10240x64xf32, #tpu.memory_space<vmem_shared>> -> memref<128x64xf32, #tpu.memory_space<vmem_shared>>
        tpu.wait_dma2 semaphore(%run_scoped3A : memref<!tpu.dma_semaphore, #tpu.memory_space<semaphore_mem>>) src(%dma_wait3A_81 : memref<128x64xf32, #tpu.memory_space<vmem_shared>>) dst(%arg15 : memref<128x64xf32, #tpu.memory_space<vmem>>)
        tpu.yield
      }) : () -> ()
      %add3A_62 = arith.constant 128 : i32
      %add3A_63 = arith.addi %mul3A_0, %add3A_62 : i32
      "tpu.region"() ({
        %run_scoped3A = tpu.sem_alloc : memref<!tpu.dma_semaphore, #tpu.memory_space<semaphore_mem>>
        %dma_start3A = arith.constant 0 : i32
        %dma_start3A_76 = tpu.memref_slice %arg6[%add3A_63, %dma_start3A] : memref<10240x64xf32, #tpu.memory_space<hbm>> -> memref<128x64xf32, #tpu.memory_space<hbm>>
        %dma_start3A_77 = arith.constant 0 : i32
        %dma_start3A_78 = tpu.memref_slice %arg6[%add3A_63, %dma_start3A_77] : memref<10240x64xf32, #tpu.memory_space<hbm>> -> memref<128x64xf32, #tpu.memory_space<hbm>>
        tpu.enqueue_dma source(%arg15 : memref<128x64xf32, #tpu.memory_space<vmem>>) target(%dma_start3A_78 : memref<128x64xf32, #tpu.memory_space<hbm>>) target_semaphore(%run_scoped3A : memref<!tpu.dma_semaphore, #tpu.memory_space<semaphore_mem>>)
        %dma_wait3A = arith.constant 0 : i32
        %dma_wait3A_79 = tpu.memref_slice %arg6[%add3A_63, %dma_wait3A] : memref<10240x64xf32, #tpu.memory_space<hbm>> -> memref<128x64xf32, #tpu.memory_space<hbm>>
        %dma_wait3A_80 = arith.constant 0 : i32
        %dma_wait3A_81 = tpu.memref_slice %arg6[%add3A_63, %dma_wait3A_80] : memref<10240x64xf32, #tpu.memory_space<hbm>> -> memref<128x64xf32, #tpu.memory_space<hbm>>
        tpu.wait_dma2 semaphore(%run_scoped3A : memref<!tpu.dma_semaphore, #tpu.memory_space<semaphore_mem>>) src(%arg15 : memref<128x64xf32, #tpu.memory_space<vmem>>) dst(%dma_wait3A_81 : memref<128x64xf32, #tpu.memory_space<hbm>>)
        tpu.yield
      }) : () -> ()
      %add3A_64 = arith.constant 256 : i32
      %add3A_65 = arith.addi %mul3A_0, %add3A_64 : i32
      "tpu.region"() ({
        %run_scoped3A = tpu.sem_alloc : memref<!tpu.dma_semaphore, #tpu.memory_space<semaphore_mem>>
        %dma_start3A = arith.constant 0 : i32
        %dma_start3A_76 = tpu.memref_slice %arg18[%add3A_65, %dma_start3A] : memref<10240x64xf32, #tpu.memory_space<vmem_shared>> -> memref<128x64xf32, #tpu.memory_space<vmem_shared>>
        %dma_start3A_77 = arith.constant 0 : i32
        %dma_start3A_78 = tpu.memref_slice %arg18[%add3A_65, %dma_start3A_77] : memref<10240x64xf32, #tpu.memory_space<vmem_shared>> -> memref<128x64xf32, #tpu.memory_space<vmem_shared>>
        tpu.enqueue_dma source(%dma_start3A_78 : memref<128x64xf32, #tpu.memory_space<vmem_shared>>) target(%arg15 : memref<128x64xf32, #tpu.memory_space<vmem>>) target_semaphore(%run_scoped3A : memref<!tpu.dma_semaphore, #tpu.memory_space<semaphore_mem>>)
        %dma_wait3A = arith.constant 0 : i32
        %dma_wait3A_79 = tpu.memref_slice %arg18[%add3A_65, %dma_wait3A] : memref<10240x64xf32, #tpu.memory_space<vmem_shared>> -> memref<128x64xf32, #tpu.memory_space<vmem_shared>>
        %dma_wait3A_80 = arith.constant 0 : i32
        %dma_wait3A_81 = tpu.memref_slice %arg18[%add3A_65, %dma_wait3A_80] : memref<10240x64xf32, #tpu.memory_space<vmem_shared>> -> memref<128x64xf32, #tpu.memory_space<vmem_shared>>
        tpu.wait_dma2 semaphore(%run_scoped3A : memref<!tpu.dma_semaphore, #tpu.memory_space<semaphore_mem>>) src(%dma_wait3A_81 : memref<128x64xf32, #tpu.memory_space<vmem_shared>>) dst(%arg15 : memref<128x64xf32, #tpu.memory_space<vmem>>)
        tpu.yield
      }) : () -> ()
      %add3A_66 = arith.constant 256 : i32
      %add3A_67 = arith.addi %mul3A_0, %add3A_66 : i32
      "tpu.region"() ({
        %run_scoped3A = tpu.sem_alloc : memref<!tpu.dma_semaphore, #tpu.memory_space<semaphore_mem>>
        %dma_start3A = arith.constant 0 : i32
        %dma_start3A_76 = tpu.memref_slice %arg6[%add3A_67, %dma_start3A] : memref<10240x64xf32, #tpu.memory_space<hbm>> -> memref<128x64xf32, #tpu.memory_space<hbm>>
        %dma_start3A_77 = arith.constant 0 : i32
        %dma_start3A_78 = tpu.memref_slice %arg6[%add3A_67, %dma_start3A_77] : memref<10240x64xf32, #tpu.memory_space<hbm>> -> memref<128x64xf32, #tpu.memory_space<hbm>>
        tpu.enqueue_dma source(%arg15 : memref<128x64xf32, #tpu.memory_space<vmem>>) target(%dma_start3A_78 : memref<128x64xf32, #tpu.memory_space<hbm>>) target_semaphore(%run_scoped3A : memref<!tpu.dma_semaphore, #tpu.memory_space<semaphore_mem>>)
        %dma_wait3A = arith.constant 0 : i32
        %dma_wait3A_79 = tpu.memref_slice %arg6[%add3A_67, %dma_wait3A] : memref<10240x64xf32, #tpu.memory_space<hbm>> -> memref<128x64xf32, #tpu.memory_space<hbm>>
        %dma_wait3A_80 = arith.constant 0 : i32
        %dma_wait3A_81 = tpu.memref_slice %arg6[%add3A_67, %dma_wait3A_80] : memref<10240x64xf32, #tpu.memory_space<hbm>> -> memref<128x64xf32, #tpu.memory_space<hbm>>
        tpu.wait_dma2 semaphore(%run_scoped3A : memref<!tpu.dma_semaphore, #tpu.memory_space<semaphore_mem>>) src(%arg15 : memref<128x64xf32, #tpu.memory_space<vmem>>) dst(%dma_wait3A_81 : memref<128x64xf32, #tpu.memory_space<hbm>>)
        tpu.yield
      }) : () -> ()
      %add3A_68 = arith.constant 384 : i32
      %add3A_69 = arith.addi %mul3A_0, %add3A_68 : i32
      "tpu.region"() ({
        %run_scoped3A = tpu.sem_alloc : memref<!tpu.dma_semaphore, #tpu.memory_space<semaphore_mem>>
        %dma_start3A = arith.constant 0 : i32
        %dma_start3A_76 = tpu.memref_slice %arg18[%add3A_69, %dma_start3A] : memref<10240x64xf32, #tpu.memory_space<vmem_shared>> -> memref<128x64xf32, #tpu.memory_space<vmem_shared>>
        %dma_start3A_77 = arith.constant 0 : i32
        %dma_start3A_78 = tpu.memref_slice %arg18[%add3A_69, %dma_start3A_77] : memref<10240x64xf32, #tpu.memory_space<vmem_shared>> -> memref<128x64xf32, #tpu.memory_space<vmem_shared>>
        tpu.enqueue_dma source(%dma_start3A_78 : memref<128x64xf32, #tpu.memory_space<vmem_shared>>) target(%arg15 : memref<128x64xf32, #tpu.memory_space<vmem>>) target_semaphore(%run_scoped3A : memref<!tpu.dma_semaphore, #tpu.memory_space<semaphore_mem>>)
        %dma_wait3A = arith.constant 0 : i32
        %dma_wait3A_79 = tpu.memref_slice %arg18[%add3A_69, %dma_wait3A] : memref<10240x64xf32, #tpu.memory_space<vmem_shared>> -> memref<128x64xf32, #tpu.memory_space<vmem_shared>>
        %dma_wait3A_80 = arith.constant 0 : i32
        %dma_wait3A_81 = tpu.memref_slice %arg18[%add3A_69, %dma_wait3A_80] : memref<10240x64xf32, #tpu.memory_space<vmem_shared>> -> memref<128x64xf32, #tpu.memory_space<vmem_shared>>
        tpu.wait_dma2 semaphore(%run_scoped3A : memref<!tpu.dma_semaphore, #tpu.memory_space<semaphore_mem>>) src(%dma_wait3A_81 : memref<128x64xf32, #tpu.memory_space<vmem_shared>>) dst(%arg15 : memref<128x64xf32, #tpu.memory_space<vmem>>)
        tpu.yield
      }) : () -> ()
      %add3A_70 = arith.constant 384 : i32
      %add3A_71 = arith.addi %mul3A_0, %add3A_70 : i32
      "tpu.region"() ({
        %run_scoped3A = tpu.sem_alloc : memref<!tpu.dma_semaphore, #tpu.memory_space<semaphore_mem>>
        %dma_start3A = arith.constant 0 : i32
        %dma_start3A_76 = tpu.memref_slice %arg6[%add3A_71, %dma_start3A] : memref<10240x64xf32, #tpu.memory_space<hbm>> -> memref<128x64xf32, #tpu.memory_space<hbm>>
        %dma_start3A_77 = arith.constant 0 : i32
        %dma_start3A_78 = tpu.memref_slice %arg6[%add3A_71, %dma_start3A_77] : memref<10240x64xf32, #tpu.memory_space<hbm>> -> memref<128x64xf32, #tpu.memory_space<hbm>>
        tpu.enqueue_dma source(%arg15 : memref<128x64xf32, #tpu.memory_space<vmem>>) target(%dma_start3A_78 : memref<128x64xf32, #tpu.memory_space<hbm>>) target_semaphore(%run_scoped3A : memref<!tpu.dma_semaphore, #tpu.memory_space<semaphore_mem>>)
        %dma_wait3A = arith.constant 0 : i32
        %dma_wait3A_79 = tpu.memref_slice %arg6[%add3A_71, %dma_wait3A] : memref<10240x64xf32, #tpu.memory_space<hbm>> -> memref<128x64xf32, #tpu.memory_space<hbm>>
        %dma_wait3A_80 = arith.constant 0 : i32
        %dma_wait3A_81 = tpu.memref_slice %arg6[%add3A_71, %dma_wait3A_80] : memref<10240x64xf32, #tpu.memory_space<hbm>> -> memref<128x64xf32, #tpu.memory_space<hbm>>
        tpu.wait_dma2 semaphore(%run_scoped3A : memref<!tpu.dma_semaphore, #tpu.memory_space<semaphore_mem>>) src(%arg15 : memref<128x64xf32, #tpu.memory_space<vmem>>) dst(%dma_wait3A_81 : memref<128x64xf32, #tpu.memory_space<hbm>>)
        tpu.yield
      }) : () -> ()
      %add3A_72 = arith.constant 512 : i32
      %add3A_73 = arith.addi %mul3A_0, %add3A_72 : i32
      "tpu.region"() ({
        %run_scoped3A = tpu.sem_alloc : memref<!tpu.dma_semaphore, #tpu.memory_space<semaphore_mem>>
        %dma_start3A = arith.constant 0 : i32
        %dma_start3A_76 = tpu.memref_slice %arg18[%add3A_73, %dma_start3A] : memref<10240x64xf32, #tpu.memory_space<vmem_shared>> -> memref<128x64xf32, #tpu.memory_space<vmem_shared>>
        %dma_start3A_77 = arith.constant 0 : i32
        %dma_start3A_78 = tpu.memref_slice %arg18[%add3A_73, %dma_start3A_77] : memref<10240x64xf32, #tpu.memory_space<vmem_shared>> -> memref<128x64xf32, #tpu.memory_space<vmem_shared>>
        tpu.enqueue_dma source(%dma_start3A_78 : memref<128x64xf32, #tpu.memory_space<vmem_shared>>) target(%arg15 : memref<128x64xf32, #tpu.memory_space<vmem>>) target_semaphore(%run_scoped3A : memref<!tpu.dma_semaphore, #tpu.memory_space<semaphore_mem>>)
        %dma_wait3A = arith.constant 0 : i32
        %dma_wait3A_79 = tpu.memref_slice %arg18[%add3A_73, %dma_wait3A] : memref<10240x64xf32, #tpu.memory_space<vmem_shared>> -> memref<128x64xf32, #tpu.memory_space<vmem_shared>>
        %dma_wait3A_80 = arith.constant 0 : i32
        %dma_wait3A_81 = tpu.memref_slice %arg18[%add3A_73, %dma_wait3A_80] : memref<10240x64xf32, #tpu.memory_space<vmem_shared>> -> memref<128x64xf32, #tpu.memory_space<vmem_shared>>
        tpu.wait_dma2 semaphore(%run_scoped3A : memref<!tpu.dma_semaphore, #tpu.memory_space<semaphore_mem>>) src(%dma_wait3A_81 : memref<128x64xf32, #tpu.memory_space<vmem_shared>>) dst(%arg15 : memref<128x64xf32, #tpu.memory_space<vmem>>)
        tpu.yield
      }) : () -> ()
      %add3A_74 = arith.constant 512 : i32
      %add3A_75 = arith.addi %mul3A_0, %add3A_74 : i32
      "tpu.region"() ({
        %run_scoped3A = tpu.sem_alloc : memref<!tpu.dma_semaphore, #tpu.memory_space<semaphore_mem>>
        %dma_start3A = arith.constant 0 : i32
        %dma_start3A_76 = tpu.memref_slice %arg6[%add3A_75, %dma_start3A] : memref<10240x64xf32, #tpu.memory_space<hbm>> -> memref<128x64xf32, #tpu.memory_space<hbm>>
        %dma_start3A_77 = arith.constant 0 : i32
        %dma_start3A_78 = tpu.memref_slice %arg6[%add3A_75, %dma_start3A_77] : memref<10240x64xf32, #tpu.memory_space<hbm>> -> memref<128x64xf32, #tpu.memory_space<hbm>>
        tpu.enqueue_dma source(%arg15 : memref<128x64xf32, #tpu.memory_space<vmem>>) target(%dma_start3A_78 : memref<128x64xf32, #tpu.memory_space<hbm>>) target_semaphore(%run_scoped3A : memref<!tpu.dma_semaphore, #tpu.memory_space<semaphore_mem>>)
        %dma_wait3A = arith.constant 0 : i32
        %dma_wait3A_79 = tpu.memref_slice %arg6[%add3A_75, %dma_wait3A] : memref<10240x64xf32, #tpu.memory_space<hbm>> -> memref<128x64xf32, #tpu.memory_space<hbm>>
        %dma_wait3A_80 = arith.constant 0 : i32
        %dma_wait3A_81 = tpu.memref_slice %arg6[%add3A_75, %dma_wait3A_80] : memref<10240x64xf32, #tpu.memory_space<hbm>> -> memref<128x64xf32, #tpu.memory_space<hbm>>
        tpu.wait_dma2 semaphore(%run_scoped3A : memref<!tpu.dma_semaphore, #tpu.memory_space<semaphore_mem>>) src(%arg15 : memref<128x64xf32, #tpu.memory_space<vmem>>) dst(%dma_wait3A_81 : memref<128x64xf32, #tpu.memory_space<hbm>>)
        tpu.yield
      }) : () -> ()
      "tpu.region"() ({
        %run_scoped3A = tpu.sem_alloc : memref<!tpu.dma_semaphore, #tpu.memory_space<semaphore_mem>>
        %dma_start3A = arith.constant 0 : i32
        %dma_start3A_76 = tpu.memref_slice %arg19[%mul3A_0, %dma_start3A] : memref<10240x16xf32, #tpu.memory_space<vmem_shared>> -> memref<640x16xf32, #tpu.memory_space<vmem_shared>>
        %dma_start3A_77 = arith.constant 0 : i32
        %dma_start3A_78 = tpu.memref_slice %arg19[%mul3A_0, %dma_start3A_77] : memref<10240x16xf32, #tpu.memory_space<vmem_shared>> -> memref<640x16xf32, #tpu.memory_space<vmem_shared>>
        tpu.enqueue_dma source(%dma_start3A_78 : memref<640x16xf32, #tpu.memory_space<vmem_shared>>) target(%arg16 : memref<640x16xf32, #tpu.memory_space<vmem>>) target_semaphore(%run_scoped3A : memref<!tpu.dma_semaphore, #tpu.memory_space<semaphore_mem>>)
        %dma_wait3A = arith.constant 0 : i32
        %dma_wait3A_79 = tpu.memref_slice %arg19[%mul3A_0, %dma_wait3A] : memref<10240x16xf32, #tpu.memory_space<vmem_shared>> -> memref<640x16xf32, #tpu.memory_space<vmem_shared>>
        %dma_wait3A_80 = arith.constant 0 : i32
        %dma_wait3A_81 = tpu.memref_slice %arg19[%mul3A_0, %dma_wait3A_80] : memref<10240x16xf32, #tpu.memory_space<vmem_shared>> -> memref<640x16xf32, #tpu.memory_space<vmem_shared>>
        tpu.wait_dma2 semaphore(%run_scoped3A : memref<!tpu.dma_semaphore, #tpu.memory_space<semaphore_mem>>) src(%dma_wait3A_81 : memref<640x16xf32, #tpu.memory_space<vmem_shared>>) dst(%arg16 : memref<640x16xf32, #tpu.memory_space<vmem>>)
        tpu.yield
      }) : () -> ()
      "tpu.region"() ({
        %run_scoped3A = tpu.sem_alloc : memref<!tpu.dma_semaphore, #tpu.memory_space<semaphore_mem>>
        %dma_start3A = arith.constant 0 : i32
        %dma_start3A_76 = tpu.memref_slice %arg8[%mul3A_0, %dma_start3A] : memref<10240x16xf32, #tpu.memory_space<hbm>> -> memref<640x16xf32, #tpu.memory_space<hbm>>
        %dma_start3A_77 = arith.constant 0 : i32
        %dma_start3A_78 = tpu.memref_slice %arg8[%mul3A_0, %dma_start3A_77] : memref<10240x16xf32, #tpu.memory_space<hbm>> -> memref<640x16xf32, #tpu.memory_space<hbm>>
        tpu.enqueue_dma source(%arg16 : memref<640x16xf32, #tpu.memory_space<vmem>>) target(%dma_start3A_78 : memref<640x16xf32, #tpu.memory_space<hbm>>) target_semaphore(%run_scoped3A : memref<!tpu.dma_semaphore, #tpu.memory_space<semaphore_mem>>)
        %dma_wait3A = arith.constant 0 : i32
        %dma_wait3A_79 = tpu.memref_slice %arg8[%mul3A_0, %dma_wait3A] : memref<10240x16xf32, #tpu.memory_space<hbm>> -> memref<640x16xf32, #tpu.memory_space<hbm>>
        %dma_wait3A_80 = arith.constant 0 : i32
        %dma_wait3A_81 = tpu.memref_slice %arg8[%mul3A_0, %dma_wait3A_80] : memref<10240x16xf32, #tpu.memory_space<hbm>> -> memref<640x16xf32, #tpu.memory_space<hbm>>
        tpu.wait_dma2 semaphore(%run_scoped3A : memref<!tpu.dma_semaphore, #tpu.memory_space<semaphore_mem>>) src(%arg16 : memref<640x16xf32, #tpu.memory_space<vmem>>) dst(%dma_wait3A_81 : memref<640x16xf32, #tpu.memory_space<hbm>>)
        tpu.yield
      }) : () -> ()
    } else {
    }
    %eq3A_51 = arith.constant 1 : i32
    %eq3A_52 = arith.cmpi eq, %arg0, %eq3A_51 : i32
    %convert_element_type3A_53 = arith.extui %eq3A_52 : i1 to i32
    %cond3A_54 = arith.constant 0 : i32
    %cond3A_55 = arith.cmpi ne, %convert_element_type3A_53, %cond3A_54 : i32
    scf.if %cond3A_55 {
      %add3A_56 = arith.constant 0 : i32
      %add3A_57 = arith.addi %mul3A_0, %add3A_56 : i32
      "tpu.region"() ({
        %run_scoped3A = tpu.sem_alloc : memref<!tpu.dma_semaphore, #tpu.memory_space<semaphore_mem>>
        %dma_start3A = arith.constant 0 : i32
        %dma_start3A_76 = tpu.memref_slice %arg18[%add3A_57, %dma_start3A] : memref<10240x64xf32, #tpu.memory_space<vmem_shared>> -> memref<128x64xf32, #tpu.memory_space<vmem_shared>>
        %dma_start3A_77 = arith.constant 0 : i32
        %dma_start3A_78 = tpu.memref_slice %arg18[%add3A_57, %dma_start3A_77] : memref<10240x64xf32, #tpu.memory_space<vmem_shared>> -> memref<128x64xf32, #tpu.memory_space<vmem_shared>>
        tpu.enqueue_dma source(%dma_start3A_78 : memref<128x64xf32, #tpu.memory_space<vmem_shared>>) target(%arg15 : memref<128x64xf32, #tpu.memory_space<vmem>>) target_semaphore(%run_scoped3A : memref<!tpu.dma_semaphore, #tpu.memory_space<semaphore_mem>>)
        %dma_wait3A = arith.constant 0 : i32
        %dma_wait3A_79 = tpu.memref_slice %arg18[%add3A_57, %dma_wait3A] : memref<10240x64xf32, #tpu.memory_space<vmem_shared>> -> memref<128x64xf32, #tpu.memory_space<vmem_shared>>
        %dma_wait3A_80 = arith.constant 0 : i32
        %dma_wait3A_81 = tpu.memref_slice %arg18[%add3A_57, %dma_wait3A_80] : memref<10240x64xf32, #tpu.memory_space<vmem_shared>> -> memref<128x64xf32, #tpu.memory_space<vmem_shared>>
        tpu.wait_dma2 semaphore(%run_scoped3A : memref<!tpu.dma_semaphore, #tpu.memory_space<semaphore_mem>>) src(%dma_wait3A_81 : memref<128x64xf32, #tpu.memory_space<vmem_shared>>) dst(%arg15 : memref<128x64xf32, #tpu.memory_space<vmem>>)
        tpu.yield
      }) : () -> ()
      %add3A_58 = arith.constant 0 : i32
      %add3A_59 = arith.addi %mul3A_0, %add3A_58 : i32
      "tpu.region"() ({
        %run_scoped3A = tpu.sem_alloc : memref<!tpu.dma_semaphore, #tpu.memory_space<semaphore_mem>>
        %dma_start3A = arith.constant 0 : i32
        %dma_start3A_76 = tpu.memref_slice %arg7[%add3A_59, %dma_start3A] : memref<10240x64xf32, #tpu.memory_space<hbm>> -> memref<128x64xf32, #tpu.memory_space<hbm>>
        %dma_start3A_77 = arith.constant 0 : i32
        %dma_start3A_78 = tpu.memref_slice %arg7[%add3A_59, %dma_start3A_77] : memref<10240x64xf32, #tpu.memory_space<hbm>> -> memref<128x64xf32, #tpu.memory_space<hbm>>
        tpu.enqueue_dma source(%arg15 : memref<128x64xf32, #tpu.memory_space<vmem>>) target(%dma_start3A_78 : memref<128x64xf32, #tpu.memory_space<hbm>>) target_semaphore(%run_scoped3A : memref<!tpu.dma_semaphore, #tpu.memory_space<semaphore_mem>>)
        %dma_wait3A = arith.constant 0 : i32
        %dma_wait3A_79 = tpu.memref_slice %arg7[%add3A_59, %dma_wait3A] : memref<10240x64xf32, #tpu.memory_space<hbm>> -> memref<128x64xf32, #tpu.memory_space<hbm>>
        %dma_wait3A_80 = arith.constant 0 : i32
        %dma_wait3A_81 = tpu.memref_slice %arg7[%add3A_59, %dma_wait3A_80] : memref<10240x64xf32, #tpu.memory_space<hbm>> -> memref<128x64xf32, #tpu.memory_space<hbm>>
        tpu.wait_dma2 semaphore(%run_scoped3A : memref<!tpu.dma_semaphore, #tpu.memory_space<semaphore_mem>>) src(%arg15 : memref<128x64xf32, #tpu.memory_space<vmem>>) dst(%dma_wait3A_81 : memref<128x64xf32, #tpu.memory_space<hbm>>)
        tpu.yield
      }) : () -> ()
      %add3A_60 = arith.constant 128 : i32
      %add3A_61 = arith.addi %mul3A_0, %add3A_60 : i32
      "tpu.region"() ({
        %run_scoped3A = tpu.sem_alloc : memref<!tpu.dma_semaphore, #tpu.memory_space<semaphore_mem>>
        %dma_start3A = arith.constant 0 : i32
        %dma_start3A_76 = tpu.memref_slice %arg18[%add3A_61, %dma_start3A] : memref<10240x64xf32, #tpu.memory_space<vmem_shared>> -> memref<128x64xf32, #tpu.memory_space<vmem_shared>>
        %dma_start3A_77 = arith.constant 0 : i32
        %dma_start3A_78 = tpu.memref_slice %arg18[%add3A_61, %dma_start3A_77] : memref<10240x64xf32, #tpu.memory_space<vmem_shared>> -> memref<128x64xf32, #tpu.memory_space<vmem_shared>>
        tpu.enqueue_dma source(%dma_start3A_78 : memref<128x64xf32, #tpu.memory_space<vmem_shared>>) target(%arg15 : memref<128x64xf32, #tpu.memory_space<vmem>>) target_semaphore(%run_scoped3A : memref<!tpu.dma_semaphore, #tpu.memory_space<semaphore_mem>>)
        %dma_wait3A = arith.constant 0 : i32
        %dma_wait3A_79 = tpu.memref_slice %arg18[%add3A_61, %dma_wait3A] : memref<10240x64xf32, #tpu.memory_space<vmem_shared>> -> memref<128x64xf32, #tpu.memory_space<vmem_shared>>
        %dma_wait3A_80 = arith.constant 0 : i32
        %dma_wait3A_81 = tpu.memref_slice %arg18[%add3A_61, %dma_wait3A_80] : memref<10240x64xf32, #tpu.memory_space<vmem_shared>> -> memref<128x64xf32, #tpu.memory_space<vmem_shared>>
        tpu.wait_dma2 semaphore(%run_scoped3A : memref<!tpu.dma_semaphore, #tpu.memory_space<semaphore_mem>>) src(%dma_wait3A_81 : memref<128x64xf32, #tpu.memory_space<vmem_shared>>) dst(%arg15 : memref<128x64xf32, #tpu.memory_space<vmem>>)
        tpu.yield
      }) : () -> ()
      %add3A_62 = arith.constant 128 : i32
      %add3A_63 = arith.addi %mul3A_0, %add3A_62 : i32
      "tpu.region"() ({
        %run_scoped3A = tpu.sem_alloc : memref<!tpu.dma_semaphore, #tpu.memory_space<semaphore_mem>>
        %dma_start3A = arith.constant 0 : i32
        %dma_start3A_76 = tpu.memref_slice %arg7[%add3A_63, %dma_start3A] : memref<10240x64xf32, #tpu.memory_space<hbm>> -> memref<128x64xf32, #tpu.memory_space<hbm>>
        %dma_start3A_77 = arith.constant 0 : i32
        %dma_start3A_78 = tpu.memref_slice %arg7[%add3A_63, %dma_start3A_77] : memref<10240x64xf32, #tpu.memory_space<hbm>> -> memref<128x64xf32, #tpu.memory_space<hbm>>
        tpu.enqueue_dma source(%arg15 : memref<128x64xf32, #tpu.memory_space<vmem>>) target(%dma_start3A_78 : memref<128x64xf32, #tpu.memory_space<hbm>>) target_semaphore(%run_scoped3A : memref<!tpu.dma_semaphore, #tpu.memory_space<semaphore_mem>>)
        %dma_wait3A = arith.constant 0 : i32
        %dma_wait3A_79 = tpu.memref_slice %arg7[%add3A_63, %dma_wait3A] : memref<10240x64xf32, #tpu.memory_space<hbm>> -> memref<128x64xf32, #tpu.memory_space<hbm>>
        %dma_wait3A_80 = arith.constant 0 : i32
        %dma_wait3A_81 = tpu.memref_slice %arg7[%add3A_63, %dma_wait3A_80] : memref<10240x64xf32, #tpu.memory_space<hbm>> -> memref<128x64xf32, #tpu.memory_space<hbm>>
        tpu.wait_dma2 semaphore(%run_scoped3A : memref<!tpu.dma_semaphore, #tpu.memory_space<semaphore_mem>>) src(%arg15 : memref<128x64xf32, #tpu.memory_space<vmem>>) dst(%dma_wait3A_81 : memref<128x64xf32, #tpu.memory_space<hbm>>)
        tpu.yield
      }) : () -> ()
      %add3A_64 = arith.constant 256 : i32
      %add3A_65 = arith.addi %mul3A_0, %add3A_64 : i32
      "tpu.region"() ({
        %run_scoped3A = tpu.sem_alloc : memref<!tpu.dma_semaphore, #tpu.memory_space<semaphore_mem>>
        %dma_start3A = arith.constant 0 : i32
        %dma_start3A_76 = tpu.memref_slice %arg18[%add3A_65, %dma_start3A] : memref<10240x64xf32, #tpu.memory_space<vmem_shared>> -> memref<128x64xf32, #tpu.memory_space<vmem_shared>>
        %dma_start3A_77 = arith.constant 0 : i32
        %dma_start3A_78 = tpu.memref_slice %arg18[%add3A_65, %dma_start3A_77] : memref<10240x64xf32, #tpu.memory_space<vmem_shared>> -> memref<128x64xf32, #tpu.memory_space<vmem_shared>>
        tpu.enqueue_dma source(%dma_start3A_78 : memref<128x64xf32, #tpu.memory_space<vmem_shared>>) target(%arg15 : memref<128x64xf32, #tpu.memory_space<vmem>>) target_semaphore(%run_scoped3A : memref<!tpu.dma_semaphore, #tpu.memory_space<semaphore_mem>>)
        %dma_wait3A = arith.constant 0 : i32
        %dma_wait3A_79 = tpu.memref_slice %arg18[%add3A_65, %dma_wait3A] : memref<10240x64xf32, #tpu.memory_space<vmem_shared>> -> memref<128x64xf32, #tpu.memory_space<vmem_shared>>
        %dma_wait3A_80 = arith.constant 0 : i32
        %dma_wait3A_81 = tpu.memref_slice %arg18[%add3A_65, %dma_wait3A_80] : memref<10240x64xf32, #tpu.memory_space<vmem_shared>> -> memref<128x64xf32, #tpu.memory_space<vmem_shared>>
        tpu.wait_dma2 semaphore(%run_scoped3A : memref<!tpu.dma_semaphore, #tpu.memory_space<semaphore_mem>>) src(%dma_wait3A_81 : memref<128x64xf32, #tpu.memory_space<vmem_shared>>) dst(%arg15 : memref<128x64xf32, #tpu.memory_space<vmem>>)
        tpu.yield
      }) : () -> ()
      %add3A_66 = arith.constant 256 : i32
      %add3A_67 = arith.addi %mul3A_0, %add3A_66 : i32
      "tpu.region"() ({
        %run_scoped3A = tpu.sem_alloc : memref<!tpu.dma_semaphore, #tpu.memory_space<semaphore_mem>>
        %dma_start3A = arith.constant 0 : i32
        %dma_start3A_76 = tpu.memref_slice %arg7[%add3A_67, %dma_start3A] : memref<10240x64xf32, #tpu.memory_space<hbm>> -> memref<128x64xf32, #tpu.memory_space<hbm>>
        %dma_start3A_77 = arith.constant 0 : i32
        %dma_start3A_78 = tpu.memref_slice %arg7[%add3A_67, %dma_start3A_77] : memref<10240x64xf32, #tpu.memory_space<hbm>> -> memref<128x64xf32, #tpu.memory_space<hbm>>
        tpu.enqueue_dma source(%arg15 : memref<128x64xf32, #tpu.memory_space<vmem>>) target(%dma_start3A_78 : memref<128x64xf32, #tpu.memory_space<hbm>>) target_semaphore(%run_scoped3A : memref<!tpu.dma_semaphore, #tpu.memory_space<semaphore_mem>>)
        %dma_wait3A = arith.constant 0 : i32
        %dma_wait3A_79 = tpu.memref_slice %arg7[%add3A_67, %dma_wait3A] : memref<10240x64xf32, #tpu.memory_space<hbm>> -> memref<128x64xf32, #tpu.memory_space<hbm>>
        %dma_wait3A_80 = arith.constant 0 : i32
        %dma_wait3A_81 = tpu.memref_slice %arg7[%add3A_67, %dma_wait3A_80] : memref<10240x64xf32, #tpu.memory_space<hbm>> -> memref<128x64xf32, #tpu.memory_space<hbm>>
        tpu.wait_dma2 semaphore(%run_scoped3A : memref<!tpu.dma_semaphore, #tpu.memory_space<semaphore_mem>>) src(%arg15 : memref<128x64xf32, #tpu.memory_space<vmem>>) dst(%dma_wait3A_81 : memref<128x64xf32, #tpu.memory_space<hbm>>)
        tpu.yield
      }) : () -> ()
      %add3A_68 = arith.constant 384 : i32
      %add3A_69 = arith.addi %mul3A_0, %add3A_68 : i32
      "tpu.region"() ({
        %run_scoped3A = tpu.sem_alloc : memref<!tpu.dma_semaphore, #tpu.memory_space<semaphore_mem>>
        %dma_start3A = arith.constant 0 : i32
        %dma_start3A_76 = tpu.memref_slice %arg18[%add3A_69, %dma_start3A] : memref<10240x64xf32, #tpu.memory_space<vmem_shared>> -> memref<128x64xf32, #tpu.memory_space<vmem_shared>>
        %dma_start3A_77 = arith.constant 0 : i32
        %dma_start3A_78 = tpu.memref_slice %arg18[%add3A_69, %dma_start3A_77] : memref<10240x64xf32, #tpu.memory_space<vmem_shared>> -> memref<128x64xf32, #tpu.memory_space<vmem_shared>>
        tpu.enqueue_dma source(%dma_start3A_78 : memref<128x64xf32, #tpu.memory_space<vmem_shared>>) target(%arg15 : memref<128x64xf32, #tpu.memory_space<vmem>>) target_semaphore(%run_scoped3A : memref<!tpu.dma_semaphore, #tpu.memory_space<semaphore_mem>>)
        %dma_wait3A = arith.constant 0 : i32
        %dma_wait3A_79 = tpu.memref_slice %arg18[%add3A_69, %dma_wait3A] : memref<10240x64xf32, #tpu.memory_space<vmem_shared>> -> memref<128x64xf32, #tpu.memory_space<vmem_shared>>
        %dma_wait3A_80 = arith.constant 0 : i32
        %dma_wait3A_81 = tpu.memref_slice %arg18[%add3A_69, %dma_wait3A_80] : memref<10240x64xf32, #tpu.memory_space<vmem_shared>> -> memref<128x64xf32, #tpu.memory_space<vmem_shared>>
        tpu.wait_dma2 semaphore(%run_scoped3A : memref<!tpu.dma_semaphore, #tpu.memory_space<semaphore_mem>>) src(%dma_wait3A_81 : memref<128x64xf32, #tpu.memory_space<vmem_shared>>) dst(%arg15 : memref<128x64xf32, #tpu.memory_space<vmem>>)
        tpu.yield
      }) : () -> ()
      %add3A_70 = arith.constant 384 : i32
      %add3A_71 = arith.addi %mul3A_0, %add3A_70 : i32
      "tpu.region"() ({
        %run_scoped3A = tpu.sem_alloc : memref<!tpu.dma_semaphore, #tpu.memory_space<semaphore_mem>>
        %dma_start3A = arith.constant 0 : i32
        %dma_start3A_76 = tpu.memref_slice %arg7[%add3A_71, %dma_start3A] : memref<10240x64xf32, #tpu.memory_space<hbm>> -> memref<128x64xf32, #tpu.memory_space<hbm>>
        %dma_start3A_77 = arith.constant 0 : i32
        %dma_start3A_78 = tpu.memref_slice %arg7[%add3A_71, %dma_start3A_77] : memref<10240x64xf32, #tpu.memory_space<hbm>> -> memref<128x64xf32, #tpu.memory_space<hbm>>
        tpu.enqueue_dma source(%arg15 : memref<128x64xf32, #tpu.memory_space<vmem>>) target(%dma_start3A_78 : memref<128x64xf32, #tpu.memory_space<hbm>>) target_semaphore(%run_scoped3A : memref<!tpu.dma_semaphore, #tpu.memory_space<semaphore_mem>>)
        %dma_wait3A = arith.constant 0 : i32
        %dma_wait3A_79 = tpu.memref_slice %arg7[%add3A_71, %dma_wait3A] : memref<10240x64xf32, #tpu.memory_space<hbm>> -> memref<128x64xf32, #tpu.memory_space<hbm>>
        %dma_wait3A_80 = arith.constant 0 : i32
        %dma_wait3A_81 = tpu.memref_slice %arg7[%add3A_71, %dma_wait3A_80] : memref<10240x64xf32, #tpu.memory_space<hbm>> -> memref<128x64xf32, #tpu.memory_space<hbm>>
        tpu.wait_dma2 semaphore(%run_scoped3A : memref<!tpu.dma_semaphore, #tpu.memory_space<semaphore_mem>>) src(%arg15 : memref<128x64xf32, #tpu.memory_space<vmem>>) dst(%dma_wait3A_81 : memref<128x64xf32, #tpu.memory_space<hbm>>)
        tpu.yield
      }) : () -> ()
      %add3A_72 = arith.constant 512 : i32
      %add3A_73 = arith.addi %mul3A_0, %add3A_72 : i32
      "tpu.region"() ({
        %run_scoped3A = tpu.sem_alloc : memref<!tpu.dma_semaphore, #tpu.memory_space<semaphore_mem>>
        %dma_start3A = arith.constant 0 : i32
        %dma_start3A_76 = tpu.memref_slice %arg18[%add3A_73, %dma_start3A] : memref<10240x64xf32, #tpu.memory_space<vmem_shared>> -> memref<128x64xf32, #tpu.memory_space<vmem_shared>>
        %dma_start3A_77 = arith.constant 0 : i32
        %dma_start3A_78 = tpu.memref_slice %arg18[%add3A_73, %dma_start3A_77] : memref<10240x64xf32, #tpu.memory_space<vmem_shared>> -> memref<128x64xf32, #tpu.memory_space<vmem_shared>>
        tpu.enqueue_dma source(%dma_start3A_78 : memref<128x64xf32, #tpu.memory_space<vmem_shared>>) target(%arg15 : memref<128x64xf32, #tpu.memory_space<vmem>>) target_semaphore(%run_scoped3A : memref<!tpu.dma_semaphore, #tpu.memory_space<semaphore_mem>>)
        %dma_wait3A = arith.constant 0 : i32
        %dma_wait3A_79 = tpu.memref_slice %arg18[%add3A_73, %dma_wait3A] : memref<10240x64xf32, #tpu.memory_space<vmem_shared>> -> memref<128x64xf32, #tpu.memory_space<vmem_shared>>
        %dma_wait3A_80 = arith.constant 0 : i32
        %dma_wait3A_81 = tpu.memref_slice %arg18[%add3A_73, %dma_wait3A_80] : memref<10240x64xf32, #tpu.memory_space<vmem_shared>> -> memref<128x64xf32, #tpu.memory_space<vmem_shared>>
        tpu.wait_dma2 semaphore(%run_scoped3A : memref<!tpu.dma_semaphore, #tpu.memory_space<semaphore_mem>>) src(%dma_wait3A_81 : memref<128x64xf32, #tpu.memory_space<vmem_shared>>) dst(%arg15 : memref<128x64xf32, #tpu.memory_space<vmem>>)
        tpu.yield
      }) : () -> ()
      %add3A_74 = arith.constant 512 : i32
      %add3A_75 = arith.addi %mul3A_0, %add3A_74 : i32
      "tpu.region"() ({
        %run_scoped3A = tpu.sem_alloc : memref<!tpu.dma_semaphore, #tpu.memory_space<semaphore_mem>>
        %dma_start3A = arith.constant 0 : i32
        %dma_start3A_76 = tpu.memref_slice %arg7[%add3A_75, %dma_start3A] : memref<10240x64xf32, #tpu.memory_space<hbm>> -> memref<128x64xf32, #tpu.memory_space<hbm>>
        %dma_start3A_77 = arith.constant 0 : i32
        %dma_start3A_78 = tpu.memref_slice %arg7[%add3A_75, %dma_start3A_77] : memref<10240x64xf32, #tpu.memory_space<hbm>> -> memref<128x64xf32, #tpu.memory_space<hbm>>
        tpu.enqueue_dma source(%arg15 : memref<128x64xf32, #tpu.memory_space<vmem>>) target(%dma_start3A_78 : memref<128x64xf32, #tpu.memory_space<hbm>>) target_semaphore(%run_scoped3A : memref<!tpu.dma_semaphore, #tpu.memory_space<semaphore_mem>>)
        %dma_wait3A = arith.constant 0 : i32
        %dma_wait3A_79 = tpu.memref_slice %arg7[%add3A_75, %dma_wait3A] : memref<10240x64xf32, #tpu.memory_space<hbm>> -> memref<128x64xf32, #tpu.memory_space<hbm>>
        %dma_wait3A_80 = arith.constant 0 : i32
        %dma_wait3A_81 = tpu.memref_slice %arg7[%add3A_75, %dma_wait3A_80] : memref<10240x64xf32, #tpu.memory_space<hbm>> -> memref<128x64xf32, #tpu.memory_space<hbm>>
        tpu.wait_dma2 semaphore(%run_scoped3A : memref<!tpu.dma_semaphore, #tpu.memory_space<semaphore_mem>>) src(%arg15 : memref<128x64xf32, #tpu.memory_space<vmem>>) dst(%dma_wait3A_81 : memref<128x64xf32, #tpu.memory_space<hbm>>)
        tpu.yield
      }) : () -> ()
      "tpu.region"() ({
        %run_scoped3A = tpu.sem_alloc : memref<!tpu.dma_semaphore, #tpu.memory_space<semaphore_mem>>
        %dma_start3A = arith.constant 0 : i32
        %dma_start3A_76 = tpu.memref_slice %arg19[%mul3A_0, %dma_start3A] : memref<10240x16xf32, #tpu.memory_space<vmem_shared>> -> memref<640x16xf32, #tpu.memory_space<vmem_shared>>
        %dma_start3A_77 = arith.constant 0 : i32
        %dma_start3A_78 = tpu.memref_slice %arg19[%mul3A_0, %dma_start3A_77] : memref<10240x16xf32, #tpu.memory_space<vmem_shared>> -> memref<640x16xf32, #tpu.memory_space<vmem_shared>>
        tpu.enqueue_dma source(%dma_start3A_78 : memref<640x16xf32, #tpu.memory_space<vmem_shared>>) target(%arg16 : memref<640x16xf32, #tpu.memory_space<vmem>>) target_semaphore(%run_scoped3A : memref<!tpu.dma_semaphore, #tpu.memory_space<semaphore_mem>>)
        %dma_wait3A = arith.constant 0 : i32
        %dma_wait3A_79 = tpu.memref_slice %arg19[%mul3A_0, %dma_wait3A] : memref<10240x16xf32, #tpu.memory_space<vmem_shared>> -> memref<640x16xf32, #tpu.memory_space<vmem_shared>>
        %dma_wait3A_80 = arith.constant 0 : i32
        %dma_wait3A_81 = tpu.memref_slice %arg19[%mul3A_0, %dma_wait3A_80] : memref<10240x16xf32, #tpu.memory_space<vmem_shared>> -> memref<640x16xf32, #tpu.memory_space<vmem_shared>>
        tpu.wait_dma2 semaphore(%run_scoped3A : memref<!tpu.dma_semaphore, #tpu.memory_space<semaphore_mem>>) src(%dma_wait3A_81 : memref<640x16xf32, #tpu.memory_space<vmem_shared>>) dst(%arg16 : memref<640x16xf32, #tpu.memory_space<vmem>>)
        tpu.yield
      }) : () -> ()
      "tpu.region"() ({
        %run_scoped3A = tpu.sem_alloc : memref<!tpu.dma_semaphore, #tpu.memory_space<semaphore_mem>>
        %dma_start3A = arith.constant 0 : i32
        %dma_start3A_76 = tpu.memref_slice %arg9[%mul3A_0, %dma_start3A] : memref<10240x16xf32, #tpu.memory_space<hbm>> -> memref<640x16xf32, #tpu.memory_space<hbm>>
        %dma_start3A_77 = arith.constant 0 : i32
        %dma_start3A_78 = tpu.memref_slice %arg9[%mul3A_0, %dma_start3A_77] : memref<10240x16xf32, #tpu.memory_space<hbm>> -> memref<640x16xf32, #tpu.memory_space<hbm>>
        tpu.enqueue_dma source(%arg16 : memref<640x16xf32, #tpu.memory_space<vmem>>) target(%dma_start3A_78 : memref<640x16xf32, #tpu.memory_space<hbm>>) target_semaphore(%run_scoped3A : memref<!tpu.dma_semaphore, #tpu.memory_space<semaphore_mem>>)
        %dma_wait3A = arith.constant 0 : i32
        %dma_wait3A_79 = tpu.memref_slice %arg9[%mul3A_0, %dma_wait3A] : memref<10240x16xf32, #tpu.memory_space<hbm>> -> memref<640x16xf32, #tpu.memory_space<hbm>>
        %dma_wait3A_80 = arith.constant 0 : i32
        %dma_wait3A_81 = tpu.memref_slice %arg9[%mul3A_0, %dma_wait3A_80] : memref<10240x16xf32, #tpu.memory_space<hbm>> -> memref<640x16xf32, #tpu.memory_space<hbm>>
        tpu.wait_dma2 semaphore(%run_scoped3A : memref<!tpu.dma_semaphore, #tpu.memory_space<semaphore_mem>>) src(%arg16 : memref<640x16xf32, #tpu.memory_space<vmem>>) dst(%dma_wait3A_81 : memref<640x16xf32, #tpu.memory_space<hbm>>)
        tpu.yield
      }) : () -> ()
    } else {
    }
    return
  }
}

module attributes {stable_mosaic.version = 14 : i64} {
  func.func @_combine_body(%arg0: i32, %arg1: memref<1000x64xf32, #tpu.memory_space<vmem>>, %arg2: memref<1000x64xf32, #tpu.memory_space<vmem>>, %arg3: memref<1000x16xf32, #tpu.memory_space<vmem>>, %arg4: memref<1000x16xf32, #tpu.memory_space<vmem>>, %arg5: memref<1000x128xf32, #tpu.memory_space<vmem>>, %arg6: memref<128x128xf32, #tpu.memory_space<vmem>>, %arg7: memref<1x128xf32, #tpu.memory_space<vmem>>, %arg8: memref<128x128xf32, #tpu.memory_space<vmem>>, %arg9: memref<1000x128xf32, #tpu.memory_space<vmem>>) attributes {dimension_semantics = [#tpu.dimension_semantics<arbitrary>], iteration_bounds = array<i64: 10>, scalar_prefetch = 0 : i64, scratch_operands = 0 : i64, tpu.core_type = #tpu.core_type<tc>, window_params = [{transform_indices = @transform_0, window_bounds = array<i64: 1000, 64>}, {transform_indices = @transform_1, window_bounds = array<i64: 1000, 64>}, {transform_indices = @transform_2, window_bounds = array<i64: 1000, 16>}, {transform_indices = @transform_3, window_bounds = array<i64: 1000, 16>}, {transform_indices = @transform_4, window_bounds = array<i64: 1000, 128>}, {pipeline_mode = #tpu.pipeline_mode<synchronous>, transform_indices = @transform_5, window_bounds = array<i64: 128, 128>}, {pipeline_mode = #tpu.pipeline_mode<synchronous>, transform_indices = @transform_6, window_bounds = array<i64: 1, 128>}, {pipeline_mode = #tpu.pipeline_mode<synchronous>, transform_indices = @transform_7, window_bounds = array<i64: 128, 128>}, {transform_indices = @transform_8, window_bounds = array<i64: 1000, 128>}]} {
    %get3A = arith.constant 0 : index
    %get3A_0 = arith.constant 0 : index
    %get3A_1 = vector.load %arg1[%get3A, %get3A_0] : memref<1000x64xf32, #tpu.memory_space<vmem>>, vector<1000x64xf32>
    %get3A_2 = arith.constant 0 : index
    %get3A_3 = arith.constant 0 : index
    %get3A_4 = vector.load %arg2[%get3A_2, %get3A_3] : memref<1000x64xf32, #tpu.memory_space<vmem>>, vector<1000x64xf32>
    %concatenate3A = tpu.concatenate %get3A_1, %get3A_4 in 1 : vector<1000x64xf32>, vector<1000x64xf32> -> vector<1000x128xf32>
    %get3A_5 = arith.constant 0 : index
    %get3A_6 = arith.constant 0 : index
    %get3A_7 = vector.load %arg3[%get3A_5, %get3A_6] : memref<1000x16xf32, #tpu.memory_space<vmem>>, vector<1000x1xf32>
    %get3A_8 = vector.shape_cast %get3A_7 : vector<1000x1xf32> to vector<1000xf32>
    %get3A_9 = arith.constant 0 : index
    %get3A_10 = arith.constant 0 : index
    %get3A_11 = vector.load %arg4[%get3A_9, %get3A_10] : memref<1000x16xf32, #tpu.memory_space<vmem>>, vector<1000x1xf32>
    %get3A_12 = vector.shape_cast %get3A_11 : vector<1000x1xf32> to vector<1000xf32>
    %add3A = arith.addf %get3A_8, %get3A_12 : vector<1000xf32>
    %jit3A = arith.constant 1.000000e+00 : f32
    %max3A = vector.broadcast %jit3A : f32 to vector<1000xf32>
    %max3A_13 = arith.maximumf %max3A, %add3A : vector<1000xf32>
    %div3A = arith.constant 1.000000e+00 : f32
    %div3A_14 = vector.broadcast %div3A : f32 to vector<1000xf32>
    %div3A_15 = arith.divf %div3A_14, %max3A_13 : vector<1000xf32>
    %broadcast_in_dim3A = vector.shape_cast %div3A_15 : vector<1000xf32> to vector<1000x1xf32>
    %mul3A = vector.broadcast %broadcast_in_dim3A : vector<1000x1xf32> to vector<1000x128xf32>
    %mul3A_16 = arith.mulf %concatenate3A, %mul3A : vector<1000x128xf32>
    %get3A_17 = arith.constant 0 : index
    %get3A_18 = arith.constant 0 : index
    %get3A_19 = vector.load %arg6[%get3A_17, %get3A_18] : memref<128x128xf32, #tpu.memory_space<vmem>>, vector<128x128xf32>
    %dot_general3A = arith.constant dense<0.000000e+00> : vector<1000x128xf32>
    %dot_general3A_20 = tpu.matmul %mul3A_16, %get3A_19, %dot_general3A {dimension_numbers = #tpu.dot_dimension_numbers<[1], [1], [0], [0], [0, 0, 1, 0], [], []>, transpose_lhs_hint = false} : vector<1000x128xf32>, vector<128x128xf32>, vector<1000x128xf32> -> vector<1000x128xf32>
    %get3A_21 = arith.constant 0 : index
    %get3A_22 = arith.constant 0 : index
    %get3A_23 = vector.load %arg5[%get3A_21, %get3A_22] : memref<1000x128xf32, #tpu.memory_space<vmem>>, vector<1000x128xf32>
    %get3A_24 = arith.constant 0 : index
    %get3A_25 = arith.constant 0 : index
    %get3A_26 = vector.load %arg8[%get3A_24, %get3A_25] : memref<128x128xf32, #tpu.memory_space<vmem>>, vector<128x128xf32>
    %dot_general3A_27 = arith.constant dense<0.000000e+00> : vector<1000x128xf32>
    %dot_general3A_28 = tpu.matmul %get3A_23, %get3A_26, %dot_general3A_27 {dimension_numbers = #tpu.dot_dimension_numbers<[1], [1], [0], [0], [0, 0, 1, 0], [], []>, transpose_lhs_hint = false} : vector<1000x128xf32>, vector<128x128xf32>, vector<1000x128xf32> -> vector<1000x128xf32>
    %add3A_29 = arith.addf %dot_general3A_20, %dot_general3A_28 : vector<1000x128xf32>
    %get3A_30 = arith.constant 0 : index
    %get3A_31 = arith.constant 0 : index
    %get3A_32 = vector.load %arg7[%get3A_30, %get3A_31] : memref<1x128xf32, #tpu.memory_space<vmem>>, vector<1x128xf32>
    %add3A_33 = vector.broadcast %get3A_32 : vector<1x128xf32> to vector<1000x128xf32>
    %add3A_34 = arith.addf %add3A_29, %add3A_33 : vector<1000x128xf32>
    %max3A_35 = arith.constant 0.000000e+00 : f32
    %max3A_36 = vector.broadcast %max3A_35 : f32 to vector<1000x128xf32>
    %max3A_37 = arith.maximumf %add3A_34, %max3A_36 : vector<1000x128xf32>
    %swap3A = arith.constant 0 : index
    %swap3A_38 = arith.constant 0 : index
    %swap3A_39 = vector.load %arg9[%swap3A, %swap3A_38] : memref<1000x128xf32, #tpu.memory_space<vmem>>, vector<1000x128xf32>
    tpu.vector_store %arg9[%swap3A, %swap3A_38], %max3A_37 {strides = array<i32>} : memref<1000x128xf32, #tpu.memory_space<vmem>>, vector<1000x128xf32>,
    return
  }
  func.func @transform_0(%arg0: i32) -> (i32, i32) {
    %c0_i32 = arith.constant 0 : i32
    %c0_i32_0 = arith.constant 0 : i32
    return %arg0, %c0_i32 : i32, i32
  }
  func.func @transform_1(%arg0: i32) -> (i32, i32) {
    %c0_i32 = arith.constant 0 : i32
    %c0_i32_0 = arith.constant 0 : i32
    return %arg0, %c0_i32 : i32, i32
  }
  func.func @transform_2(%arg0: i32) -> (i32, i32) {
    %c0_i32 = arith.constant 0 : i32
    %c0_i32_0 = arith.constant 0 : i32
    return %arg0, %c0_i32 : i32, i32
  }
  func.func @transform_3(%arg0: i32) -> (i32, i32) {
    %c0_i32 = arith.constant 0 : i32
    %c0_i32_0 = arith.constant 0 : i32
    return %arg0, %c0_i32 : i32, i32
  }
  func.func @transform_4(%arg0: i32) -> (i32, i32) {
    %c0_i32 = arith.constant 0 : i32
    %c0_i32_0 = arith.constant 0 : i32
    return %arg0, %c0_i32 : i32, i32
  }
  func.func @transform_5(%arg0: i32) -> (i32, i32) {
    %c0_i32 = arith.constant 0 : i32
    %c0_i32_0 = arith.constant 0 : i32
    %c0_i32_1 = arith.constant 0 : i32
    return %c0_i32, %c0_i32_0 : i32, i32
  }
  func.func @transform_6(%arg0: i32) -> (i32, i32) {
    %c0_i32 = arith.constant 0 : i32
    %c0_i32_0 = arith.constant 0 : i32
    %c0_i32_1 = arith.constant 0 : i32
    return %c0_i32, %c0_i32_0 : i32, i32
  }
  func.func @transform_7(%arg0: i32) -> (i32, i32) {
    %c0_i32 = arith.constant 0 : i32
    %c0_i32_0 = arith.constant 0 : i32
    %c0_i32_1 = arith.constant 0 : i32
    return %c0_i32, %c0_i32_0 : i32, i32
  }
  func.func @transform_8(%arg0: i32) -> (i32, i32) {
    %c0_i32 = arith.constant 0 : i32
    %c0_i32_0 = arith.constant 0 : i32
    return %arg0, %c0_i32 : i32, i32
  }
}

module attributes {stable_mosaic.version = 14 : i64} {
  func.func @_combine_body(%arg0: i32, %arg1: memref<1000x64xf32, #tpu.memory_space<vmem>>, %arg2: memref<1000x64xf32, #tpu.memory_space<vmem>>, %arg3: memref<1000x16xf32, #tpu.memory_space<vmem>>, %arg4: memref<1000x16xf32, #tpu.memory_space<vmem>>, %arg5: memref<1000x128xf32, #tpu.memory_space<vmem>>, %arg6: memref<128x128xf32, #tpu.memory_space<vmem>>, %arg7: memref<1x128xf32, #tpu.memory_space<vmem>>, %arg8: memref<128x128xf32, #tpu.memory_space<vmem>>, %arg9: memref<1000x128xf32, #tpu.memory_space<vmem>>) attributes {dimension_semantics = [#tpu.dimension_semantics<arbitrary>], iteration_bounds = array<i64: 10>, scalar_prefetch = 0 : i64, scratch_operands = 0 : i64, tpu.core_type = #tpu.core_type<tc>, window_params = [{transform_indices = @transform_0, window_bounds = array<i64: 1000, 64>}, {transform_indices = @transform_1, window_bounds = array<i64: 1000, 64>}, {transform_indices = @transform_2, window_bounds = array<i64: 1000, 16>}, {transform_indices = @transform_3, window_bounds = array<i64: 1000, 16>}, {transform_indices = @transform_4, window_bounds = array<i64: 1000, 128>}, {pipeline_mode = #tpu.pipeline_mode<synchronous>, transform_indices = @transform_5, window_bounds = array<i64: 128, 128>}, {pipeline_mode = #tpu.pipeline_mode<synchronous>, transform_indices = @transform_6, window_bounds = array<i64: 1, 128>}, {pipeline_mode = #tpu.pipeline_mode<synchronous>, transform_indices = @transform_7, window_bounds = array<i64: 128, 128>}, {transform_indices = @transform_8, window_bounds = array<i64: 1000, 128>}]} {
    %get3A = arith.constant 0 : index
    %get3A_0 = arith.constant 0 : index
    %get3A_1 = vector.load %arg1[%get3A, %get3A_0] : memref<1000x64xf32, #tpu.memory_space<vmem>>, vector<1000x64xf32>
    %get3A_2 = arith.constant 0 : index
    %get3A_3 = arith.constant 0 : index
    %get3A_4 = vector.load %arg2[%get3A_2, %get3A_3] : memref<1000x64xf32, #tpu.memory_space<vmem>>, vector<1000x64xf32>
    %concatenate3A = tpu.concatenate %get3A_1, %get3A_4 in 1 : vector<1000x64xf32>, vector<1000x64xf32> -> vector<1000x128xf32>
    %get3A_5 = arith.constant 0 : index
    %get3A_6 = arith.constant 0 : index
    %get3A_7 = vector.load %arg3[%get3A_5, %get3A_6] : memref<1000x16xf32, #tpu.memory_space<vmem>>, vector<1000x1xf32>
    %get3A_8 = vector.shape_cast %get3A_7 : vector<1000x1xf32> to vector<1000xf32>
    %get3A_9 = arith.constant 0 : index
    %get3A_10 = arith.constant 0 : index
    %get3A_11 = vector.load %arg4[%get3A_9, %get3A_10] : memref<1000x16xf32, #tpu.memory_space<vmem>>, vector<1000x1xf32>
    %get3A_12 = vector.shape_cast %get3A_11 : vector<1000x1xf32> to vector<1000xf32>
    %add3A = arith.addf %get3A_8, %get3A_12 : vector<1000xf32>
    %jit3A = arith.constant 1.000000e+00 : f32
    %max3A = vector.broadcast %jit3A : f32 to vector<1000xf32>
    %max3A_13 = arith.maximumf %max3A, %add3A : vector<1000xf32>
    %div3A = arith.constant 1.000000e+00 : f32
    %div3A_14 = vector.broadcast %div3A : f32 to vector<1000xf32>
    %div3A_15 = arith.divf %div3A_14, %max3A_13 : vector<1000xf32>
    %broadcast_in_dim3A = vector.shape_cast %div3A_15 : vector<1000xf32> to vector<1000x1xf32>
    %mul3A = vector.broadcast %broadcast_in_dim3A : vector<1000x1xf32> to vector<1000x128xf32>
    %mul3A_16 = arith.mulf %concatenate3A, %mul3A : vector<1000x128xf32>
    %get3A_17 = arith.constant 0 : index
    %get3A_18 = arith.constant 0 : index
    %get3A_19 = vector.load %arg6[%get3A_17, %get3A_18] : memref<128x128xf32, #tpu.memory_space<vmem>>, vector<128x128xf32>
    %dot_general3A = arith.constant dense<0.000000e+00> : vector<1000x128xf32>
    %dot_general3A_20 = tpu.matmul %mul3A_16, %get3A_19, %dot_general3A {dimension_numbers = #tpu.dot_dimension_numbers<[1], [1], [0], [0], [0, 0, 1, 0], [], []>, transpose_lhs_hint = false} : vector<1000x128xf32>, vector<128x128xf32>, vector<1000x128xf32> -> vector<1000x128xf32>
    %get3A_21 = arith.constant 0 : index
    %get3A_22 = arith.constant 0 : index
    %get3A_23 = vector.load %arg5[%get3A_21, %get3A_22] : memref<1000x128xf32, #tpu.memory_space<vmem>>, vector<1000x128xf32>
    %get3A_24 = arith.constant 0 : index
    %get3A_25 = arith.constant 0 : index
    %get3A_26 = vector.load %arg8[%get3A_24, %get3A_25] : memref<128x128xf32, #tpu.memory_space<vmem>>, vector<128x128xf32>
    %dot_general3A_27 = arith.constant dense<0.000000e+00> : vector<1000x128xf32>
    %dot_general3A_28 = tpu.matmul %get3A_23, %get3A_26, %dot_general3A_27 {dimension_numbers = #tpu.dot_dimension_numbers<[1], [1], [0], [0], [0, 0, 1, 0], [], []>, transpose_lhs_hint = false} : vector<1000x128xf32>, vector<128x128xf32>, vector<1000x128xf32> -> vector<1000x128xf32>
    %add3A_29 = arith.addf %dot_general3A_20, %dot_general3A_28 : vector<1000x128xf32>
    %get3A_30 = arith.constant 0 : index
    %get3A_31 = arith.constant 0 : index
    %get3A_32 = vector.load %arg7[%get3A_30, %get3A_31] : memref<1x128xf32, #tpu.memory_space<vmem>>, vector<1x128xf32>
    %add3A_33 = vector.broadcast %get3A_32 : vector<1x128xf32> to vector<1000x128xf32>
    %add3A_34 = arith.addf %add3A_29, %add3A_33 : vector<1000x128xf32>
    %max3A_35 = arith.constant 0.000000e+00 : f32
    %max3A_36 = vector.broadcast %max3A_35 : f32 to vector<1000x128xf32>
    %max3A_37 = arith.maximumf %add3A_34, %max3A_36 : vector<1000x128xf32>
    %swap3A = arith.constant 0 : index
    %swap3A_38 = arith.constant 0 : index
    %swap3A_39 = vector.load %arg9[%swap3A, %swap3A_38] : memref<1000x128xf32, #tpu.memory_space<vmem>>, vector<1000x128xf32>
    tpu.vector_store %arg9[%swap3A, %swap3A_38], %max3A_37 {strides = array<i32>} : memref<1000x128xf32, #tpu.memory_space<vmem>>, vector<1000x128xf32>,
    return
  }
  func.func @transform_0(%arg0: i32) -> (i32, i32) {
    %c0_i32 = arith.constant 0 : i32
    %c0_i32_0 = arith.constant 0 : i32
    return %arg0, %c0_i32 : i32, i32
  }
  func.func @transform_1(%arg0: i32) -> (i32, i32) {
    %c0_i32 = arith.constant 0 : i32
    %c0_i32_0 = arith.constant 0 : i32
    return %arg0, %c0_i32 : i32, i32
  }
  func.func @transform_2(%arg0: i32) -> (i32, i32) {
    %c0_i32 = arith.constant 0 : i32
    %c0_i32_0 = arith.constant 0 : i32
    return %arg0, %c0_i32 : i32, i32
  }
  func.func @transform_3(%arg0: i32) -> (i32, i32) {
    %c0_i32 = arith.constant 0 : i32
    %c0_i32_0 = arith.constant 0 : i32
    return %arg0, %c0_i32 : i32, i32
  }
  func.func @transform_4(%arg0: i32) -> (i32, i32) {
    %c0_i32 = arith.constant 0 : i32
    %c0_i32_0 = arith.constant 0 : i32
    return %arg0, %c0_i32 : i32, i32
  }
  func.func @transform_5(%arg0: i32) -> (i32, i32) {
    %c0_i32 = arith.constant 0 : i32
    %c0_i32_0 = arith.constant 0 : i32
    %c0_i32_1 = arith.constant 0 : i32
    return %c0_i32, %c0_i32_0 : i32, i32
  }
  func.func @transform_6(%arg0: i32) -> (i32, i32) {
    %c0_i32 = arith.constant 0 : i32
    %c0_i32_0 = arith.constant 0 : i32
    %c0_i32_1 = arith.constant 0 : i32
    return %c0_i32, %c0_i32_0 : i32, i32
  }
  func.func @transform_7(%arg0: i32) -> (i32, i32) {
    %c0_i32 = arith.constant 0 : i32
    %c0_i32_0 = arith.constant 0 : i32
    %c0_i32_1 = arith.constant 0 : i32
    return %c0_i32, %c0_i32_0 : i32, i32
  }
  func.func @transform_8(%arg0: i32) -> (i32, i32) {
    %c0_i32 = arith.constant 0 : i32
    %c0_i32_0 = arith.constant 0 : i32
    return %arg0, %c0_i32 : i32, i32
  }
}

</mosaic_0001>

<sc_bundles>
// kernel: kernel.6.cloned.1.call-start
scs
__scs_entry_jumppad:
0x0: {  	(pc) =	sbr.rel $0x88, $3  }
0x1: {  	(tag) =	ssettag $0x0;
	lr =	simm.s32 $0x1  }
0x2: {  	[smem:$0x3F99] =	sst lr;
	_ =	strace $0xD0000000  }
0x3: {  	_ = 	snop  }
0x4: {  	_ = 	snop  }
0x5: {  	_ = 	snop  }
0x6: {  	_ = 	snop  }
0x7: {  	_ = 	snop  }
__scs_overlays_trampoline_lowered:
0x8: {  	[smem:$0x3FA8] =	sst s0  }
0x9: {  	[smem:$0x3FA9] =	sst s1  }
0xa: {  	[smem:$0x3FAA] =	sst s2  }
0xb: {  	[smem:$0x3FAB] =	sst s3  }
0xc: {  	[smem:$0x3FAC] =	sst s4  }
0xd: {  	[smem:$0x3FAD] =	sst s5  }
0xe: {  	[smem:$0x3FAE] =	sst s6  }
0xf: {  	[smem:$0x3FAF] =	sst s7  }
0x10: {  	[smem:$0x3FB0] =	sst s8  }
0x11: {  	[smem:$0x3FB1] =	sst s9;
	s0 =	simm.s32 @!p0 $0x0  }
0x12: {  	s1 =	sld [smem:$0x3F97];
	s0 =	simm.s32 @p0 $0x1  }
0x13: {  	[smem:$0x3FB2] =	sst s0;
	s0 =	simm.s32 @!p1 $0x0  }
0x14: {  	s2 =	sld [smem:$0x3F96];
	s0 =	simm.s32 @p1 $0x1  }
0x15: {  	[smem:$0x3FB3] =	sst s0;
	s0 =	simm.s32 @!p2 $0x0  }
0x16: {  	s3 =	sld [smem:$0x3FDB];
	s0 =	simm.s32 @p2 $0x1  }
0x17: {  	s4 =	simm.s32 $0x1BF5;
	[smem:$0x3FB5] =	sst s0  }
0x18: {  	s0 =	sld [smem:$0x3F98];
	_ =	swait.ge [sflag:s4], $0x0  }
0x19: {  	s7 =	sld [smem:$0x3F99]  }
0x1a: {  	s8 =	sadd.s32 $0xFFFFE003, lr  }
0x1b: {  	s9 =	sadd.s32 $0xFFFFFEF7, lr;
	s5 =	simm.s32 $0xFFFFFFFF;
	p2 =	slt.u32 s8, $0xFFFFF086  }
0x1c: {  	p1 =	slt.u32 s9, $0xF7A;
	s5 =	simm.s32 @!p2 $0x0  }
0x1d: {  	s5 =	simm.s32 @p1 $0x1;
	p0 =	seq.s32 s7, s2  }
0x1e: {  	s7 =	smul.u32 @!p0 $0xF7A, s2;
	p2 =	seq.s32 @!p0 s5, $0x0  }
0x1f: {  	s9 =	smul.u32 $0xF7A, s1;
	s8 =	simm.s32 @!p0 $0x1BF5;
	p2 =	por !p2, p0  }
0x20: {  	[sflag:s8] =	ssyncset.s32 @!p0 $0xFFFFF086;
	s6 =	sadd.s32 @!p0 s3, s7;
	s7 =	simm.s32 @!p0 $0x108  }
0x21: {  	s3 =	sadd.s32 s3, s9;
	s6 =	sadd.s32 @!p0 $0x88, s6;
	s7 =	simm.s32 @p2 $0x1082  }
0x22: {  	[simem:s7], [sflag:s8] =	dma.local @!p0 [hbm:s6], $0xF7A  }
0x23: {  	s9 =	sor.u32 $0xD0000000, s2;
	s6 =	simm.s32 $0x108;
	_ =	swait.ge @!p0 [sflag:s8], $0x0  }
0x24: {  	s3 =	sadd.s32 $0x88, s3;
	s6 =	simm.s32 @!p1 $0x1082;
	[sflag:s4] =	ssyncset.s32 $0xFFFFF086  }
0x25: {  	[simem:s6], [sflag:s4] =	dma.local [hbm:s3], $0xF7A  }
0x26: {  	[smem:$0x3F99] =	sst s1;
	(tag) =	ssettag s2;
	_ =	strace s9  }
0x27: {  	s1 =	sld [smem:$0x3FA9]  }
0x28: {  	s2 =	sld [smem:$0x3FAA]  }
0x29: {  	s4 =	sld [smem:$0x3FAC]  }
0x2a: {  	p0 =	seq.s32 s5, $0x0;
	s5 =	sld [smem:$0x3FAD]  }
0x2b: {  	s6 =	sld [smem:$0x3FAE]  }
0x2c: {  	s7 =	sld [smem:$0x3FAF]  }
0x2d: {  	s3 =	simm.s32 $0x108;
	s8 =	sld [smem:$0x3FB0]  }
0x2e: {  	s3 =	simm.s32 @!p0 $0x1082;
	s9 =	sld [smem:$0x3FB1]  }
0x2f: {  	lr =	sadd.s32 s0, s3;
	s0 =	sld [smem:$0x3FA8]  }
0x30: {  	s3 =	sld [smem:$0x3FAB]  }
0x31: {  	[smem:$0x3FB4] =	sst s10  }
0x32: {  	s10 =	sld [smem:$0x3FB2];
	_ =	sdelay $0x3  }
0x33: {  	p0 =	seq.s32 s10, $0x1;
	s10 =	sld [smem:$0x3FB4];
	_ =	sdelay $0x3  }
0x34: {  	[smem:$0x3FB4] =	sst s10  }
0x35: {  	s10 =	sld [smem:$0x3FB3];
	_ =	sdelay $0x3  }
0x36: {  	p1 =	seq.s32 s10, $0x1;
	s10 =	sld [smem:$0x3FB4];
	_ =	sdelay $0x3  }
0x37: {  	[smem:$0x3FB4] =	sst s10  }
0x38: {  	s10 =	sld [smem:$0x3FB5]  }
0x39: {  	_ = 	snop;
	(pc) =	sbr.ind lr, $3  }
0x3a: {  	_ = 	snop  }
0x3b: {  	_ = 	snop  }
0x3c: {  	p2 =	seq.s32 s10, $0x1;
	s10 =	sld [smem:$0x3FB4]  }
0x3d: {  	_ =	shalt  }
0x3e: {  	_ =	shalt  }
0x3f: {  	_ =	shalt  }
0x40: {  	_ =	shalt  }
0x41: {  	_ =	shalt  }
0x42: {  	_ =	shalt  }
0x43: {  	_ =	shalt  }
0x44: {  	_ =	shalt  }
0x45: {  	_ =	shalt  }
0x46: {  	_ =	shalt  }
0x47: {  	_ =	shalt  }
0x48: {  	_ =	shalt  }
0x49: {  	_ =	shalt  }
0x4a: {  	_ =	shalt  }
0x4b: {  	_ =	shalt  }
0x4c: {  	_ =	shalt  }
0x4d: {  	_ =	shalt  }
0x4e: {  	_ =	shalt  }
0x4f: {  	_ =	shalt  }
0x50: {  	_ =	shalt  }
0x51: {  	_ =	shalt  }
0x52: {  	_ =	shalt  }
0x53: {  	_ =	shalt  }
0x54: {  	_ =	shalt  }
0x55: {  	_ =	shalt  }
0x56: {  	_ =	shalt  }
0x57: {  	_ =	shalt  }
0x58: {  	_ =	shalt  }
0x59: {  	_ =	shalt  }
0x5a: {  	_ =	shalt  }
0x5b: {  	_ =	shalt  }
0x5c: {  	_ =	shalt  }
0x5d: {  	_ =	shalt  }
0x5e: {  	_ =	shalt  }
0x5f: {  	_ =	shalt  }
0x60: {  	_ =	shalt  }
0x61: {  	_ =	shalt  }
0x62: {  	_ =	shalt  }
0x63: {  	_ =	shalt  }
0x64: {  	_ =	shalt  }
0x65: {  	_ =	shalt  }
0x66: {  	_ =	shalt  }
0x67: {  	_ =	shalt  }
0x68: {  	_ =	shalt  }
0x69: {  	_ =	shalt  }
0x6a: {  	_ =	shalt  }
0x6b: {  	_ =	shalt  }
0x6c: {  	_ =	shalt  }
0x6d: {  	_ =	shalt  }
0x6e: {  	_ =	shalt  }
0x6f: {  	_ =	shalt  }
0x70: {  	_ =	shalt  }
0x71: {  	_ =	shalt  }
0x72: {  	_ =	shalt  }
0x73: {  	_ =	shalt  }
0x74: {  	_ =	shalt  }
0x75: {  	_ =	shalt  }
0x76: {  	_ =	shalt  }
0x77: {  	_ =	shalt  }
0x78: {  	_ =	shalt  }
0x79: {  	_ =	shalt  }
0x7a: {  	_ =	shalt  }
0x7b: {  	_ =	shalt  }
0x7c: {  	_ =	shalt  }
0x7d: {  	_ =	shalt  }
0x7e: {  	_ =	shalt  }
0x7f: {  	_ =	shalt  }
0x80: {  	_ =	shalt  }
0x81: {  	_ =	shalt  }
0x82: {  	_ =	shalt  }
0x83: {  	_ =	shalt  }
0x84: {  	_ =	shalt  }
0x85: {  	_ =	shalt  }
0x86: {  	_ =	shalt  }
0x87: {  	_ =	shalt  }
.Lfunc_end0:
.L_simem_size_0:
called_computation_lowered:
.L_overlay_start_0:
0x88: {  	s2 =	sld [smem:$0x3FD9]  }
0x89: {  	s3 =	sld [smem:$0x3FFE];
	_ =	sdelay $0x1  }
0x8a: {  	s1 =	srdreg.scid  }
0x8b: {  	s0 =	sand.u32 $0x1, s1  }
0x8c: {  	s17 =	sshll.u32 s0, $0xA;
	s2 =	sadd.s32 s3, s2  }
0x8d: {  	s2 =	sadd.s32 s2, s17  }
0x8e: {  	[smem:$0x3FC0] =	sst s2  }
0x8f: {  	_ = 	snop  }
0x90: {  	s2 =	sld [smem:$0x3FD0];
	(tm) =	ssettm $0x1  }
0x91: {  	s18 =	sld [smem:$0x3FFB];
	_ =	sdelay $0x3  }
0x92: {  	_ =	strace s18  }
0x93: {  	s3 =	sld [smem:$0x3FFC];
	_ =	sdelay $0x3  }
0x94: {  	_ =	strace s3  }
0x95: {  	s3 =	sld [smem:$0x3FFD];
	_ =	sdelay $0x3  }
0x96: {  	_ =	strace s3  }
0x97: {  	_ =	strace $0x8FFFFFFF  }
0x98: {  	s19 =	sld [smem:$0x3FDB];
	_ =	sdelay $0x1  }
0x99: {  	s4 =	simm.s32 $_scs_section_size  }
0x9a: {  	s5 =	simm.s32 $_size__tile_overlayer_lowered;
	s6 =	simm.s32 $_tile_overlayer_lowered  }
0x9b: {  	s22 =	simm.s32 $0x1BFF;
	s21 =	sshll.u32 s6, $0x1;
	s3 =	sadd.s32 s4, s19  }
0x9c: {  	s7 =	simm.s32 $0x0;
	s20 =	sshll.u32 s5, $0x1;
	s5 =	sadd.s32 s21, s3  }
0x9d: {  	[timem:s7], [sflag:s22] =	dma.local [hbm:s5], s20  }
0x9e: {  	_ =	swait.ge [sflag:s22], s20  }
0x9f: {  	s4 =	ssub.s32 $0x0, s20;
	[sflag:s22] =	ssyncset.done $0x0  }
0xa0: {  	[sflag:s22] =	ssyncadd.s32 s4;
	_ =	sdelay $0x1  }
0xa1: {  	s23 =	simm.s32 $0x1B8B  }
0xa2: {  	_ =	swait.ge [sflag:s23], $0x1  }
0xa3: {  	[sflag:s23] =	ssyncset.done $0x0  }
0xa4: {  	s25 =	simm.s32 $0x1B8E;
	s24 =	sld [smem:$0x3FFE];
	[sflag:s23] =	ssyncadd.s32 $0xFFFFFFFF  }
0xa5: {  	s26 =	simm.s32 $execute0_lowered;
	[smem:$0x3FD2] =	sst s25  }
0xa6: {  	s5 =	sshll.u32 s26, $0x1;
	_ =	strace $0x80000046;
	[dreg:$0x1] =	wrdreg $0xFFFFFFFF  }
0xa7: {  	s28 =	simm.s32 $_size_execute0_lowered;
	s3 =	sadd.s32 s3, s5;
	[dreg:$0x0] =	wrdreg $0x0  }
0xa8: {  	s5 =	sshll.u32 s28, $0x1;
	[dreg:$0x2] =	wrdreg s3  }
0xa9: {  	[dreg:$0x3] =	wrdreg s5  }
0xaa: {  	[dreg:$0x4] =	wrdreg $0xC0  }
0xab: {  	_ =	task [dreg:s7], $0x5FFFF  }
0xac: {  	[dreg:$0x1] =	wrdreg $0xFFFFFFFF  }
0xad: {  	[dreg:$0x0] =	wrdreg $0x60  }
0xae: {  	[dreg:$0x2] =	wrdreg s24  }
0xaf: {  	[dreg:$0x3] =	wrdreg s2  }
0xb0: {  	[dreg:$0x4] =	wrdreg $0x12E800  }
0xb1: {  	[dreg:$0x5] =	wrdreg $0x1CE800  }
0xb2: {  	[dreg:$0x6] =	wrdreg $0x9  }
0xb3: {  	_ =	task.clear_ibuf [dreg:s7], $0x7FFFF;
	_ =	strace $0x90000046  }
0xb4: {  	s29 =	simm.s32 $0x9;
	_ =	strace $0x80000048  }
0xb5: {  	_ =	swait.ge [sflag:s29], $0x1  }
0xb6: {  	[sflag:s29] =	ssyncadd.s32 $0xFFFFFFFF  }
0xb7: {  	_ =	strace $0x90000048  }
0xb8: {  	_ =	sfence  }
0xb9: {  	s30 =	sld [smem:$0x0];
	_ =	sdelay $0x2  }
0xba: {  	s31 =	sshll.u32 s1, $0xD;
	s1 =	sshrl.u32 s1, $0x2  }
0xbb: {  	s3 =	sand.u32 $0x4000, s31;
	s1 =	sadd.s32 s1, s30  }
0xbc: {  	s0 =	sor.u32 s3, s0;
	s1 =	sshll.u32 s1, $0x11  }
0xbd: {  	s0 =	sor.u32 s1, s0  }
0xbe: {  	s0 =	sadd.s32 $0x8F2B, s0  }
0xbf: {  	[sflag:s0] =	ssyncadd.remote.s32 $0x1  }
0xc0: {  	_ =	sfence.sel $0xFFFF  }
0xc1: {  	[dreg:$0x0] =	wrdreg $0xFFFFFFFF;
	(pc) =	sbr.abs _section_cstart, $3  }
0xc2: {  	[dreg:$0x1] =	wrdreg $0xFFFFFFFF  }
0xc3: {  	_ =	task.clear_ibuf [dreg:s7], $0x2FFFF;
	_ =	strace $0x9FFFFFFF  }
0xc4: {  	(tm) =	ssettm $0x7FFFFFFF  }
0xc5: {  	_ =	shalt  }
tec
execute0_lowered:
.L_overlay_start_1:
0x0: {  	(tag) =	ssettag $0x1  }
0x1: {  	s0 =	rddreg [dreg:$0x0]  }
0x2: {  	s3 =	rddreg [dreg:$0x2]  }
0x3: {  	s4 =	rddreg [dreg:$0x3];
	s5 =	simm.s32 $0x0  }
0x4: {  	s13 =	stileid.u32;
	s2 =	srdreg.scid;
	s28 =	simm.s32 $0x6  }
0x5: {  	s29 =	simm.s32 $0x10600;
	s31 =	simm.s32 $0x80;
	s30 =	simm.s32 $0x2  }
0x6: {  	[smem:$0x7FF] =	sst s5;
	s1 =	smul.u32 $0x9E0, s13;
	s6 =	sadd.s32 $0x16400, s0  }
0x7: {  	s7 =	sadd.s32 $0x2A00, s0;
	s2 =	sand.u32 $0x1, s2;
	s9 =	smul.u32 $0xA000, s13  }
0x8: {  	s8 =	sadd.s32 $0x3DA00, s0;
	s10 =	sadd.s32 $0x51A00, s0;
	s17 =	smul.u32 $0x2800, s13  }
0x9: {  	_ =	strace $0x80000047;
	[dreg:$0x5] =	wrdreg s8;
	s25 =	ssub.s32 $0x2, s2  }
0xa: {  	[dreg:$0x6] =	wrdreg s10;
	p0 =	sne.s32 s2, $0x0;
	s2 =	simm.s32 $0xDE00  }
0xb: {  	s8 =	simm.s32 $0xBE00;
	s1 =	sadd.s32 s1, s0;
	s0 =	sadd.s32 $0x56A00, s0  }
0xc: {  	s26 =	sshrl.u32 s25, $0x1;
	s11 =	sadd.s32 s9, s3;
	s10 =	sadd.s32 $0x2000, s9  }
0xd: {  	s20 =	sadd.s32 $0x4000, s9;
	s18 =	sadd.s32 $0x6000, s9;
	s19 =	sadd.s32 $0x8000, s9  }
0xe: {  	s16 =	sadd.s32 s17, s4;
	s22 =	sshrl.u32 s9, $0x3;
	s9 =	simm.s32 $0x1  }
0xf: {  	[dreg:$0x7] =	wrdreg s0;
	s0 =	ssub.s32 s25, s26;
	s12 =	sadd.s32 s10, s3  }
0x10: {  	s13 =	sadd.s32 s20, s3;
	s21 =	sadd.s32 $0x33C00, s1;
	[dreg:$0xa] =	wrdreg s22  }
0x11: {  	s14 =	sadd.s32 s18, s3;
	s1 =	sadd.s32 $0x29E00, s1;
	[dreg:$0x8] =	wrdreg s21  }
0x12: {  	s15 =	sadd.s32 s19, s3;
	s23 =	sshrl.u32 s10, $0x3;
	[dreg:$0x9] =	wrdreg s1  }
0x13: {  	s24 =	sshrl.u32 s20, $0x3;
	s25 =	sshrl.u32 s18, $0x3;
	[dreg:$0xb] =	wrdreg s23  }
.Ltmp0:
0x14: {  	s26 =	sshrl.u32 s19, $0x3;
	[dreg:$0xc] =	wrdreg s24;
	(pc) =	sbr.rel .LBB2_1-.Ltmp0, $4  }
0x15: {  	s10 =	simm.s32 $0x5;
	s22 =	simm.s32 $0x9D00;
	[dreg:$0xd] =	wrdreg s25  }
0x16: {  	s18 =	simm.s32 $0x0;
	[dreg:$0xe] =	wrdreg s26;
	s24 =	sshrl.u32 s17, $0x3  }
0x17: {  	s25 =	smax.u32 s0, $0x1;
	s26 =	simm.s32 $0xE600;
	s1 =	simm.s32 $0x9E00  }
0x18: {  	v0 =	vimm.f32 $0.0e+00;
	v1 =	vimm.f32 $1.000000000e+00;
	v2 =	vimm.s32 $0x2710;
	s0 =	simm.s32 $0x3;
	s17 =	simm.s32 $0x4;
	s23 =	simm.s32 $0x9D80  }
.LBB2_13:
0x19: {  	[tilespmem:s8], [sflag:$0x2] =	stream.indirect.gather [hbm4b:s7+s31], $0x40, s20, s31, $0xb8;
	[tilespmem:$0x1F680] =	vst v63  }
0x1a: {  	_ =	swait.ge [sflag:s9], $0x2000  }
0x1b: {  	[sflag:s9] =	ssyncset.done $0x0  }
0x1c: {  	[sflag:s9] =	ssyncadd.s32 $0xFFFFE000  }
0x1d: {  	[spmem:s3] =	stream.indirect.scatter.add.f32 [tilespmem:s1], [sflag:$0x3], $0x40, s22, s31, $0xb8;
	[tilespmem:$0x1F680] =	vst v63  }
0x1e: {  	_ =	swait.ge [sflag:s30], $0x2000  }
0x1f: {  	[sflag:s30] =	ssyncset.done $0x0  }
0x20: {  	s19 =	simm.s32 $0x9D80;
	[sflag:s30] =	ssyncadd.s32 $0xFFFFE000  }
0x21: {  	[spmem:s3] =	stream.indirect.scatter.add.f32 [tilespmem:s8], [sflag:$0x4], $0x40, s19, s31, $0xb8;
	[tilespmem:$0x1F680] =	vst v63  }
0x22: {  	_ =	swait.ge [sflag:s10], $0x800  }
0x23: {  	[sflag:s10] =	ssyncset.done $0x0  }
0x24: {  	s20 =	rddreg [dreg:$0x5];
	[sflag:s10] =	ssyncadd.s32 $0xFFFFF800  }
0x25: {  	[spmem:s4] =	stream.indirect.scatter.add.f32 [tilespmem:s2], [sflag:$0x5], $0x10, s19, s31, $0xb8;
	[tilespmem:$0x1F680] =	vst v63  }
0x26: {  	s23 =	simm.s32 $0x9D80;
	s19 =	rddreg [dreg:$0x7]  }
.LBB2_14:
0x27: {  	_ =	swait.ge [sflag:s0], $0x2000  }
0x28: {  	[sflag:s0] =	ssyncset.done $0x0  }
0x29: {  	[sflag:s0] =	ssyncadd.s32 $0xFFFFE000  }
0x2a: {  	_ =	swait.ge [sflag:s17], $0x2000  }
0x2b: {  	[sflag:s17] =	ssyncset.done $0x0  }
0x2c: {  	[sflag:s17] =	ssyncadd.s32 $0xFFFFE000  }
0x2d: {  	_ =	swait.ge [sflag:s10], $0x800  }
0x2e: {  	[sflag:s10] =	ssyncset.done $0x0  }
0x2f: {  	[sflag:s10] =	ssyncadd.s32 $0xFFFFF800  }
0x30: {  	[bflag:$0x0] =	sbarrier.arrive $0xFFFF  }
0x31: {  	[tilespmem:s26], [sflag:$0x6] =	stream.linear.gather [spmem:s11], $0x2000, $0x38;
	[tilespmem:$0x1F680] =	vst v63  }
0x32: {  	_ =	swait.ge [sflag:s28], $0x2000  }
0x33: {  	[sflag:s28] =	ssyncset.done $0x0;
	s21 =	rddreg [dreg:$0xa]  }
0x34: {  	s21 =	sadd.s32 s20, s21;
	[sflag:s28] =	ssyncadd.s32 $0xFFFFE000  }
0x35: {  	[hbm4b:s21+s5] =	stream.linear.scatter [tilespmem:s26], [sflag:$0x6], $0x2000, $0x38;
	[tilespmem:$0x1F680] =	vst v63  }
0x36: {  	_ =	swait.ge [sflag:s28], $0x2000  }
0x37: {  	[sflag:s28] =	ssyncset.done $0x0  }
0x38: {  	[sflag:s28] =	ssyncadd.s32 $0xFFFFE000  }
0x39: {  	[tilespmem:s26], [sflag:$0x6] =	stream.linear.gather [spmem:s12], $0x2000, $0x38;
	[tilespmem:$0x1F680] =	vst v63  }
0x3a: {  	_ =	swait.ge [sflag:s28], $0x2000  }
0x3b: {  	[sflag:s28] =	ssyncset.done $0x0;
	s21 =	rddreg [dreg:$0xb]  }
0x3c: {  	s21 =	sadd.s32 s20, s21;
	[sflag:s28] =	ssyncadd.s32 $0xFFFFE000  }
0x3d: {  	[hbm4b:s21+s5] =	stream.linear.scatter [tilespmem:s26], [sflag:$0x6], $0x2000, $0x38;
	[tilespmem:$0x1F680] =	vst v63  }
0x3e: {  	_ =	swait.ge [sflag:s28], $0x2000  }
0x3f: {  	[sflag:s28] =	ssyncset.done $0x0  }
0x40: {  	[sflag:s28] =	ssyncadd.s32 $0xFFFFE000  }
0x41: {  	[tilespmem:s26], [sflag:$0x6] =	stream.linear.gather [spmem:s13], $0x2000, $0x38;
	[tilespmem:$0x1F680] =	vst v63  }
0x42: {  	_ =	swait.ge [sflag:s28], $0x2000  }
0x43: {  	[sflag:s28] =	ssyncset.done $0x0;
	s21 =	rddreg [dreg:$0xc]  }
0x44: {  	s21 =	sadd.s32 s20, s21;
	[sflag:s28] =	ssyncadd.s32 $0xFFFFE000  }
0x45: {  	[hbm4b:s21+s5] =	stream.linear.scatter [tilespmem:s26], [sflag:$0x6], $0x2000, $0x38;
	[tilespmem:$0x1F680] =	vst v63  }
0x46: {  	_ =	swait.ge [sflag:s28], $0x2000  }
0x47: {  	[sflag:s28] =	ssyncset.done $0x0  }
0x48: {  	[sflag:s28] =	ssyncadd.s32 $0xFFFFE000  }
0x49: {  	[tilespmem:s26], [sflag:$0x6] =	stream.linear.gather [spmem:s14], $0x2000, $0x38;
	[tilespmem:$0x1F680] =	vst v63  }
0x4a: {  	_ =	swait.ge [sflag:s28], $0x2000  }
0x4b: {  	[sflag:s28] =	ssyncset.done $0x0;
	s21 =	rddreg [dreg:$0xd]  }
0x4c: {  	s21 =	sadd.s32 s20, s21;
	[sflag:s28] =	ssyncadd.s32 $0xFFFFE000  }
0x4d: {  	[hbm4b:s21+s5] =	stream.linear.scatter [tilespmem:s26], [sflag:$0x6], $0x2000, $0x38;
	[tilespmem:$0x1F680] =	vst v63  }
0x4e: {  	_ =	swait.ge [sflag:s28], $0x2000  }
0x4f: {  	[sflag:s28] =	ssyncset.done $0x0  }
0x50: {  	[sflag:s28] =	ssyncadd.s32 $0xFFFFE000  }
0x51: {  	[tilespmem:s26], [sflag:$0x6] =	stream.linear.gather [spmem:s15], $0x2000, $0x38;
	[tilespmem:$0x1F680] =	vst v63  }
0x52: {  	_ =	swait.ge [sflag:s28], $0x2000  }
0x53: {  	[sflag:s28] =	ssyncset.done $0x0;
	s21 =	rddreg [dreg:$0xe]  }
0x54: {  	s21 =	sadd.s32 s20, s21;
	[sflag:s28] =	ssyncadd.s32 $0xFFFFE000  }
0x55: {  	[hbm4b:s21+s5] =	stream.linear.scatter [tilespmem:s26], [sflag:$0x6], $0x2000, $0x38;
	[tilespmem:$0x1F680] =	vst v63  }
0x56: {  	_ =	swait.ge [sflag:s28], $0x2000  }
0x57: {  	[sflag:s28] =	ssyncset.done $0x0  }
0x58: {  	[sflag:s28] =	ssyncadd.s32 $0xFFFFE000  }
0x59: {  	[tilespmem:s29], [sflag:$0x6] =	stream.linear.gather [spmem:s16], $0x2800, $0x38;
	[tilespmem:$0x1F680] =	vst v63  }
0x5a: {  	s18 =	sadd.s32 $0x1, s18;
	_ =	swait.ge [sflag:s28], $0x2800  }
0x5b: {  	p1 =	sne.s32 s18, s25;
	[sflag:s28] =	ssyncset.done $0x0  }
.Ltmp1:
0x5c: {  	s19 =	sadd.s32 s19, s24;
	[sflag:s28] =	ssyncadd.s32 $0xFFFFD800;
	(pc) =	sbr.rel @!p1 .LBB2_15-.Ltmp1, $4  }
0x5d: {  	[hbm4b:s19+s5] =	stream.linear.scatter [tilespmem:s29], [sflag:$0x6], $0x2800, $0x38;
	[tilespmem:$0x1F680] =	vst v63  }
0x5e: {  	_ =	swait.ge [sflag:s28], $0x2800  }
0x5f: {  	[sflag:s28] =	ssyncset.done $0x0  }
0x60: {  	[sflag:s28] =	ssyncadd.s32 $0xFFFFD800  }
.LBB2_1:
0x61: {  	s20 =	simm.s32 $0x100;
	s19 =	simm.s32 $0x0  }
.LBB2_2:
0x62: {  	p1 =	sne.s32 s20, $0x7F00;
	[tilespmem:s19+$0xE630] =	vst v0;
	s21 =	smov.u32 s20;
	s20 =	sadd.s32 $0x100, s20  }
.Ltmp2:
0x63: {  	[tilespmem:s19+$0xE620] =	vst v0;
	(pc) =	sbr.rel @p1 .LBB2_2-.Ltmp2, $3  }
0x64: {  	[tilespmem:s19+$0xE600] =	vst v0  }
0x65: {  	[tilespmem:s19+$0xE610] =	vst v0;
	_ =	sdelay $0x1  }
0x66: {  	s19 =	sshra.s32 s21, $0x2  }
0x67: {  	[tilespmem:s19+$0xE630] =	vst v0  }
0x68: {  	[tilespmem:s19+$0xE620] =	vst v0  }
0x69: {  	[tilespmem:s19+$0xE600] =	vst v0  }
0x6a: {  	[tilespmem:s19+$0xE610] =	vst v0;
	s19 =	simm.s32 $0x40;
	s20 =	simm.s32 $0x0  }
.LBB2_4:
0x6b: {  	p1 =	sne.s32 s19, $0x9FC0;
	[tilespmem:s20+$0x10600] =	vst v0;
	s20 =	smov.u32 s19;
	s19 =	sadd.s32 $0x40, s19  }
.Ltmp3:
0x6c: {  	(pc) =	sbr.rel @p1 .LBB2_4-.Ltmp3, $2  }
0x6d: {  	_ =	sdelay $0x2  }
0x6e: {  	s20 =	sshra.s32 s20, $0x2  }
0x6f: {  	[tilespmem:s20+$0x10600] =	vst v0;
	s19 =	simm.s32 $0x40;
	s20 =	simm.s32 $0x0  }
.LBB2_6:
0x70: {  	p1 =	sne.s32 s19, $0x1FC0;
	[tilespmem:s20+$0xDE00] =	vst v1;
	s20 =	smov.u32 s19;
	s19 =	sadd.s32 $0x40, s19  }
.Ltmp4:
0x71: {  	(pc) =	sbr.rel @p1 .LBB2_6-.Ltmp4, $2  }
0x72: {  	_ =	sdelay $0x2  }
0x73: {  	s20 =	sshra.s32 s20, $0x2  }
0x74: {  	[tilespmem:s20+$0xDE00] =	vst v1  }
0x75: {  	[tilespmem:$0x12E00] =	vst v2  }
0x76: {  	[tilespmem:$0x12E10] =	vst v2  }
0x77: {  	[tilespmem:$0x12E20] =	vst v2  }
0x78: {  	[tilespmem:$0x12E30] =	vst v2  }
0x79: {  	[tilespmem:$0x12E40] =	vst v2  }
0x7a: {  	[tilespmem:$0x12E50] =	vst v2  }
0x7b: {  	[tilespmem:$0x12E60] =	vst v2  }
0x7c: {  	[tilespmem:$0x12E70] =	vst v2  }
0x7d: {  	[spmem:s11] =	stream.linear.scatter [tilespmem:s26], [sflag:$0x6], $0x2000, $0x38;
	[tilespmem:$0x1F680] =	vst v63  }
0x7e: {  	_ =	swait.ge [sflag:s28], $0x2000  }
0x7f: {  	[sflag:s28] =	ssyncset.done $0x0  }
0x80: {  	[sflag:s28] =	ssyncadd.s32 $0xFFFFE000  }
0x81: {  	[spmem:s12] =	stream.linear.scatter [tilespmem:s26], [sflag:$0x6], $0x2000, $0x38;
	[tilespmem:$0x1F680] =	vst v63  }
0x82: {  	_ =	swait.ge [sflag:s28], $0x2000  }
0x83: {  	[sflag:s28] =	ssyncset.done $0x0  }
0x84: {  	[sflag:s28] =	ssyncadd.s32 $0xFFFFE000  }
0x85: {  	[spmem:s13] =	stream.linear.scatter [tilespmem:s26], [sflag:$0x6], $0x2000, $0x38;
	[tilespmem:$0x1F680] =	vst v63  }
0x86: {  	_ =	swait.ge [sflag:s28], $0x2000  }
0x87: {  	[sflag:s28] =	ssyncset.done $0x0  }
0x88: {  	[sflag:s28] =	ssyncadd.s32 $0xFFFFE000  }
0x89: {  	[spmem:s14] =	stream.linear.scatter [tilespmem:s26], [sflag:$0x6], $0x2000, $0x38;
	[tilespmem:$0x1F680] =	vst v63  }
0x8a: {  	_ =	swait.ge [sflag:s28], $0x2000  }
0x8b: {  	[sflag:s28] =	ssyncset.done $0x0  }
0x8c: {  	[sflag:s28] =	ssyncadd.s32 $0xFFFFE000  }
0x8d: {  	[spmem:s15] =	stream.linear.scatter [tilespmem:s26], [sflag:$0x6], $0x2000, $0x38;
	[tilespmem:$0x1F680] =	vst v63  }
0x8e: {  	_ =	swait.ge [sflag:s28], $0x2000  }
0x8f: {  	[sflag:s28] =	ssyncset.done $0x0  }
0x90: {  	[sflag:s28] =	ssyncadd.s32 $0xFFFFE000  }
0x91: {  	[spmem:s16] =	stream.linear.scatter [tilespmem:s29], [sflag:$0x6], $0x2800, $0x38;
	[tilespmem:$0x1F680] =	vst v63  }
0x92: {  	_ =	swait.ge [sflag:s28], $0x2800  }
0x93: {  	[sflag:s28] =	ssyncset.done $0x0  }
0x94: {  	s19 =	rddreg [dreg:$0x8];
	[sflag:s28] =	ssyncadd.s32 $0xFFFFD800  }
0x95: {  	[tilespmem:s5], [sflag:$0x6] =	stream.linear.gather [hbm4b:s19+s5], $0x4F00, $0x38;
	[tilespmem:$0x1F680] =	vst v63  }
0x96: {  	_ =	swait.ge [sflag:s28], $0x4F00  }
0x97: {  	[sflag:s28] =	ssyncset.done $0x0  }
0x98: {  	s21 =	simm.s32 $0x4F00;
	s20 =	rddreg [dreg:$0x9];
	[sflag:s28] =	ssyncadd.s32 $0xFFFFB100  }
0x99: {  	[tilespmem:s21], [sflag:$0x6] =	stream.linear.gather [hbm4b:s20+s5], $0x4F00, $0x38;
	[tilespmem:$0x1F680] =	vst v63  }
.Ltmp5:
0x9a: {  	_ =	swait.ge [sflag:s28], $0x4F00;
	(pc) =	sbr.rel @p0 .LBB2_11-.Ltmp5, $4  }
0x9b: {  	[sflag:s28] =	ssyncset.done $0x0  }
0x9c: {  	[sflag:s28] =	ssyncadd.s32 $0xFFFFB100  }
0x9d: {  	s19 =	simm.s32 $0x0;
	s21 =	simm.s32 $0x12E00;
	[bflag:$0x0] =	sbarrier.arrive $0xFFFF  }
0x9e: {  	[spmem:s4] =	stream.indirect.scatter.add.f32 [tilespmem:s2], [sflag:$0x5], $0x10, s21, s31, $0xb8;
	[tilespmem:$0x1F680] =	vst v63  }
0x9f: {  	[tilespmem:s1], [sflag:$0x1] =	stream.indirect.gather [hbm4b:s6+s31], $0x40, s19, s31, $0xb8;
	[tilespmem:$0x1F680] =	vst v63  }
0xa0: {  	_ = 	snop  }
0xa1: {  	[tilespmem:s8], [sflag:$0x2] =	stream.indirect.gather [hbm4b:s6+s31], $0x40, s31, s31, $0xb8;
	[tilespmem:$0x1F680] =	vst v63  }
0xa2: {  	_ =	swait.ge [sflag:s9], $0x2000  }
0xa3: {  	[sflag:s9] =	ssyncset.done $0x0  }
0xa4: {  	s20 =	simm.s32 $0x4F00;
	[sflag:s9] =	ssyncadd.s32 $0xFFFFE000  }
0xa5: {  	[spmem:s3] =	stream.indirect.scatter.add.f32 [tilespmem:s1], [sflag:$0x3], $0x40, s20, s31, $0xb8;
	[tilespmem:$0x1F680] =	vst v63  }
0xa6: {  	_ =	swait.ge [sflag:s10], $0x800  }
0xa7: {  	[sflag:s10] =	ssyncset.done $0x0  }
0xa8: {  	[sflag:s10] =	ssyncadd.s32 $0xFFFFF800  }
0xa9: {  	[spmem:s4] =	stream.indirect.scatter.add.f32 [tilespmem:s2], [sflag:$0x5], $0x10, s20, s31, $0xb8;
	[tilespmem:$0x1F680] =	vst v63  }
0xaa: {  	_ =	swait.ge [sflag:s30], $0x2000  }
0xab: {  	[sflag:s30] =	ssyncset.done $0x0  }
0xac: {  	s21 =	simm.s32 $0x4F80;
	[sflag:s30] =	ssyncadd.s32 $0xFFFFE000  }
0xad: {  	[spmem:s3] =	stream.indirect.scatter.add.f32 [tilespmem:s8], [sflag:$0x4], $0x40, s21, s31, $0xb8;
	[tilespmem:$0x1F680] =	vst v63  }
0xae: {  	_ =	swait.ge [sflag:s0], $0x2000  }
0xaf: {  	[sflag:s0] =	ssyncset.done $0x0  }
0xb0: {  	s22 =	simm.s32 $0x100;
	[sflag:s0] =	ssyncadd.s32 $0xFFFFE000  }
0xb1: {  	[tilespmem:s1], [sflag:$0x1] =	stream.indirect.gather [hbm4b:s6+s31], $0x40, s22, s31, $0xb8;
	[tilespmem:$0x1F680] =	vst v63  }
0xb2: {  	_ =	swait.ge [sflag:s17], $0x2000  }
0xb3: {  	[sflag:s17] =	ssyncset.done $0x0  }
0xb4: {  	s19 =	simm.s32 $0x400;
	s20 =	simm.s32 $0x180;
	[sflag:s17] =	ssyncadd.s32 $0xFFFFE000  }
.LBB2_9:
0xb5: {  	[tilespmem:s8], [sflag:$0x2] =	stream.indirect.gather [hbm4b:s6+s31], $0x40, s20, s31, $0xb8;
	[tilespmem:$0x1F680] =	vst v63  }
0xb6: {  	s20 =	smov.u32 s19  }
0xb7: {  	p1 =	sne.s32 s19, $0x13400;
	s19 =	sadd.s32 $0x400, s19;
	_ =	swait.ge [sflag:s9], $0x2000  }
0xb8: {  	s20 =	sshra.s32 s20, $0x2;
	[sflag:s9] =	ssyncset.done $0x0  }
0xb9: {  	s21 =	sadd.s32 $0x4F00, s20;
	[sflag:s9] =	ssyncadd.s32 $0xFFFFE000  }
0xba: {  	[spmem:s3] =	stream.indirect.scatter.add.f32 [tilespmem:s1], [sflag:$0x3], $0x40, s21, s31, $0xb8;
	[tilespmem:$0x1F680] =	vst v63  }
0xbb: {  	_ =	swait.ge [sflag:s10], $0x800  }
0xbc: {  	[sflag:s10] =	ssyncset.done $0x0  }
0xbd: {  	[sflag:s10] =	ssyncadd.s32 $0xFFFFF800  }
0xbe: {  	[spmem:s4] =	stream.indirect.scatter.add.f32 [tilespmem:s2], [sflag:$0x5], $0x10, s21, s31, $0xb8;
	[tilespmem:$0x1F680] =	vst v63  }
0xbf: {  	_ =	swait.ge [sflag:s30], $0x2000  }
0xc0: {  	[sflag:s30] =	ssyncset.done $0x0  }
0xc1: {  	s21 =	sadd.s32 $0x4F80, s20;
	[sflag:s30] =	ssyncadd.s32 $0xFFFFE000  }
0xc2: {  	[spmem:s3] =	stream.indirect.scatter.add.f32 [tilespmem:s8], [sflag:$0x4], $0x40, s21, s31, $0xb8;
	[tilespmem:$0x1F680] =	vst v63  }
0xc3: {  	_ =	swait.ge [sflag:s0], $0x2000  }
0xc4: {  	[sflag:s0] =	ssyncset.done $0x0  }
.Ltmp6:
0xc5: {  	s21 =	sadd.s32 $0x100, s20;
	[sflag:s0] =	ssyncadd.s32 $0xFFFFE000;
	(pc) =	sbr.rel @p1 .LBB2_9-.Ltmp6, $4  }
0xc6: {  	[tilespmem:s1], [sflag:$0x1] =	stream.indirect.gather [hbm4b:s6+s31], $0x40, s21, s31, $0xb8;
	[tilespmem:$0x1F680] =	vst v63  }
0xc7: {  	_ =	swait.ge [sflag:s17], $0x2000  }
0xc8: {  	[sflag:s17] =	ssyncset.done $0x0  }
0xc9: {  	s20 =	sadd.s32 $0x180, s20;
	[sflag:s17] =	ssyncadd.s32 $0xFFFFE000  }
0xca: {  	[tilespmem:s8], [sflag:$0x2] =	stream.indirect.gather [hbm4b:s6+s31], $0x40, s20, s31, $0xb8;
	[tilespmem:$0x1F680] =	vst v63  }
0xcb: {  	_ =	swait.ge [sflag:s9], $0x2000  }
0xcc: {  	[sflag:s9] =	ssyncset.done $0x0  }
0xcd: {  	s19 =	simm.s32 $0x9D00;
	[sflag:s9] =	ssyncadd.s32 $0xFFFFE000  }
0xce: {  	[spmem:s3] =	stream.indirect.scatter.add.f32 [tilespmem:s1], [sflag:$0x3], $0x40, s19, s31, $0xb8;
	[tilespmem:$0x1F680] =	vst v63  }
0xcf: {  	_ =	swait.ge [sflag:s10], $0x800  }
0xd0: {  	[sflag:s10] =	ssyncset.done $0x0  }
0xd1: {  	[sflag:s10] =	ssyncadd.s32 $0xFFFFF800  }
0xd2: {  	[spmem:s4] =	stream.indirect.scatter.add.f32 [tilespmem:s2], [sflag:$0x5], $0x10, s19, s31, $0xb8;
	[tilespmem:$0x1F680] =	vst v63  }
.Ltmp7:
0xd3: {  	_ =	swait.ge [sflag:s30], $0x2000;
	(pc) =	sbr.rel .LBB2_14-.Ltmp7, $4  }
0xd4: {  	[sflag:s30] =	ssyncset.done $0x0  }
0xd5: {  	s19 =	rddreg [dreg:$0x6];
	[sflag:s30] =	ssyncadd.s32 $0xFFFFE000  }
0xd6: {  	[spmem:s3] =	stream.indirect.scatter.add.f32 [tilespmem:s8], [sflag:$0x4], $0x40, s23, s31, $0xb8;
	[tilespmem:$0x1F680] =	vst v63  }
0xd7: {  	s22 =	simm.s32 $0x9D00;
	s20 =	rddreg [dreg:$0x1]  }
.LBB2_11:
0xd8: {  	[tilespmem:s1], [sflag:$0x1] =	stream.indirect.gather [hbm4b:s7+s31], $0x40, s19, s31, $0xb8;
	[tilespmem:$0x1F680] =	vst v63  }
0xd9: {  	_ = 	snop  }
0xda: {  	[tilespmem:s8], [sflag:$0x2] =	stream.indirect.gather [hbm4b:s7+s31], $0x40, s31, s31, $0xb8;
	[tilespmem:$0x1F680] =	vst v63  }
0xdb: {  	_ =	swait.ge [sflag:s9], $0x2000  }
0xdc: {  	[sflag:s9] =	ssyncset.done $0x0  }
0xdd: {  	s20 =	simm.s32 $0x4F00;
	[sflag:s9] =	ssyncadd.s32 $0xFFFFE000  }
0xde: {  	[spmem:s3] =	stream.indirect.scatter.add.f32 [tilespmem:s1], [sflag:$0x3], $0x40, s20, s31, $0xb8;
	[tilespmem:$0x1F680] =	vst v63  }
0xdf: {  	_ =	swait.ge [sflag:s30], $0x2000  }
0xe0: {  	[sflag:s30] =	ssyncset.done $0x0  }
0xe1: {  	s21 =	simm.s32 $0x4F80;
	[sflag:s30] =	ssyncadd.s32 $0xFFFFE000  }
0xe2: {  	[spmem:s3] =	stream.indirect.scatter.add.f32 [tilespmem:s8], [sflag:$0x4], $0x40, s21, s31, $0xb8;
	[tilespmem:$0x1F680] =	vst v63  }
0xe3: {  	_ =	swait.ge [sflag:s10], $0x800  }
0xe4: {  	[sflag:s10] =	ssyncset.done $0x0  }
0xe5: {  	[sflag:s10] =	ssyncadd.s32 $0xFFFFF800  }
0xe6: {  	[spmem:s4] =	stream.indirect.scatter.add.f32 [tilespmem:s2], [sflag:$0x5], $0x10, s21, s31, $0xb8;
	[tilespmem:$0x1F680] =	vst v63  }
0xe7: {  	_ =	swait.ge [sflag:s0], $0x2000  }
0xe8: {  	[sflag:s0] =	ssyncset.done $0x0  }
0xe9: {  	s23 =	simm.s32 $0x100;
	[sflag:s0] =	ssyncadd.s32 $0xFFFFE000  }
0xea: {  	[tilespmem:s1], [sflag:$0x1] =	stream.indirect.gather [hbm4b:s7+s31], $0x40, s23, s31, $0xb8;
	[tilespmem:$0x1F680] =	vst v63  }
0xeb: {  	_ =	swait.ge [sflag:s17], $0x2000  }
0xec: {  	[sflag:s17] =	ssyncset.done $0x0  }
0xed: {  	s19 =	simm.s32 $0x400;
	s20 =	simm.s32 $0x180;
	[sflag:s17] =	ssyncadd.s32 $0xFFFFE000  }
.LBB2_12:
0xee: {  	[tilespmem:s8], [sflag:$0x2] =	stream.indirect.gather [hbm4b:s7+s31], $0x40, s20, s31, $0xb8;
	[tilespmem:$0x1F680] =	vst v63  }
0xef: {  	s20 =	smov.u32 s19  }
0xf0: {  	p1 =	sne.s32 s19, $0x13400;
	s19 =	sadd.s32 $0x400, s19;
	_ =	swait.ge [sflag:s9], $0x2000  }
0xf1: {  	s20 =	sshra.s32 s20, $0x2;
	[sflag:s9] =	ssyncset.done $0x0  }
0xf2: {  	s21 =	sadd.s32 $0x4F00, s20;
	[sflag:s9] =	ssyncadd.s32 $0xFFFFE000  }
0xf3: {  	[spmem:s3] =	stream.indirect.scatter.add.f32 [tilespmem:s1], [sflag:$0x3], $0x40, s21, s31, $0xb8;
	[tilespmem:$0x1F680] =	vst v63  }
0xf4: {  	_ =	swait.ge [sflag:s30], $0x2000  }
0xf5: {  	[sflag:s30] =	ssyncset.done $0x0  }
0xf6: {  	s21 =	sadd.s32 $0x4F80, s20;
	[sflag:s30] =	ssyncadd.s32 $0xFFFFE000  }
0xf7: {  	[spmem:s3] =	stream.indirect.scatter.add.f32 [tilespmem:s8], [sflag:$0x4], $0x40, s21, s31, $0xb8;
	[tilespmem:$0x1F680] =	vst v63  }
0xf8: {  	_ =	swait.ge [sflag:s10], $0x800  }
0xf9: {  	[sflag:s10] =	ssyncset.done $0x0  }
0xfa: {  	[sflag:s10] =	ssyncadd.s32 $0xFFFFF800  }
0xfb: {  	[spmem:s4] =	stream.indirect.scatter.add.f32 [tilespmem:s2], [sflag:$0x5], $0x10, s21, s31, $0xb8;
	[tilespmem:$0x1F680] =	vst v63  }
0xfc: {  	_ =	swait.ge [sflag:s0], $0x2000  }
0xfd: {  	[sflag:s0] =	ssyncset.done $0x0  }
.Ltmp8:
0xfe: {  	s21 =	sadd.s32 $0x100, s20;
	[sflag:s0] =	ssyncadd.s32 $0xFFFFE000;
	(pc) =	sbr.rel @p1 .LBB2_12-.Ltmp8, $4  }
0xff: {  	[tilespmem:s1], [sflag:$0x1] =	stream.indirect.gather [hbm4b:s7+s31], $0x40, s21, s31, $0xb8;
	[tilespmem:$0x1F680] =	vst v63  }
0x100: {  	_ =	swait.ge [sflag:s17], $0x2000  }
0x101: {  	[sflag:s17] =	ssyncset.done $0x0  }
0x102: {  	s20 =	sadd.s32 $0x180, s20;
	[sflag:s17] =	ssyncadd.s32 $0xFFFFE000  }
.Ltmp9:
0x103: {  	_ = 	snop;
	(pc) =	sbr.rel .LBB2_13-.Ltmp9, $1  }
0x104: {  	_ =	sdelay $0x3  }
.LBB2_15:
0x105: {  	_ =	sfence.sel $0x180000  }
0x106: {  	[bflag:$0x0] =	sbarrier.arrive $0xFFFF  }
0x107: {  	_ =	strace $0x90000047  }
0x108: {  	s0 =	stileid.u32;
	[bflag:$0x2] =	sbarrier.arrive $0xFFFF  }
0x109: {  	p0 =	sne.s32 s0, $0x0;
	s0 =	rddreg [dreg:$0x4]  }
0x10a: {  	s0 =	sadd.s32 @!p0 $0x100000, s0  }
0x10b: {  	[sflag:s0] =	ssyncadd.tile.s32 @!p0 $0x1;
	_ =	shalt  }
.Lfunc_end2:
_tile_overlayer_lowered:
.L_overlay_start_2:
0x10c: {  	(tag) =	ssettag $0x2  }
0x10d: {  	s0 =	rddreg [dreg:$0x0];
	s2 =	stileid.u32  }
0x10e: {  	s1 =	rddreg [dreg:$0x1];
	p0 =	sne.s32 s2, $0x0  }
0x10f: {  	s3 =	rddreg [dreg:$0x2];
	[bflag:$0x3] =	sbarrier.arrive $0xFFFF;
	s2 =	simm.s32 @!p0 $0x1C06  }
0x110: {  	[timem:s3], [sflag:s2] =	dma.local @!p0 [hbm:s0], s1  }
0x111: {  	s0 =	simm.s32 @!p0 $0x6  }
0x112: {  	_ =	swait.ge @!p0 [sflag:s0], s1  }
0x113: {  	s1 =	ssub.s32 @!p0 $0x0, s1;
	[sflag:s0] =	ssyncset.done @!p0 $0x0  }
0x114: {  	[sflag:s0] =	ssyncadd.s32 @!p0 s1  }
0x115: {  	[bflag:$0x3] =	sbarrier.arrive $0xFFFF  }
0x116: {  	_ =	shalt  }

// kernel: kernel.9.cloned.1.call-start
scs
__scs_entry_jumppad:
0x0: {  	(pc) =	sbr.rel $0x88, $3  }
0x1: {  	(tag) =	ssettag $0x0;
	lr =	simm.s32 $0x1  }
0x2: {  	[smem:$0x3F99] =	sst lr;
	_ =	strace $0xD0000000  }
0x3: {  	_ = 	snop  }
0x4: {  	_ = 	snop  }
0x5: {  	_ = 	snop  }
0x6: {  	_ = 	snop  }
0x7: {  	_ = 	snop  }
__scs_overlays_trampoline_lowered:
0x8: {  	[smem:$0x3FA8] =	sst s0  }
0x9: {  	[smem:$0x3FA9] =	sst s1  }
0xa: {  	[smem:$0x3FAA] =	sst s2  }
0xb: {  	[smem:$0x3FAB] =	sst s3  }
0xc: {  	[smem:$0x3FAC] =	sst s4  }
0xd: {  	[smem:$0x3FAD] =	sst s5  }
0xe: {  	[smem:$0x3FAE] =	sst s6  }
0xf: {  	[smem:$0x3FAF] =	sst s7  }
0x10: {  	[smem:$0x3FB0] =	sst s8  }
0x11: {  	[smem:$0x3FB1] =	sst s9;
	s0 =	simm.s32 @!p0 $0x0  }
0x12: {  	s1 =	sld [smem:$0x3F97];
	s0 =	simm.s32 @p0 $0x1  }
0x13: {  	[smem:$0x3FB2] =	sst s0;
	s0 =	simm.s32 @!p1 $0x0  }
0x14: {  	s2 =	sld [smem:$0x3F96];
	s0 =	simm.s32 @p1 $0x1  }
0x15: {  	[smem:$0x3FB3] =	sst s0;
	s0 =	simm.s32 @!p2 $0x0  }
0x16: {  	s3 =	sld [smem:$0x3FDB];
	s0 =	simm.s32 @p2 $0x1  }
0x17: {  	s4 =	simm.s32 $0x1BF5;
	[smem:$0x3FB5] =	sst s0  }
0x18: {  	s0 =	sld [smem:$0x3F98];
	_ =	swait.ge [sflag:s4], $0x0  }
0x19: {  	s7 =	sld [smem:$0x3F99]  }
0x1a: {  	s8 =	sadd.s32 $0xFFFFE003, lr  }
0x1b: {  	s9 =	sadd.s32 $0xFFFFFEF7, lr;
	s5 =	simm.s32 $0xFFFFFFFF;
	p2 =	slt.u32 s8, $0xFFFFF086  }
0x1c: {  	p1 =	slt.u32 s9, $0xF7A;
	s5 =	simm.s32 @!p2 $0x0  }
0x1d: {  	s5 =	simm.s32 @p1 $0x1;
	p0 =	seq.s32 s7, s2  }
0x1e: {  	s7 =	smul.u32 @!p0 $0xF7A, s2;
	p2 =	seq.s32 @!p0 s5, $0x0  }
0x1f: {  	s9 =	smul.u32 $0xF7A, s1;
	s8 =	simm.s32 @!p0 $0x1BF5;
	p2 =	por !p2, p0  }
0x20: {  	[sflag:s8] =	ssyncset.s32 @!p0 $0xFFFFF086;
	s6 =	sadd.s32 @!p0 s3, s7;
	s7 =	simm.s32 @!p0 $0x108  }
0x21: {  	s3 =	sadd.s32 s3, s9;
	s6 =	sadd.s32 @!p0 $0x88, s6;
	s7 =	simm.s32 @p2 $0x1082  }
0x22: {  	[simem:s7], [sflag:s8] =	dma.local @!p0 [hbm:s6], $0xF7A  }
0x23: {  	s9 =	sor.u32 $0xD0000000, s2;
	s6 =	simm.s32 $0x108;
	_ =	swait.ge @!p0 [sflag:s8], $0x0  }
0x24: {  	s3 =	sadd.s32 $0x88, s3;
	s6 =	simm.s32 @!p1 $0x1082;
	[sflag:s4] =	ssyncset.s32 $0xFFFFF086  }
0x25: {  	[simem:s6], [sflag:s4] =	dma.local [hbm:s3], $0xF7A  }
0x26: {  	[smem:$0x3F99] =	sst s1;
	(tag) =	ssettag s2;
	_ =	strace s9  }
0x27: {  	s1 =	sld [smem:$0x3FA9]  }
0x28: {  	s2 =	sld [smem:$0x3FAA]  }
0x29: {  	s4 =	sld [smem:$0x3FAC]  }
0x2a: {  	p0 =	seq.s32 s5, $0x0;
	s5 =	sld [smem:$0x3FAD]  }
0x2b: {  	s6 =	sld [smem:$0x3FAE]  }
0x2c: {  	s7 =	sld [smem:$0x3FAF]  }
0x2d: {  	s3 =	simm.s32 $0x108;
	s8 =	sld [smem:$0x3FB0]  }
0x2e: {  	s3 =	simm.s32 @!p0 $0x1082;
	s9 =	sld [smem:$0x3FB1]  }
0x2f: {  	lr =	sadd.s32 s0, s3;
	s0 =	sld [smem:$0x3FA8]  }
0x30: {  	s3 =	sld [smem:$0x3FAB]  }
0x31: {  	[smem:$0x3FB4] =	sst s10  }
0x32: {  	s10 =	sld [smem:$0x3FB2];
	_ =	sdelay $0x3  }
0x33: {  	p0 =	seq.s32 s10, $0x1;
	s10 =	sld [smem:$0x3FB4];
	_ =	sdelay $0x3  }
0x34: {  	[smem:$0x3FB4] =	sst s10  }
0x35: {  	s10 =	sld [smem:$0x3FB3];
	_ =	sdelay $0x3  }
0x36: {  	p1 =	seq.s32 s10, $0x1;
	s10 =	sld [smem:$0x3FB4];
	_ =	sdelay $0x3  }
0x37: {  	[smem:$0x3FB4] =	sst s10  }
0x38: {  	s10 =	sld [smem:$0x3FB5]  }
0x39: {  	_ = 	snop;
	(pc) =	sbr.ind lr, $3  }
0x3a: {  	_ = 	snop  }
0x3b: {  	_ = 	snop  }
0x3c: {  	p2 =	seq.s32 s10, $0x1;
	s10 =	sld [smem:$0x3FB4]  }
0x3d: {  	_ =	shalt  }
0x3e: {  	_ =	shalt  }
0x3f: {  	_ =	shalt  }
0x40: {  	_ =	shalt  }
0x41: {  	_ =	shalt  }
0x42: {  	_ =	shalt  }
0x43: {  	_ =	shalt  }
0x44: {  	_ =	shalt  }
0x45: {  	_ =	shalt  }
0x46: {  	_ =	shalt  }
0x47: {  	_ =	shalt  }
0x48: {  	_ =	shalt  }
0x49: {  	_ =	shalt  }
0x4a: {  	_ =	shalt  }
0x4b: {  	_ =	shalt  }
0x4c: {  	_ =	shalt  }
0x4d: {  	_ =	shalt  }
0x4e: {  	_ =	shalt  }
0x4f: {  	_ =	shalt  }
0x50: {  	_ =	shalt  }
0x51: {  	_ =	shalt  }
0x52: {  	_ =	shalt  }
0x53: {  	_ =	shalt  }
0x54: {  	_ =	shalt  }
0x55: {  	_ =	shalt  }
0x56: {  	_ =	shalt  }
0x57: {  	_ =	shalt  }
0x58: {  	_ =	shalt  }
0x59: {  	_ =	shalt  }
0x5a: {  	_ =	shalt  }
0x5b: {  	_ =	shalt  }
0x5c: {  	_ =	shalt  }
0x5d: {  	_ =	shalt  }
0x5e: {  	_ =	shalt  }
0x5f: {  	_ =	shalt  }
0x60: {  	_ =	shalt  }
0x61: {  	_ =	shalt  }
0x62: {  	_ =	shalt  }
0x63: {  	_ =	shalt  }
0x64: {  	_ =	shalt  }
0x65: {  	_ =	shalt  }
0x66: {  	_ =	shalt  }
0x67: {  	_ =	shalt  }
0x68: {  	_ =	shalt  }
0x69: {  	_ =	shalt  }
0x6a: {  	_ =	shalt  }
0x6b: {  	_ =	shalt  }
0x6c: {  	_ =	shalt  }
0x6d: {  	_ =	shalt  }
0x6e: {  	_ =	shalt  }
0x6f: {  	_ =	shalt  }
0x70: {  	_ =	shalt  }
0x71: {  	_ =	shalt  }
0x72: {  	_ =	shalt  }
0x73: {  	_ =	shalt  }
0x74: {  	_ =	shalt  }
0x75: {  	_ =	shalt  }
0x76: {  	_ =	shalt  }
0x77: {  	_ =	shalt  }
0x78: {  	_ =	shalt  }
0x79: {  	_ =	shalt  }
0x7a: {  	_ =	shalt  }
0x7b: {  	_ =	shalt  }
0x7c: {  	_ =	shalt  }
0x7d: {  	_ =	shalt  }
0x7e: {  	_ =	shalt  }
0x7f: {  	_ =	shalt  }
0x80: {  	_ =	shalt  }
0x81: {  	_ =	shalt  }
0x82: {  	_ =	shalt  }
0x83: {  	_ =	shalt  }
0x84: {  	_ =	shalt  }
0x85: {  	_ =	shalt  }
0x86: {  	_ =	shalt  }
0x87: {  	_ =	shalt  }
.Lfunc_end0:
.L_simem_size_0:
called_computation.1_lowered:
.L_overlay_start_0:
0x88: {  	s2 =	sld [smem:$0x3FD9]  }
0x89: {  	s3 =	sld [smem:$0x3FFE];
	_ =	sdelay $0x1  }
0x8a: {  	s1 =	srdreg.scid  }
0x8b: {  	s0 =	sand.u32 $0x1, s1  }
0x8c: {  	s17 =	sshll.u32 s0, $0xA;
	s2 =	sadd.s32 s3, s2  }
0x8d: {  	s2 =	sadd.s32 s2, s17  }
0x8e: {  	[smem:$0x3FC0] =	sst s2  }
0x8f: {  	_ = 	snop  }
0x90: {  	s2 =	sld [smem:$0x3FD0];
	(tm) =	ssettm $0x1  }
0x91: {  	s18 =	sld [smem:$0x3FFB];
	_ =	sdelay $0x3  }
0x92: {  	_ =	strace s18  }
0x93: {  	s3 =	sld [smem:$0x3FFC];
	_ =	sdelay $0x3  }
0x94: {  	_ =	strace s3  }
0x95: {  	s3 =	sld [smem:$0x3FFD];
	_ =	sdelay $0x3  }
0x96: {  	_ =	strace s3  }
0x97: {  	_ =	strace $0x8FFFFFFF  }
0x98: {  	s19 =	sld [smem:$0x3FDB];
	_ =	sdelay $0x1  }
0x99: {  	s4 =	simm.s32 $_scs_section_size  }
0x9a: {  	s5 =	simm.s32 $_size__tile_overlayer_lowered;
	s6 =	simm.s32 $_tile_overlayer_lowered  }
0x9b: {  	s22 =	simm.s32 $0x1BFF;
	s21 =	sshll.u32 s6, $0x1;
	s3 =	sadd.s32 s4, s19  }
0x9c: {  	s7 =	simm.s32 $0x0;
	s20 =	sshll.u32 s5, $0x1;
	s5 =	sadd.s32 s21, s3  }
0x9d: {  	[timem:s7], [sflag:s22] =	dma.local [hbm:s5], s20  }
0x9e: {  	_ =	swait.ge [sflag:s22], s20  }
0x9f: {  	s4 =	ssub.s32 $0x0, s20;
	[sflag:s22] =	ssyncset.done $0x0  }
0xa0: {  	[sflag:s22] =	ssyncadd.s32 s4;
	_ =	sdelay $0x1  }
0xa1: {  	s23 =	simm.s32 $0x1B8B  }
0xa2: {  	_ =	swait.ge [sflag:s23], $0x1  }
0xa3: {  	[sflag:s23] =	ssyncset.done $0x0  }
0xa4: {  	s25 =	simm.s32 $0x1B8E;
	s24 =	sld [smem:$0x3FFE];
	[sflag:s23] =	ssyncadd.s32 $0xFFFFFFFF  }
0xa5: {  	s26 =	simm.s32 $execute0_lowered;
	[smem:$0x3FD2] =	sst s25  }
0xa6: {  	s5 =	sshll.u32 s26, $0x1;
	_ =	strace $0x80000049;
	[dreg:$0x1] =	wrdreg $0xFFFFFFFF  }
0xa7: {  	s28 =	simm.s32 $_size_execute0_lowered;
	s3 =	sadd.s32 s3, s5;
	[dreg:$0x0] =	wrdreg $0x0  }
0xa8: {  	s5 =	sshll.u32 s28, $0x1;
	[dreg:$0x2] =	wrdreg s3  }
0xa9: {  	[dreg:$0x3] =	wrdreg s5  }
0xaa: {  	[dreg:$0x4] =	wrdreg $0xC0  }
0xab: {  	_ =	task [dreg:s7], $0x5FFFF  }
0xac: {  	[dreg:$0x1] =	wrdreg $0xFFFFFFFF  }
0xad: {  	[dreg:$0x0] =	wrdreg $0x60  }
0xae: {  	[dreg:$0x2] =	wrdreg s24  }
0xaf: {  	[dreg:$0x3] =	wrdreg s2  }
0xb0: {  	[dreg:$0x4] =	wrdreg $0xFE000  }
0xb1: {  	[dreg:$0x5] =	wrdreg $0x9  }
0xb2: {  	_ =	task.clear_ibuf [dreg:s7], $0x6FFFF;
	_ =	strace $0x90000049  }
0xb3: {  	s29 =	simm.s32 $0x9;
	_ =	strace $0x8000004B  }
0xb4: {  	_ =	swait.ge [sflag:s29], $0x1  }
0xb5: {  	[sflag:s29] =	ssyncadd.s32 $0xFFFFFFFF  }
0xb6: {  	_ =	strace $0x9000004B  }
0xb7: {  	_ =	sfence  }
0xb8: {  	s30 =	sld [smem:$0x0];
	_ =	sdelay $0x2  }
0xb9: {  	s31 =	sshll.u32 s1, $0xD;
	s1 =	sshrl.u32 s1, $0x2  }
0xba: {  	s3 =	sand.u32 $0x4000, s31;
	s1 =	sadd.s32 s1, s30  }
0xbb: {  	s0 =	sor.u32 s3, s0;
	s1 =	sshll.u32 s1, $0x11  }
0xbc: {  	s0 =	sor.u32 s1, s0  }
0xbd: {  	s0 =	sadd.s32 $0x8F2B, s0  }
0xbe: {  	[sflag:s0] =	ssyncadd.remote.s32 $0x1  }
0xbf: {  	_ =	sfence.sel $0xFFFF  }
0xc0: {  	[dreg:$0x0] =	wrdreg $0xFFFFFFFF;
	(pc) =	sbr.abs _section_cstart, $3  }
0xc1: {  	[dreg:$0x1] =	wrdreg $0xFFFFFFFF  }
0xc2: {  	_ =	task.clear_ibuf [dreg:s7], $0x2FFFF;
	_ =	strace $0x9FFFFFFF  }
0xc3: {  	(tm) =	ssettm $0x7FFFFFFF  }
tec
execute0_lowered:
.L_overlay_start_1:
0x0: {  	(tag) =	ssettag $0x1  }
0x1: {  	s0 =	rddreg [dreg:$0x0]  }
0x2: {  	s3 =	rddreg [dreg:$0x2];
	s4 =	simm.s32 $0x0  }
0x3: {  	s6 =	stileid.u32;
	s1 =	srdreg.scid;
	s21 =	simm.s32 $0xDE00  }
0x4: {  	s22 =	simm.s32 $0x5;
	s24 =	simm.s32 $0x80;
	s28 =	simm.s32 $0x1  }
0x5: {  	s29 =	simm.s32 $0x2;
	s30 =	simm.s32 $0x3;
	s31 =	simm.s32 $0x4  }
0x6: {  	[smem:$0x7FF] =	sst s4;
	s2 =	smul.u32 $0x9E0, s6;
	s1 =	sand.u32 $0x1, s1  }
0x7: {  	s5 =	sadd.s32 $0x2A00, s0;
	s15 =	smul.u32 $0xA000, s6;
	s6 =	sadd.s32 $0x3DA00, s0  }
0x8: {  	_ =	strace $0x8000004A;
	s7 =	ssub.s32 $0x2, s1;
	p0 =	sne.s32 s1, $0x0  }
0x9: {  	s1 =	simm.s32 $0x0;
	s2 =	sadd.s32 s2, s0;
	s8 =	sshrl.u32 s7, $0x1  }
0xa: {  	s0 =	sadd.s32 $0xABA00, s0;
	s26 =	sadd.s32 $0x2000, s15;
	s17 =	sadd.s32 $0x4000, s15  }
0xb: {  	s18 =	sadd.s32 $0x6000, s15;
	s19 =	sadd.s32 $0x8000, s15;
	[dreg:$0x4] =	wrdreg s0  }
0xc: {  	s25 =	ssub.s32 s7, s8;
	s8 =	sadd.s32 s15, s3;
	s9 =	sadd.s32 s26, s3  }
.Ltmp0:
0xd: {  	s10 =	sadd.s32 s17, s3;
	s11 =	sadd.s32 s18, s3;
	(pc) =	sbr.rel .LBB2_1-.Ltmp0, $4  }
0xe: {  	s12 =	sadd.s32 s19, s3;
	s13 =	sadd.s32 $0x33C00, s2;
	s14 =	sadd.s32 $0x29E00, s2  }
0xf: {  	s15 =	sshrl.u32 s15, $0x3;
	s16 =	sshrl.u32 s26, $0x3;
	s17 =	sshrl.u32 s17, $0x3  }
0x10: {  	s18 =	sshrl.u32 s18, $0x3;
	s19 =	sshrl.u32 s19, $0x3;
	s26 =	simm.s32 $0xBE00  }
0x11: {  	v0 =	vimm.f32 $0.0e+00;
	s2 =	simm.s32 $0x9D80;
	s20 =	smax.u32 s25, $0x1;
	s25 =	simm.s32 $0x9E00  }
.LBB2_9:
0x12: {  	[tilespmem:s26], [sflag:$0x2] =	stream.indirect.gather [hbm4b:s6+s24], $0x40, s23, s24, $0xb8;
	[tilespmem:$0x19E00] =	vst v63  }
0x13: {  	s7 =	rddreg [dreg:$0x4]  }
.LBB2_10:
0x14: {  	_ =	swait.ge [sflag:s28], $0x2000  }
0x15: {  	[sflag:s28] =	ssyncset.done $0x0  }
0x16: {  	s0 =	simm.s32 $0x9D00;
	[sflag:s28] =	ssyncadd.s32 $0xFFFFE000  }
0x17: {  	[spmem:s3] =	stream.indirect.scatter.add.f32 [tilespmem:s25], [sflag:$0x3], $0x40, s0, s24, $0xb8;
	[tilespmem:$0x19E00] =	vst v63  }
0x18: {  	_ =	swait.ge [sflag:s29], $0x2000  }
0x19: {  	[sflag:s29] =	ssyncset.done $0x0  }
0x1a: {  	[sflag:s29] =	ssyncadd.s32 $0xFFFFE000  }
0x1b: {  	[spmem:s3] =	stream.indirect.scatter.add.f32 [tilespmem:s26], [sflag:$0x4], $0x40, s2, s24, $0xb8;
	[tilespmem:$0x19E00] =	vst v63  }
0x1c: {  	_ =	swait.ge [sflag:s30], $0x2000  }
0x1d: {  	[sflag:s30] =	ssyncset.done $0x0  }
0x1e: {  	[sflag:s30] =	ssyncadd.s32 $0xFFFFE000  }
0x1f: {  	_ =	swait.ge [sflag:s31], $0x2000  }
0x20: {  	[sflag:s31] =	ssyncset.done $0x0  }
0x21: {  	[sflag:s31] =	ssyncadd.s32 $0xFFFFE000  }
0x22: {  	[bflag:$0x0] =	sbarrier.arrive $0xFFFF  }
0x23: {  	[tilespmem:s21], [sflag:$0x5] =	stream.linear.gather [spmem:s8], $0x2000, $0x38;
	[tilespmem:$0x19E00] =	vst v63  }
0x24: {  	_ =	swait.ge [sflag:s22], $0x2000  }
0x25: {  	[sflag:s22] =	ssyncset.done $0x0  }
0x26: {  	s23 =	sadd.s32 s7, s15;
	[sflag:s22] =	ssyncadd.s32 $0xFFFFE000  }
0x27: {  	[hbm4b:s23+s4] =	stream.linear.scatter [tilespmem:s21], [sflag:$0x5], $0x2000, $0x38;
	[tilespmem:$0x19E00] =	vst v63  }
0x28: {  	_ =	swait.ge [sflag:s22], $0x2000  }
0x29: {  	[sflag:s22] =	ssyncset.done $0x0  }
0x2a: {  	[sflag:s22] =	ssyncadd.s32 $0xFFFFE000  }
0x2b: {  	[tilespmem:s21], [sflag:$0x5] =	stream.linear.gather [spmem:s9], $0x2000, $0x38;
	[tilespmem:$0x19E00] =	vst v63  }
0x2c: {  	_ =	swait.ge [sflag:s22], $0x2000  }
0x2d: {  	[sflag:s22] =	ssyncset.done $0x0  }
0x2e: {  	s23 =	sadd.s32 s7, s16;
	[sflag:s22] =	ssyncadd.s32 $0xFFFFE000  }
0x2f: {  	[hbm4b:s23+s4] =	stream.linear.scatter [tilespmem:s21], [sflag:$0x5], $0x2000, $0x38;
	[tilespmem:$0x19E00] =	vst v63  }
0x30: {  	_ =	swait.ge [sflag:s22], $0x2000  }
0x31: {  	[sflag:s22] =	ssyncset.done $0x0  }
0x32: {  	[sflag:s22] =	ssyncadd.s32 $0xFFFFE000  }
0x33: {  	[tilespmem:s21], [sflag:$0x5] =	stream.linear.gather [spmem:s10], $0x2000, $0x38;
	[tilespmem:$0x19E00] =	vst v63  }
0x34: {  	_ =	swait.ge [sflag:s22], $0x2000  }
0x35: {  	[sflag:s22] =	ssyncset.done $0x0  }
0x36: {  	s23 =	sadd.s32 s7, s17;
	[sflag:s22] =	ssyncadd.s32 $0xFFFFE000  }
0x37: {  	[hbm4b:s23+s4] =	stream.linear.scatter [tilespmem:s21], [sflag:$0x5], $0x2000, $0x38;
	[tilespmem:$0x19E00] =	vst v63  }
0x38: {  	_ =	swait.ge [sflag:s22], $0x2000  }
0x39: {  	[sflag:s22] =	ssyncset.done $0x0  }
0x3a: {  	[sflag:s22] =	ssyncadd.s32 $0xFFFFE000  }
0x3b: {  	[tilespmem:s21], [sflag:$0x5] =	stream.linear.gather [spmem:s11], $0x2000, $0x38;
	[tilespmem:$0x19E00] =	vst v63  }
0x3c: {  	_ =	swait.ge [sflag:s22], $0x2000  }
0x3d: {  	[sflag:s22] =	ssyncset.done $0x0  }
0x3e: {  	s23 =	sadd.s32 s7, s18;
	[sflag:s22] =	ssyncadd.s32 $0xFFFFE000  }
0x3f: {  	[hbm4b:s23+s4] =	stream.linear.scatter [tilespmem:s21], [sflag:$0x5], $0x2000, $0x38;
	[tilespmem:$0x19E00] =	vst v63  }
0x40: {  	_ =	swait.ge [sflag:s22], $0x2000  }
0x41: {  	[sflag:s22] =	ssyncset.done $0x0  }
0x42: {  	[sflag:s22] =	ssyncadd.s32 $0xFFFFE000  }
0x43: {  	[tilespmem:s21], [sflag:$0x5] =	stream.linear.gather [spmem:s12], $0x2000, $0x38;
	[tilespmem:$0x19E00] =	vst v63  }
0x44: {  	s1 =	sadd.s32 $0x1, s1;
	_ =	swait.ge [sflag:s22], $0x2000  }
0x45: {  	p1 =	sne.s32 s1, s20;
	[sflag:s22] =	ssyncset.done $0x0  }
.Ltmp1:
0x46: {  	s23 =	sadd.s32 s7, s19;
	[sflag:s22] =	ssyncadd.s32 $0xFFFFE000;
	(pc) =	sbr.rel @!p1 .LBB2_11-.Ltmp1, $4  }
0x47: {  	[hbm4b:s23+s4] =	stream.linear.scatter [tilespmem:s21], [sflag:$0x5], $0x2000, $0x38;
	[tilespmem:$0x19E00] =	vst v63  }
0x48: {  	_ =	swait.ge [sflag:s22], $0x2000  }
0x49: {  	[sflag:s22] =	ssyncset.done $0x0  }
0x4a: {  	[sflag:s22] =	ssyncadd.s32 $0xFFFFE000  }
.LBB2_1:
0x4b: {  	s23 =	simm.s32 $0x100;
	s7 =	simm.s32 $0x0  }
.LBB2_2:
0x4c: {  	p1 =	sne.s32 s23, $0x7F00;
	[tilespmem:s7+$0xDE30] =	vst v0;
	s0 =	smov.u32 s23;
	s23 =	sadd.s32 $0x100, s23  }
.Ltmp2:
0x4d: {  	[tilespmem:s7+$0xDE20] =	vst v0;
	(pc) =	sbr.rel @p1 .LBB2_2-.Ltmp2, $3  }
0x4e: {  	[tilespmem:s7+$0xDE00] =	vst v0  }
0x4f: {  	[tilespmem:s7+$0xDE10] =	vst v0;
	_ =	sdelay $0x1  }
0x50: {  	s7 =	sshra.s32 s0, $0x2  }
0x51: {  	[tilespmem:s7+$0xDE30] =	vst v0  }
0x52: {  	[tilespmem:s7+$0xDE20] =	vst v0  }
0x53: {  	[tilespmem:s7+$0xDE00] =	vst v0  }
0x54: {  	[tilespmem:s7+$0xDE10] =	vst v0  }
0x55: {  	[spmem:s8] =	stream.linear.scatter [tilespmem:s21], [sflag:$0x5], $0x2000, $0x38;
	[tilespmem:$0x19E00] =	vst v63  }
0x56: {  	_ =	swait.ge [sflag:s22], $0x2000  }
0x57: {  	[sflag:s22] =	ssyncset.done $0x0  }
0x58: {  	[sflag:s22] =	ssyncadd.s32 $0xFFFFE000  }
0x59: {  	[spmem:s9] =	stream.linear.scatter [tilespmem:s21], [sflag:$0x5], $0x2000, $0x38;
	[tilespmem:$0x19E00] =	vst v63  }
0x5a: {  	_ =	swait.ge [sflag:s22], $0x2000  }
0x5b: {  	[sflag:s22] =	ssyncset.done $0x0  }
0x5c: {  	[sflag:s22] =	ssyncadd.s32 $0xFFFFE000  }
0x5d: {  	[spmem:s10] =	stream.linear.scatter [tilespmem:s21], [sflag:$0x5], $0x2000, $0x38;
	[tilespmem:$0x19E00] =	vst v63  }
0x5e: {  	_ =	swait.ge [sflag:s22], $0x2000  }
0x5f: {  	[sflag:s22] =	ssyncset.done $0x0  }
0x60: {  	[sflag:s22] =	ssyncadd.s32 $0xFFFFE000  }
0x61: {  	[spmem:s11] =	stream.linear.scatter [tilespmem:s21], [sflag:$0x5], $0x2000, $0x38;
	[tilespmem:$0x19E00] =	vst v63  }
0x62: {  	_ =	swait.ge [sflag:s22], $0x2000  }
0x63: {  	[sflag:s22] =	ssyncset.done $0x0  }
0x64: {  	[sflag:s22] =	ssyncadd.s32 $0xFFFFE000  }
0x65: {  	[spmem:s12] =	stream.linear.scatter [tilespmem:s21], [sflag:$0x5], $0x2000, $0x38;
	[tilespmem:$0x19E00] =	vst v63  }
0x66: {  	_ =	swait.ge [sflag:s22], $0x2000  }
0x67: {  	[sflag:s22] =	ssyncset.done $0x0  }
0x68: {  	[sflag:s22] =	ssyncadd.s32 $0xFFFFE000  }
0x69: {  	[tilespmem:s4], [sflag:$0x5] =	stream.linear.gather [hbm4b:s13+s4], $0x4F00, $0x38;
	[tilespmem:$0x19E00] =	vst v63  }
0x6a: {  	_ =	swait.ge [sflag:s22], $0x4F00  }
0x6b: {  	[sflag:s22] =	ssyncset.done $0x0  }
0x6c: {  	s0 =	simm.s32 $0x4F00;
	[sflag:s22] =	ssyncadd.s32 $0xFFFFB100  }
0x6d: {  	[tilespmem:s0], [sflag:$0x5] =	stream.linear.gather [hbm4b:s14+s4], $0x4F00, $0x38;
	[tilespmem:$0x19E00] =	vst v63  }
.Ltmp3:
0x6e: {  	_ =	swait.ge [sflag:s22], $0x4F00;
	(pc) =	sbr.rel @p0 .LBB2_7-.Ltmp3, $4  }
0x6f: {  	[sflag:s22] =	ssyncset.done $0x0  }
0x70: {  	[sflag:s22] =	ssyncadd.s32 $0xFFFFB100  }
0x71: {  	[bflag:$0x0] =	sbarrier.arrive $0xFFFF  }
0x72: {  	s0 =	simm.s32 $0x0  }
0x73: {  	[tilespmem:s25], [sflag:$0x1] =	stream.indirect.gather [hbm4b:s5+s24], $0x40, s0, s24, $0xb8;
	[tilespmem:$0x19E00] =	vst v63  }
0x74: {  	_ = 	snop  }
0x75: {  	[tilespmem:s26], [sflag:$0x2] =	stream.indirect.gather [hbm4b:s5+s24], $0x40, s24, s24, $0xb8;
	[tilespmem:$0x19E00] =	vst v63  }
0x76: {  	_ =	swait.ge [sflag:s28], $0x2000  }
0x77: {  	[sflag:s28] =	ssyncset.done $0x0  }
0x78: {  	s23 =	simm.s32 $0x4F00;
	[sflag:s28] =	ssyncadd.s32 $0xFFFFE000  }
0x79: {  	[spmem:s3] =	stream.indirect.scatter.add.f32 [tilespmem:s25], [sflag:$0x3], $0x40, s23, s24, $0xb8;
	[tilespmem:$0x19E00] =	vst v63  }
0x7a: {  	_ =	swait.ge [sflag:s29], $0x2000  }
0x7b: {  	[sflag:s29] =	ssyncset.done $0x0  }
0x7c: {  	s7 =	simm.s32 $0x4F80;
	[sflag:s29] =	ssyncadd.s32 $0xFFFFE000  }
0x7d: {  	[spmem:s3] =	stream.indirect.scatter.add.f32 [tilespmem:s26], [sflag:$0x4], $0x40, s7, s24, $0xb8;
	[tilespmem:$0x19E00] =	vst v63  }
0x7e: {  	_ =	swait.ge [sflag:s30], $0x2000  }
0x7f: {  	[sflag:s30] =	ssyncset.done $0x0  }
0x80: {  	s23 =	simm.s32 $0x100;
	[sflag:s30] =	ssyncadd.s32 $0xFFFFE000  }
0x81: {  	[tilespmem:s25], [sflag:$0x1] =	stream.indirect.gather [hbm4b:s5+s24], $0x40, s23, s24, $0xb8;
	[tilespmem:$0x19E00] =	vst v63  }
0x82: {  	_ =	swait.ge [sflag:s31], $0x2000  }
0x83: {  	[sflag:s31] =	ssyncset.done $0x0  }
0x84: {  	s7 =	simm.s32 $0x400;
	s23 =	simm.s32 $0x180;
	[sflag:s31] =	ssyncadd.s32 $0xFFFFE000  }
.LBB2_5:
0x85: {  	[tilespmem:s26], [sflag:$0x2] =	stream.indirect.gather [hbm4b:s5+s24], $0x40, s23, s24, $0xb8;
	[tilespmem:$0x19E00] =	vst v63  }
0x86: {  	s0 =	smov.u32 s7  }
0x87: {  	p1 =	seq.s32 s7, $0x13400;
	s7 =	sadd.s32 $0x400, s7;
	_ =	swait.ge [sflag:s28], $0x2000  }
0x88: {  	s0 =	sshra.s32 s0, $0x2;
	[sflag:s28] =	ssyncset.done $0x0  }
0x89: {  	s23 =	sadd.s32 $0x4F00, s0;
	[sflag:s28] =	ssyncadd.s32 $0xFFFFE000  }
0x8a: {  	[spmem:s3] =	stream.indirect.scatter.add.f32 [tilespmem:s25], [sflag:$0x3], $0x40, s23, s24, $0xb8;
	[tilespmem:$0x19E00] =	vst v63  }
0x8b: {  	_ =	swait.ge [sflag:s29], $0x2000  }
0x8c: {  	[sflag:s29] =	ssyncset.done $0x0  }
0x8d: {  	s23 =	sadd.s32 $0x4F80, s0;
	[sflag:s29] =	ssyncadd.s32 $0xFFFFE000  }
0x8e: {  	[spmem:s3] =	stream.indirect.scatter.add.f32 [tilespmem:s26], [sflag:$0x4], $0x40, s23, s24, $0xb8;
	[tilespmem:$0x19E00] =	vst v63  }
0x8f: {  	_ =	swait.ge [sflag:s30], $0x2000  }
0x90: {  	[sflag:s30] =	ssyncset.done $0x0  }
.Ltmp4:
0x91: {  	s23 =	sadd.s32 $0x100, s0;
	[sflag:s30] =	ssyncadd.s32 $0xFFFFE000;
	(pc) =	sbr.rel @!p1 .LBB2_5-.Ltmp4, $4  }
0x92: {  	[tilespmem:s25], [sflag:$0x1] =	stream.indirect.gather [hbm4b:s5+s24], $0x40, s23, s24, $0xb8;
	[tilespmem:$0x19E00] =	vst v63  }
0x93: {  	_ =	swait.ge [sflag:s31], $0x2000  }
0x94: {  	[sflag:s31] =	ssyncset.done $0x0  }
0x95: {  	s23 =	sadd.s32 $0x180, s0;
	[sflag:s31] =	ssyncadd.s32 $0xFFFFE000  }
.Ltmp5:
0x96: {  	(pc) =	sbr.rel .LBB2_10-.Ltmp5, $3  }
0x97: {  	_ =	sdelay $0x1  }
0x98: {  	[tilespmem:s26], [sflag:$0x2] =	stream.indirect.gather [hbm4b:s5+s24], $0x40, s23, s24, $0xb8;
	[tilespmem:$0x19E00] =	vst v63  }
0x99: {  	s7 =	rddreg [dreg:$0x1]  }
.LBB2_7:
0x9a: {  	[tilespmem:s25], [sflag:$0x1] =	stream.indirect.gather [hbm4b:s6+s24], $0x40, s0, s24, $0xb8;
	[tilespmem:$0x19E00] =	vst v63  }
0x9b: {  	_ = 	snop  }
0x9c: {  	[tilespmem:s26], [sflag:$0x2] =	stream.indirect.gather [hbm4b:s6+s24], $0x40, s24, s24, $0xb8;
	[tilespmem:$0x19E00] =	vst v63  }
0x9d: {  	_ =	swait.ge [sflag:s28], $0x2000  }
0x9e: {  	[sflag:s28] =	ssyncset.done $0x0  }
0x9f: {  	s23 =	simm.s32 $0x4F00;
	[sflag:s28] =	ssyncadd.s32 $0xFFFFE000  }
0xa0: {  	[spmem:s3] =	stream.indirect.scatter.add.f32 [tilespmem:s25], [sflag:$0x3], $0x40, s23, s24, $0xb8;
	[tilespmem:$0x19E00] =	vst v63  }
0xa1: {  	_ =	swait.ge [sflag:s29], $0x2000  }
0xa2: {  	[sflag:s29] =	ssyncset.done $0x0  }
0xa3: {  	s7 =	simm.s32 $0x4F80;
	[sflag:s29] =	ssyncadd.s32 $0xFFFFE000  }
0xa4: {  	[spmem:s3] =	stream.indirect.scatter.add.f32 [tilespmem:s26], [sflag:$0x4], $0x40, s7, s24, $0xb8;
	[tilespmem:$0x19E00] =	vst v63  }
0xa5: {  	_ =	swait.ge [sflag:s30], $0x2000  }
0xa6: {  	[sflag:s30] =	ssyncset.done $0x0  }
0xa7: {  	s23 =	simm.s32 $0x100;
	[sflag:s30] =	ssyncadd.s32 $0xFFFFE000  }
0xa8: {  	[tilespmem:s25], [sflag:$0x1] =	stream.indirect.gather [hbm4b:s6+s24], $0x40, s23, s24, $0xb8;
	[tilespmem:$0x19E00] =	vst v63  }
0xa9: {  	_ =	swait.ge [sflag:s31], $0x2000  }
0xaa: {  	[sflag:s31] =	ssyncset.done $0x0  }
0xab: {  	s7 =	simm.s32 $0x400;
	s23 =	simm.s32 $0x180;
	[sflag:s31] =	ssyncadd.s32 $0xFFFFE000  }
.LBB2_8:
0xac: {  	[tilespmem:s26], [sflag:$0x2] =	stream.indirect.gather [hbm4b:s6+s24], $0x40, s23, s24, $0xb8;
	[tilespmem:$0x19E00] =	vst v63  }
0xad: {  	s0 =	smov.u32 s7  }
0xae: {  	p1 =	sne.s32 s7, $0x13400;
	s7 =	sadd.s32 $0x400, s7;
	_ =	swait.ge [sflag:s28], $0x2000  }
0xaf: {  	s0 =	sshra.s32 s0, $0x2;
	[sflag:s28] =	ssyncset.done $0x0  }
0xb0: {  	s23 =	sadd.s32 $0x4F00, s0;
	[sflag:s28] =	ssyncadd.s32 $0xFFFFE000  }
0xb1: {  	[spmem:s3] =	stream.indirect.scatter.add.f32 [tilespmem:s25], [sflag:$0x3], $0x40, s23, s24, $0xb8;
	[tilespmem:$0x19E00] =	vst v63  }
0xb2: {  	_ =	swait.ge [sflag:s29], $0x2000  }
0xb3: {  	[sflag:s29] =	ssyncset.done $0x0  }
0xb4: {  	s23 =	sadd.s32 $0x4F80, s0;
	[sflag:s29] =	ssyncadd.s32 $0xFFFFE000  }
0xb5: {  	[spmem:s3] =	stream.indirect.scatter.add.f32 [tilespmem:s26], [sflag:$0x4], $0x40, s23, s24, $0xb8;
	[tilespmem:$0x19E00] =	vst v63  }
0xb6: {  	_ =	swait.ge [sflag:s30], $0x2000  }
0xb7: {  	[sflag:s30] =	ssyncset.done $0x0  }
.Ltmp6:
0xb8: {  	s23 =	sadd.s32 $0x100, s0;
	[sflag:s30] =	ssyncadd.s32 $0xFFFFE000;
	(pc) =	sbr.rel @p1 .LBB2_8-.Ltmp6, $4  }
0xb9: {  	[tilespmem:s25], [sflag:$0x1] =	stream.indirect.gather [hbm4b:s6+s24], $0x40, s23, s24, $0xb8;
	[tilespmem:$0x19E00] =	vst v63  }
0xba: {  	_ =	swait.ge [sflag:s31], $0x2000  }
0xbb: {  	[sflag:s31] =	ssyncset.done $0x0  }
0xbc: {  	s23 =	sadd.s32 $0x180, s0;
	[sflag:s31] =	ssyncadd.s32 $0xFFFFE000  }
.Ltmp7:
0xbd: {  	_ = 	snop;
	(pc) =	sbr.rel .LBB2_9-.Ltmp7, $1  }
0xbe: {  	_ =	sdelay $0x3  }
.LBB2_11:
0xbf: {  	_ =	sfence.sel $0x180000  }
0xc0: {  	[bflag:$0x0] =	sbarrier.arrive $0xFFFF  }
0xc1: {  	_ =	strace $0x9000004A  }
0xc2: {  	s0 =	stileid.u32;
	[bflag:$0x2] =	sbarrier.arrive $0xFFFF  }
0xc3: {  	p0 =	sne.s32 s0, $0x0;
	s0 =	rddreg [dreg:$0x3]  }
0xc4: {  	s0 =	sadd.s32 @!p0 $0x100000, s0  }
0xc5: {  	[sflag:s0] =	ssyncadd.tile.s32 @!p0 $0x1;
	_ =	shalt  }
.Lfunc_end2:
_tile_overlayer_lowered:
.L_overlay_start_2:
0xc6: {  	(tag) =	ssettag $0x2  }
0xc7: {  	s0 =	rddreg [dreg:$0x0];
	s2 =	stileid.u32  }
0xc8: {  	s1 =	rddreg [dreg:$0x1];
	p0 =	sne.s32 s2, $0x0  }
0xc9: {  	s3 =	rddreg [dreg:$0x2];
	[bflag:$0x3] =	sbarrier.arrive $0xFFFF;
	s2 =	simm.s32 @!p0 $0x1C05  }
0xca: {  	[timem:s3], [sflag:s2] =	dma.local @!p0 [hbm:s0], s1  }
0xcb: {  	s0 =	simm.s32 @!p0 $0x5  }
0xcc: {  	_ =	swait.ge @!p0 [sflag:s0], s1  }
0xcd: {  	s1 =	ssub.s32 @!p0 $0x0, s1;
	[sflag:s0] =	ssyncset.done @!p0 $0x0  }
0xce: {  	[sflag:s0] =	ssyncadd.s32 @!p0 s1  }
0xcf: {  	[bflag:$0x3] =	sbarrier.arrive $0xFFFF  }
0xd0: {  	_ =	shalt  }

</sc_bundles>
